<compile_context>
chip_gen: v7x
topology: tpu7x:2x2x1
jax: 0.10.2.dev20260603
libtpu: 0.0.44.dev20260713+nightly
codegen_flags: <defaults>
</compile_context>

<pallas_src>
import functools

import jax
import jax.numpy as jnp
from jax import lax
from jax.experimental import pallas as pl
from jax.experimental.pallas import tpu as pltpu
from jax.experimental.pallas import tpu_sc as plsc

B = 1024
NC = 2
NS = 16
LANES = 16
NT = NC * NS
TC_BLK = 8192


def _round_up(x, m):
    return (x + m - 1) // m * m


def _make_sc_scatter(cnt):
    chunks = cnt // LANES
    mesh = plsc.VectorSubcoreMesh(core_axis_name="c", subcore_axis_name="s")

    @functools.partial(
        pl.kernel,
        mesh=mesh,
        compiler_params=pltpu.CompilerParams(
            use_tc_tiling_on_sc=False, needs_layout_passes=False),
        out_type=jax.ShapeDtypeStruct((NC, 4 * B), jnp.float32),
        scratch_types=[
            pltpu.VMEM((cnt + 2 * LANES,), jnp.int32),
            pltpu.VMEM((cnt,), jnp.float32),
            pltpu.VMEM((cnt,), jnp.float32),
            pltpu.VMEM((cnt,), jnp.float32),
            pltpu.VMEM((cnt,), jnp.float32),
            pltpu.VMEM((8 * LANES,), jnp.float32),
            pltpu.VMEM((4 * B,), jnp.float32),
            pltpu.VMEM((NS, 4 * B // NS), jnp.float32),
            pltpu.VMEM((4 * B // NS,), jnp.float32),
            pltpu.VMEM_SHARED((NS, 4 * B), jnp.float32),
            pltpu.SemaphoreType.DMA,
        ],
    )
    def sc_scatter(ids_hbm, q_hbm, x_hbm, y_hbm, z_hbm, out_hbm,
                   ids_v, v0, v1, v2, v3, ep8, acc, slab, res, shared, sem):
        c = lax.axis_index("c")
        s = lax.axis_index("s")
        wid = c * NS + s
        base = wid * cnt

        cps = [
            pltpu.async_copy(ids_hbm.at[pl.ds(base, cnt)],
                             ids_v.at[pl.ds(LANES, cnt)], sem),
            pltpu.async_copy(q_hbm.at[pl.ds(base, cnt)], v0, sem),
            pltpu.async_copy(x_hbm.at[pl.ds(base, cnt)], v1, sem),
            pltpu.async_copy(y_hbm.at[pl.ds(base, cnt)], v2, sem),
            pltpu.async_copy(z_hbm.at[pl.ds(base, cnt)], v3, sem),
        ]

        zeros16 = jnp.zeros((LANES,), jnp.float32)

        def zero_body(i, _):
            o = i * 8 * LANES
            for u in range(8):
                acc[pl.ds(o + u * LANES, LANES)] = zeros16
            return 0

        lax.fori_loop(0, 4 * B // (8 * LANES), zero_body, 0)
        for cp in cps:
            cp.wait()

        iot = lax.iota(jnp.int32, LANES)

        def chunk(o, epo):
            ids16 = ids_v[pl.ds(o + LANES, LANES)]
            prv = ids_v[pl.ds(o + LANES - 1, LANES)]
            nxt = ids_v[pl.ds(o + LANES + 1, LANES)]
            sm = (iot == 0) | (ids16 != prv)
            em = (iot == LANES - 1) | (ids16 != nxt)
            st = plsc.cummax(jnp.where(sm, iot, 0))
            idx4 = ids16 * 4
            for comp, vref in enumerate((v0, v1, v2, v3)):
                v = vref[pl.ds(o, LANES)]
                cs = plsc.cumsum(v)
                ep8[pl.ds(epo + comp * LANES, LANES)] = cs - v
                pb = plsc.load_gather(ep8, [epo + comp * LANES + st])
                plsc.addupdate_scatter(acc, [idx4 + comp], cs - pb, mask=em)

        def body(i, _):
            o = i * 2 * LANES
            chunk(o, 0)
            chunk(o + LANES, 4 * LANES)
            return 0

        lax.fori_loop(0, chunks // 2, body, 0)

        pltpu.sync_copy(acc, shared.at[s])
        plsc.subcore_barrier()
        cols = 4 * B // NS
        col0 = s * cols
        pltpu.sync_copy(shared.at[:, pl.ds(col0, cols)], slab)

        def red_body(j, _):
            off = j * LANES
            a = slab[0, pl.ds(off, LANES)]
            for k in range(1, NS):
                a = a + slab[k, pl.ds(off, LANES)]
            res[pl.ds(off, LANES)] = a
            return 0

        lax.fori_loop(0, cols // LANES, red_body, 0)
        pltpu.sync_copy(res, out_hbm.at[c, pl.ds(col0, cols)])

    return sc_scatter


def _tc_half_body(n_valid, lo, p1_ref, xyzt_ref, w_ref, b_ref,
                  oq, ox, oy, oz):
    i = pl.program_id(0)
    q = lax.dot_general(
        w_ref[...], p1_ref[...], (((1,), (1,)), ((), ())),
        preferred_element_type=jnp.float32,
    ) + b_ref[0, 0]
    col = lo + i * TC_BLK + lax.broadcasted_iota(jnp.int32, (1, TC_BLK), 1)
    valid = col < n_valid
    q = jnp.where(valid, q, 0.0)
    qd = jnp.where(valid, xyzt_ref[...] * q, 0.0)
    oq[...] = q[0]
    ox[...] = qd[0]
    oy[...] = qd[1]
    oz[...] = qd[2]


def kernel(atom_batch, p1, xyz, W, b):
    n, d = p1.shape
    cnt = _round_up(-(-n // NT), 2 * LANES)
    npad = NT * cnt
    nblk = -(-npad // TC_BLK)

    ids32 = atom_batch.astype(jnp.int32)
    ids_pad = jnp.concatenate(
        [ids32, jnp.full((npad - n,), B - 1, jnp.int32)])
    xyz_t = xyz.T
    b2 = b.reshape(1, 1)

    def tc_call(blk_off, nblk_h, out_len, body):
        vec = jax.ShapeDtypeStruct((out_len,), jnp.float32)
        return pl.pallas_call(
            body,
            grid=(nblk_h,),
            in_specs=[
                pl.BlockSpec((TC_BLK, d), lambda i: (i + blk_off, 0)),
                pl.BlockSpec((3, TC_BLK), lambda i: (0, i + blk_off)),
                pl.BlockSpec((1, d), lambda i: (0, 0)),
                pl.BlockSpec((1, 1), lambda i: (0, 0)),
            ],
            out_specs=[pl.BlockSpec((TC_BLK,), lambda i: (i,))] * 4,
            out_shape=[vec] * 4,
        )(p1, xyz_t, W, b2)

    s0 = (nblk * 2) // 5
    sizes = [s0, s0, nblk - 2 * s0]
    partials = []
    off = 0
    for nb in sizes:
        lo = off * TC_BLK
        out_len = min(nb * TC_BLK, npad - lo)
        outs = tc_call(off, nb, out_len,
                       functools.partial(_tc_half_body, n, lo))
        partials.append(
            _make_sc_scatter(out_len // NT)(ids_pad[lo:lo + out_len], *outs))
        off += nb
    tot = functools.reduce(
        lambda a, x: a + x[0] + x[1], partials,
        jnp.zeros((4 * B,), jnp.float32)).reshape(B, 4)
    return tot[:, 0], tot[:, 1:4]

# --- scband reference (transcript-rebuilt; emitter-appended) ---
"""Pipeline reference for scband-dipole-ac-12386685681726 (READ-ONLY COPY).

The authoritative reference and input builder live on the scoring server;
editing this copy changes nothing except your own understanding.
"""

import jax, jax.numpy as jnp
import numpy as np

N = 160000
D = 256
B = 1024

def setup_inputs(seed: int = 0) -> dict:
    key = jax.random.key(seed)
    k1, k2, k3, k4, k5 = jax.random.split(key, 5)
    atom_batch = jnp.sort(jax.random.randint(k1, (N,), 0, B)).astype(jnp.int64)
    p1 = jax.random.normal(k2, (N, D), dtype=jnp.float32)
    xyz = jax.random.normal(k3, (N, 3), dtype=jnp.float32)
    # LazyLinear(1) parameters: weight [1, D], bias [1]
    bound = 1.0 / np.sqrt(D)
    W = jax.random.uniform(k4, (1, D), minval=-bound, maxval=bound, dtype=jnp.float32)
    b = jax.random.uniform(k5, (1,), minval=-bound, maxval=bound, dtype=jnp.float32)
    return {"atom_batch": atom_batch, "p1": p1, "xyz": xyz, "W": W, "b": b}

def reference(atom_batch, p1, xyz, W, b):
    # p1 = self.layer(p1).squeeze()  -> per-atom scalar charge [N]
    q = (p1 @ W.T + b).squeeze(-1)
    # q_batch = batch_add(p1, atom_batch): segment-sum of charges per molecule [B]
    q_batch = jax.ops.segment_sum(q, atom_batch, num_segments=B)
    # q_d = p1 * xyz : per-atom dipole contribution [N, 3]
    q_d = q[:, None] * xyz
    # dipole = index_add(zeros, 0, atom_batch, q_d): per-molecule dipole [B, 3]
    dipole = jax.ops.segment_sum(q_d, atom_batch, num_segments=B)
    return (q_batch, dipole)

if __name__ == "__main__":
    import jax
    _d = setup_inputs()
    print(jax.jit(kernel)(*tuple(_d.values())))

</pallas_src>

<mosaic_0001>
#map = affine_map<(d0, d1) -> (0)>
#map1 = affine_map<(d0, d1) -> (0, 0)>
module attributes {stable_mosaic.version = 14 : i64} {
  func.func @sc_scatter(%arg0: i32, %arg1: i32, %arg2: memref<65536xi32, #tpu.memory_space<hbm>>, %arg3: memref<65536xf32, #tpu.memory_space<hbm>>, %arg4: memref<65536xf32, #tpu.memory_space<hbm>>, %arg5: memref<65536xf32, #tpu.memory_space<hbm>>, %arg6: memref<65536xf32, #tpu.memory_space<hbm>>, %arg7: memref<2x4096xf32, #tpu.memory_space<hbm>>, %arg8: memref<2080xi32, #tpu.memory_space<vmem>>, %arg9: memref<2048xf32, #tpu.memory_space<vmem>>, %arg10: memref<2048xf32, #tpu.memory_space<vmem>>, %arg11: memref<2048xf32, #tpu.memory_space<vmem>>, %arg12: memref<2048xf32, #tpu.memory_space<vmem>>, %arg13: memref<128xf32, #tpu.memory_space<vmem>>, %arg14: memref<4096xf32, #tpu.memory_space<vmem>>, %arg15: memref<16x256xf32, #tpu.memory_space<vmem>>, %arg16: memref<256xf32, #tpu.memory_space<vmem>>, %arg17: memref<16x4096xf32, #tpu.memory_space<vmem_shared>>, %arg18: memref<!tpu.dma_semaphore, #tpu.memory_space<semaphore_mem>>) attributes {dimension_semantics = [#tpu.dimension_semantics<core_parallel>, #tpu.dimension_semantics<subcore_parallel>], iteration_bounds = array<i64: 2, 16>, scalar_prefetch = 0 : i64, scratch_operands = 11 : i64, tpu.core_type = #tpu.core_type<sc_vector_subcore>, window_params = [{transform_indices = #map}, {transform_indices = #map}, {transform_indices = #map}, {transform_indices = #map}, {transform_indices = #map}, {transform_indices = #map1}]} {
    %mul3A = arith.constant 16 : i32
    %mul3A_0 = arith.muli %arg0, %mul3A : i32
    %add3A = arith.addi %mul3A_0, %arg1 : i32
    %mul3A_1 = arith.constant 2048 : i32
    %mul3A_2 = arith.muli %add3A, %mul3A_1 : i32
    %dma_start3A = arith.constant 16 : i32
    %dma_start3A_3 = tpu.memref_slice %arg8[%dma_start3A] : memref<2080xi32, #tpu.memory_space<vmem>> -> memref<2048xi32, #tpu.memory_space<vmem>>
    %dma_start3A_4 = tpu.memref_slice %arg2[%mul3A_2] : memref<65536xi32, #tpu.memory_space<hbm>> -> memref<2048xi32, #tpu.memory_space<hbm>>
    %dma_start3A_5 = arith.constant 16 : i32
    %dma_start3A_6 = tpu.memref_slice %arg8[%dma_start3A_5] : memref<2080xi32, #tpu.memory_space<vmem>> -> memref<2048xi32, #tpu.memory_space<vmem>>
    %dma_start3A_7 = tpu.memref_slice %arg2[%mul3A_2] : memref<65536xi32, #tpu.memory_space<hbm>> -> memref<2048xi32, #tpu.memory_space<hbm>>
    tpu.enqueue_dma source(%dma_start3A_7 : memref<2048xi32, #tpu.memory_space<hbm>>) target(%dma_start3A_6 : memref<2048xi32, #tpu.memory_space<vmem>>) target_semaphore(%arg18 : memref<!tpu.dma_semaphore, #tpu.memory_space<semaphore_mem>>)
    %dma_start3A_8 = tpu.memref_slice %arg3[%mul3A_2] : memref<65536xf32, #tpu.memory_space<hbm>> -> memref<2048xf32, #tpu.memory_space<hbm>>
    %dma_start3A_9 = tpu.memref_slice %arg3[%mul3A_2] : memref<65536xf32, #tpu.memory_space<hbm>> -> memref<2048xf32, #tpu.memory_space<hbm>>
    tpu.enqueue_dma source(%dma_start3A_9 : memref<2048xf32, #tpu.memory_space<hbm>>) target(%arg9 : memref<2048xf32, #tpu.memory_space<vmem>>) target_semaphore(%arg18 : memref<!tpu.dma_semaphore, #tpu.memory_space<semaphore_mem>>)
    %dma_start3A_10 = tpu.memref_slice %arg4[%mul3A_2] : memref<65536xf32, #tpu.memory_space<hbm>> -> memref<2048xf32, #tpu.memory_space<hbm>>
    %dma_start3A_11 = tpu.memref_slice %arg4[%mul3A_2] : memref<65536xf32, #tpu.memory_space<hbm>> -> memref<2048xf32, #tpu.memory_space<hbm>>
    tpu.enqueue_dma source(%dma_start3A_11 : memref<2048xf32, #tpu.memory_space<hbm>>) target(%arg10 : memref<2048xf32, #tpu.memory_space<vmem>>) target_semaphore(%arg18 : memref<!tpu.dma_semaphore, #tpu.memory_space<semaphore_mem>>)
    %dma_start3A_12 = tpu.memref_slice %arg5[%mul3A_2] : memref<65536xf32, #tpu.memory_space<hbm>> -> memref<2048xf32, #tpu.memory_space<hbm>>
    %dma_start3A_13 = tpu.memref_slice %arg5[%mul3A_2] : memref<65536xf32, #tpu.memory_space<hbm>> -> memref<2048xf32, #tpu.memory_space<hbm>>
    tpu.enqueue_dma source(%dma_start3A_13 : memref<2048xf32, #tpu.memory_space<hbm>>) target(%arg11 : memref<2048xf32, #tpu.memory_space<vmem>>) target_semaphore(%arg18 : memref<!tpu.dma_semaphore, #tpu.memory_space<semaphore_mem>>)
    %dma_start3A_14 = tpu.memref_slice %arg6[%mul3A_2] : memref<65536xf32, #tpu.memory_space<hbm>> -> memref<2048xf32, #tpu.memory_space<hbm>>
    %dma_start3A_15 = tpu.memref_slice %arg6[%mul3A_2] : memref<65536xf32, #tpu.memory_space<hbm>> -> memref<2048xf32, #tpu.memory_space<hbm>>
    tpu.enqueue_dma source(%dma_start3A_15 : memref<2048xf32, #tpu.memory_space<hbm>>) target(%arg12 : memref<2048xf32, #tpu.memory_space<vmem>>) target_semaphore(%arg18 : memref<!tpu.dma_semaphore, #tpu.memory_space<semaphore_mem>>)
    %broadcast_in_dim3A = arith.constant 0.000000e+00 : f32
    %broadcast_in_dim3A_16 = vector.broadcast %broadcast_in_dim3A : f32 to vector<16xf32>
    %scan3A = arith.constant 0 : i32
    %scan3A_17 = arith.constant 0 : i32
    %scan3A_18 = arith.constant 32 : i32
    %scan3A_19 = arith.addi %scan3A_17, %scan3A_18 : i32
    %scan3A_20 = arith.constant 1 : i32
    %scan3A_21 = scf.for %scan3A_52 = %scan3A_17 to %scan3A_19 step %scan3A_20 iter_args(%scan3A_53 = %scan3A) -> (i32)  : i32 {
      %mul3A_54 = arith.constant 8 : i32
      %mul3A_55 = arith.muli %scan3A_52, %mul3A_54 : i32
      %mul3A_56 = arith.constant 16 : i32
      %mul3A_57 = arith.muli %mul3A_55, %mul3A_56 : i32
      %add3A_58 = arith.constant 0 : i32
      %add3A_59 = arith.addi %mul3A_57, %add3A_58 : i32
      %swap3A = arith.index_cast %add3A_59 : i32 to index
      %swap3A_60 = tpu.vector_load %arg14[%swap3A] {strides = array<i32>} : memref<4096xf32, #tpu.memory_space<vmem>>, vector<16xf32>,
      tpu.vector_store %arg14[%swap3A], %broadcast_in_dim3A_16 {strides = array<i32>} : memref<4096xf32, #tpu.memory_space<vmem>>, vector<16xf32>,
      %add3A_61 = arith.constant 16 : i32
      %add3A_62 = arith.addi %mul3A_57, %add3A_61 : i32
      %swap3A_63 = arith.index_cast %add3A_62 : i32 to index
      %swap3A_64 = tpu.vector_load %arg14[%swap3A_63] {strides = array<i32>} : memref<4096xf32, #tpu.memory_space<vmem>>, vector<16xf32>,
      tpu.vector_store %arg14[%swap3A_63], %broadcast_in_dim3A_16 {strides = array<i32>} : memref<4096xf32, #tpu.memory_space<vmem>>, vector<16xf32>,
      %add3A_65 = arith.constant 32 : i32
      %add3A_66 = arith.addi %mul3A_57, %add3A_65 : i32
      %swap3A_67 = arith.index_cast %add3A_66 : i32 to index
      %swap3A_68 = tpu.vector_load %arg14[%swap3A_67] {strides = array<i32>} : memref<4096xf32, #tpu.memory_space<vmem>>, vector<16xf32>,
      tpu.vector_store %arg14[%swap3A_67], %broadcast_in_dim3A_16 {strides = array<i32>} : memref<4096xf32, #tpu.memory_space<vmem>>, vector<16xf32>,
      %add3A_69 = arith.constant 48 : i32
      %add3A_70 = arith.addi %mul3A_57, %add3A_69 : i32
      %swap3A_71 = arith.index_cast %add3A_70 : i32 to index
      %swap3A_72 = tpu.vector_load %arg14[%swap3A_71] {strides = array<i32>} : memref<4096xf32, #tpu.memory_space<vmem>>, vector<16xf32>,
      tpu.vector_store %arg14[%swap3A_71], %broadcast_in_dim3A_16 {strides = array<i32>} : memref<4096xf32, #tpu.memory_space<vmem>>, vector<16xf32>,
      %add3A_73 = arith.constant 64 : i32
      %add3A_74 = arith.addi %mul3A_57, %add3A_73 : i32
      %swap3A_75 = arith.index_cast %add3A_74 : i32 to index
      %swap3A_76 = tpu.vector_load %arg14[%swap3A_75] {strides = array<i32>} : memref<4096xf32, #tpu.memory_space<vmem>>, vector<16xf32>,
      tpu.vector_store %arg14[%swap3A_75], %broadcast_in_dim3A_16 {strides = array<i32>} : memref<4096xf32, #tpu.memory_space<vmem>>, vector<16xf32>,
      %add3A_77 = arith.constant 80 : i32
      %add3A_78 = arith.addi %mul3A_57, %add3A_77 : i32
      %swap3A_79 = arith.index_cast %add3A_78 : i32 to index
      %swap3A_80 = tpu.vector_load %arg14[%swap3A_79] {strides = array<i32>} : memref<4096xf32, #tpu.memory_space<vmem>>, vector<16xf32>,
      tpu.vector_store %arg14[%swap3A_79], %broadcast_in_dim3A_16 {strides = array<i32>} : memref<4096xf32, #tpu.memory_space<vmem>>, vector<16xf32>,
      %add3A_81 = arith.constant 96 : i32
      %add3A_82 = arith.addi %mul3A_57, %add3A_81 : i32
      %swap3A_83 = arith.index_cast %add3A_82 : i32 to index
      %swap3A_84 = tpu.vector_load %arg14[%swap3A_83] {strides = array<i32>} : memref<4096xf32, #tpu.memory_space<vmem>>, vector<16xf32>,
      tpu.vector_store %arg14[%swap3A_83], %broadcast_in_dim3A_16 {strides = array<i32>} : memref<4096xf32, #tpu.memory_space<vmem>>, vector<16xf32>,
      %add3A_85 = arith.constant 112 : i32
      %add3A_86 = arith.addi %mul3A_57, %add3A_85 : i32
      %swap3A_87 = arith.index_cast %add3A_86 : i32 to index
      %swap3A_88 = tpu.vector_load %arg14[%swap3A_87] {strides = array<i32>} : memref<4096xf32, #tpu.memory_space<vmem>>, vector<16xf32>,
      tpu.vector_store %arg14[%swap3A_87], %broadcast_in_dim3A_16 {strides = array<i32>} : memref<4096xf32, #tpu.memory_space<vmem>>, vector<16xf32>,
      %scan3A_89 = arith.constant 0 : i32
      scf.yield %scan3A_89 : i32
    }
    %scan3A_22 = arith.constant 32 : i32
    %dma_wait3A = arith.constant 16 : i32
    %dma_wait3A_23 = tpu.memref_slice %arg8[%dma_wait3A] : memref<2080xi32, #tpu.memory_space<vmem>> -> memref<2048xi32, #tpu.memory_space<vmem>>
    %dma_wait3A_24 = tpu.memref_slice %arg2[%mul3A_2] : memref<65536xi32, #tpu.memory_space<hbm>> -> memref<2048xi32, #tpu.memory_space<hbm>>
    %dma_wait3A_25 = arith.constant 16 : i32
    %dma_wait3A_26 = tpu.memref_slice %arg8[%dma_wait3A_25] : memref<2080xi32, #tpu.memory_space<vmem>> -> memref<2048xi32, #tpu.memory_space<vmem>>
    %dma_wait3A_27 = tpu.memref_slice %arg2[%mul3A_2] : memref<65536xi32, #tpu.memory_space<hbm>> -> memref<2048xi32, #tpu.memory_space<hbm>>
    tpu.wait_dma2 semaphore(%arg18 : memref<!tpu.dma_semaphore, #tpu.memory_space<semaphore_mem>>) src(%dma_wait3A_27 : memref<2048xi32, #tpu.memory_space<hbm>>) dst(%dma_wait3A_26 : memref<2048xi32, #tpu.memory_space<vmem>>)
    %dma_wait3A_28 = tpu.memref_slice %arg3[%mul3A_2] : memref<65536xf32, #tpu.memory_space<hbm>> -> memref<2048xf32, #tpu.memory_space<hbm>>
    %dma_wait3A_29 = tpu.memref_slice %arg3[%mul3A_2] : memref<65536xf32, #tpu.memory_space<hbm>> -> memref<2048xf32, #tpu.memory_space<hbm>>
    tpu.wait_dma2 semaphore(%arg18 : memref<!tpu.dma_semaphore, #tpu.memory_space<semaphore_mem>>) src(%dma_wait3A_29 : memref<2048xf32, #tpu.memory_space<hbm>>) dst(%arg9 : memref<2048xf32, #tpu.memory_space<vmem>>)
    %dma_wait3A_30 = tpu.memref_slice %arg4[%mul3A_2] : memref<65536xf32, #tpu.memory_space<hbm>> -> memref<2048xf32, #tpu.memory_space<hbm>>
    %dma_wait3A_31 = tpu.memref_slice %arg4[%mul3A_2] : memref<65536xf32, #tpu.memory_space<hbm>> -> memref<2048xf32, #tpu.memory_space<hbm>>
    tpu.wait_dma2 semaphore(%arg18 : memref<!tpu.dma_semaphore, #tpu.memory_space<semaphore_mem>>) src(%dma_wait3A_31 : memref<2048xf32, #tpu.memory_space<hbm>>) dst(%arg10 : memref<2048xf32, #tpu.memory_space<vmem>>)
    %dma_wait3A_32 = tpu.memref_slice %arg5[%mul3A_2] : memref<65536xf32, #tpu.memory_space<hbm>> -> memref<2048xf32, #tpu.memory_space<hbm>>
    %dma_wait3A_33 = tpu.memref_slice %arg5[%mul3A_2] : memref<65536xf32, #tpu.memory_space<hbm>> -> memref<2048xf32, #tpu.memory_space<hbm>>
    tpu.wait_dma2 semaphore(%arg18 : memref<!tpu.dma_semaphore, #tpu.memory_space<semaphore_mem>>) src(%dma_wait3A_33 : memref<2048xf32, #tpu.memory_space<hbm>>) dst(%arg11 : memref<2048xf32, #tpu.memory_space<vmem>>)
    %dma_wait3A_34 = tpu.memref_slice %arg6[%mul3A_2] : memref<65536xf32, #tpu.memory_space<hbm>> -> memref<2048xf32, #tpu.memory_space<hbm>>
    %dma_wait3A_35 = tpu.memref_slice %arg6[%mul3A_2] : memref<65536xf32, #tpu.memory_space<hbm>> -> memref<2048xf32, #tpu.memory_space<hbm>>
    tpu.wait_dma2 semaphore(%arg18 : memref<!tpu.dma_semaphore, #tpu.memory_space<semaphore_mem>>) src(%dma_wait3A_35 : memref<2048xf32, #tpu.memory_space<hbm>>) dst(%arg12 : memref<2048xf32, #tpu.memory_space<vmem>>)
    %iota3A = tpu.iota {dimensions = array<i32: 0>} : vector<16xi32>
    %scan3A_36 = arith.constant 0 : i32
    %scan3A_37 = arith.constant 0 : i32
    %scan3A_38 = arith.constant 64 : i32
    %scan3A_39 = arith.addi %scan3A_37, %scan3A_38 : i32
    %scan3A_40 = arith.constant 1 : i32
    %scan3A_41 = scf.for %scan3A_52 = %scan3A_37 to %scan3A_39 step %scan3A_40 iter_args(%scan3A_53 = %scan3A_36) -> (i32)  : i32 {
      %mul3A_54 = arith.constant 2 : i32
      %mul3A_55 = arith.muli %scan3A_52, %mul3A_54 : i32
      %mul3A_56 = arith.constant 16 : i32
      %mul3A_57 = arith.muli %mul3A_55, %mul3A_56 : i32
      %add3A_58 = arith.constant 16 : i32
      %add3A_59 = arith.addi %mul3A_57, %add3A_58 : i32
      %get3A = arith.index_cast %add3A_59 : i32 to index
      %get3A_60 = tpu.vector_load %arg8[%get3A] {strides = array<i32>} : memref<2080xi32, #tpu.memory_space<vmem>>, vector<16xi32>,
      %add3A_61 = arith.constant 16 : i32
      %add3A_62 = arith.addi %mul3A_57, %add3A_61 : i32
      %sub3A = arith.constant 1 : i32
      %sub3A_63 = arith.subi %add3A_62, %sub3A : i32
      %get3A_64 = arith.index_cast %sub3A_63 : i32 to index
      %get3A_65 = tpu.vector_load %arg8[%get3A_64] {strides = array<i32>} : memref<2080xi32, #tpu.memory_space<vmem>>, vector<16xi32>,
      %add3A_66 = arith.constant 16 : i32
      %add3A_67 = arith.addi %mul3A_57, %add3A_66 : i32
      %add3A_68 = arith.constant 1 : i32
      %add3A_69 = arith.addi %add3A_67, %add3A_68 : i32
      %get3A_70 = arith.index_cast %add3A_69 : i32 to index
      %get3A_71 = tpu.vector_load %arg8[%get3A_70] {strides = array<i32>} : memref<2080xi32, #tpu.memory_space<vmem>>, vector<16xi32>,
      %eq3A = arith.constant 0 : i32
      %eq3A_72 = vector.broadcast %eq3A : i32 to vector<16xi32>
      %eq3A_73 = arith.cmpi eq, %iota3A, %eq3A_72 : vector<16xi32>
      %ne3A = arith.cmpi ne, %get3A_60, %get3A_65 : vector<16xi32>
      %or3A = arith.ori %eq3A_73, %ne3A : vector<16xi1>
      %eq3A_74 = arith.constant 15 : i32
      %eq3A_75 = vector.broadcast %eq3A_74 : i32 to vector<16xi32>
      %eq3A_76 = arith.cmpi eq, %iota3A, %eq3A_75 : vector<16xi32>
      %ne3A_77 = arith.cmpi ne, %get3A_60, %get3A_71 : vector<16xi32>
      %or3A_78 = arith.ori %eq3A_76, %ne3A_77 : vector<16xi1>
      %jit3A = arith.constant 0 : i32
      %broadcast_in_dim3A_79 = vector.broadcast %jit3A : i32 to vector<16xi32>
      %select_n3A = arith.select %or3A, %iota3A, %broadcast_in_dim3A_79 : vector<16xi1>, vector<16xi32>
      %broadcast_in_dim3A_80 = arith.constant true
      %broadcast_in_dim3A_81 = vector.broadcast %broadcast_in_dim3A_80 : i1 to vector<16xi1>
      %masked_cummax3A = arith.constant -2147483648 : i32
      %masked_cummax3A_82 = vector.broadcast %masked_cummax3A : i32 to vector<16xi32>
      %masked_cummax3A_83 = arith.xori %select_n3A, %masked_cummax3A_82 : vector<16xi32>
      %masked_cummax3A_84 = tpu.scan <max>, %masked_cummax3A_83 masked %broadcast_in_dim3A_81 : vector<16xi32>, vector<16xi1> -> vector<16xi32>
      %masked_cummax3A_85 = arith.xori %masked_cummax3A_84, %masked_cummax3A_82 : vector<16xi32>
      %mul3A_86 = arith.constant 4 : i32
      %mul3A_87 = vector.broadcast %mul3A_86 : i32 to vector<16xi32>
      %mul3A_88 = arith.muli %get3A_60, %mul3A_87 : vector<16xi32>
      %get3A_89 = arith.index_cast %mul3A_57 : i32 to index
      %get3A_90 = tpu.vector_load %arg9[%get3A_89] {strides = array<i32>} : memref<2048xf32, #tpu.memory_space<vmem>>, vector<16xf32>,
      %broadcast_in_dim3A_91 = arith.constant true
      %broadcast_in_dim3A_92 = vector.broadcast %broadcast_in_dim3A_91 : i1 to vector<16xi1>
      %masked_cumsum3A = tpu.scan <sum>, %get3A_90 masked %broadcast_in_dim3A_92 : vector<16xf32>, vector<16xi1> -> vector<16xf32>
      %sub3A_93 = arith.subf %masked_cumsum3A, %get3A_90 : vector<16xf32>
      %swap3A = arith.constant 0 : index
      %swap3A_94 = tpu.vector_load %arg13[%swap3A] {strides = array<i32>} : memref<128xf32, #tpu.memory_space<vmem>>, vector<16xf32>,
      tpu.vector_store %arg13[%swap3A], %sub3A_93 {strides = array<i32>} : memref<128xf32, #tpu.memory_space<vmem>>, vector<16xf32>,
      %add3A_95 = arith.constant 0 : i32
      %add3A_96 = vector.broadcast %add3A_95 : i32 to vector<16xi32>
      %add3A_97 = arith.addi %add3A_96, %masked_cummax3A_85 : vector<16xi32>
      %gather3A = tpu.vector_load_idx %arg13[%add3A_97] : memref<128xf32, #tpu.memory_space<vmem>>[vector<16xi32>], vector<16xf32>,
      %add3A_98 = arith.constant 0 : i32
      %add3A_99 = vector.broadcast %add3A_98 : i32 to vector<16xi32>
      %add3A_100 = arith.addi %mul3A_88, %add3A_99 : vector<16xi32>
      %sub3A_101 = arith.subf %masked_cumsum3A, %gather3A : vector<16xf32>
      tpu.vector_store_idx %arg14[%add3A_100], %sub3A_101 masked %or3A_78 {add = true} : memref<4096xf32, #tpu.memory_space<vmem>>[vector<16xi32>], vector<16xf32>, vector<16xi1>
      %get3A_102 = arith.index_cast %mul3A_57 : i32 to index
      %get3A_103 = tpu.vector_load %arg10[%get3A_102] {strides = array<i32>} : memref<2048xf32, #tpu.memory_space<vmem>>, vector<16xf32>,
      %broadcast_in_dim3A_104 = arith.constant true
      %broadcast_in_dim3A_105 = vector.broadcast %broadcast_in_dim3A_104 : i1 to vector<16xi1>
      %masked_cumsum3A_106 = tpu.scan <sum>, %get3A_103 masked %broadcast_in_dim3A_105 : vector<16xf32>, vector<16xi1> -> vector<16xf32>
      %sub3A_107 = arith.subf %masked_cumsum3A_106, %get3A_103 : vector<16xf32>
      %swap3A_108 = arith.constant 16 : index
      %swap3A_109 = tpu.vector_load %arg13[%swap3A_108] {strides = array<i32>} : memref<128xf32, #tpu.memory_space<vmem>>, vector<16xf32>,
      tpu.vector_store %arg13[%swap3A_108], %sub3A_107 {strides = array<i32>} : memref<128xf32, #tpu.memory_space<vmem>>, vector<16xf32>,
      %add3A_110 = arith.constant 16 : i32
      %add3A_111 = vector.broadcast %add3A_110 : i32 to vector<16xi32>
      %add3A_112 = arith.addi %add3A_111, %masked_cummax3A_85 : vector<16xi32>
      %gather3A_113 = tpu.vector_load_idx %arg13[%add3A_112] : memref<128xf32, #tpu.memory_space<vmem>>[vector<16xi32>], vector<16xf32>,
      %add3A_114 = arith.constant 1 : i32
      %add3A_115 = vector.broadcast %add3A_114 : i32 to vector<16xi32>
      %add3A_116 = arith.addi %mul3A_88, %add3A_115 : vector<16xi32>
      %sub3A_117 = arith.subf %masked_cumsum3A_106, %gather3A_113 : vector<16xf32>
      tpu.vector_store_idx %arg14[%add3A_116], %sub3A_117 masked %or3A_78 {add = true} : memref<4096xf32, #tpu.memory_space<vmem>>[vector<16xi32>], vector<16xf32>, vector<16xi1>
      %get3A_118 = arith.index_cast %mul3A_57 : i32 to index
      %get3A_119 = tpu.vector_load %arg11[%get3A_118] {strides = array<i32>} : memref<2048xf32, #tpu.memory_space<vmem>>, vector<16xf32>,
      %broadcast_in_dim3A_120 = arith.constant true
      %broadcast_in_dim3A_121 = vector.broadcast %broadcast_in_dim3A_120 : i1 to vector<16xi1>
      %masked_cumsum3A_122 = tpu.scan <sum>, %get3A_119 masked %broadcast_in_dim3A_121 : vector<16xf32>, vector<16xi1> -> vector<16xf32>
      %sub3A_123 = arith.subf %masked_cumsum3A_122, %get3A_119 : vector<16xf32>
      %swap3A_124 = arith.constant 32 : index
      %swap3A_125 = tpu.vector_load %arg13[%swap3A_124] {strides = array<i32>} : memref<128xf32, #tpu.memory_space<vmem>>, vector<16xf32>,
      tpu.vector_store %arg13[%swap3A_124], %sub3A_123 {strides = array<i32>} : memref<128xf32, #tpu.memory_space<vmem>>, vector<16xf32>,
      %add3A_126 = arith.constant 32 : i32
      %add3A_127 = vector.broadcast %add3A_126 : i32 to vector<16xi32>
      %add3A_128 = arith.addi %add3A_127, %masked_cummax3A_85 : vector<16xi32>
      %gather3A_129 = tpu.vector_load_idx %arg13[%add3A_128] : memref<128xf32, #tpu.memory_space<vmem>>[vector<16xi32>], vector<16xf32>,
      %add3A_130 = arith.constant 2 : i32
      %add3A_131 = vector.broadcast %add3A_130 : i32 to vector<16xi32>
      %add3A_132 = arith.addi %mul3A_88, %add3A_131 : vector<16xi32>
      %sub3A_133 = arith.subf %masked_cumsum3A_122, %gather3A_129 : vector<16xf32>
      tpu.vector_store_idx %arg14[%add3A_132], %sub3A_133 masked %or3A_78 {add = true} : memref<4096xf32, #tpu.memory_space<vmem>>[vector<16xi32>], vector<16xf32>, vector<16xi1>
      %get3A_134 = arith.index_cast %mul3A_57 : i32 to index
      %get3A_135 = tpu.vector_load %arg12[%get3A_134] {strides = array<i32>} : memref<2048xf32, #tpu.memory_space<vmem>>, vector<16xf32>,
      %broadcast_in_dim3A_136 = arith.constant true
      %broadcast_in_dim3A_137 = vector.broadcast %broadcast_in_dim3A_136 : i1 to vector<16xi1>
      %masked_cumsum3A_138 = tpu.scan <sum>, %get3A_135 masked %broadcast_in_dim3A_137 : vector<16xf32>, vector<16xi1> -> vector<16xf32>
      %sub3A_139 = arith.subf %masked_cumsum3A_138, %get3A_135 : vector<16xf32>
      %swap3A_140 = arith.constant 48 : index
      %swap3A_141 = tpu.vector_load %arg13[%swap3A_140] {strides = array<i32>} : memref<128xf32, #tpu.memory_space<vmem>>, vector<16xf32>,
      tpu.vector_store %arg13[%swap3A_140], %sub3A_139 {strides = array<i32>} : memref<128xf32, #tpu.memory_space<vmem>>, vector<16xf32>,
      %add3A_142 = arith.constant 48 : i32
      %add3A_143 = vector.broadcast %add3A_142 : i32 to vector<16xi32>
      %add3A_144 = arith.addi %add3A_143, %masked_cummax3A_85 : vector<16xi32>
      %gather3A_145 = tpu.vector_load_idx %arg13[%add3A_144] : memref<128xf32, #tpu.memory_space<vmem>>[vector<16xi32>], vector<16xf32>,
      %add3A_146 = arith.constant 3 : i32
      %add3A_147 = vector.broadcast %add3A_146 : i32 to vector<16xi32>
      %add3A_148 = arith.addi %mul3A_88, %add3A_147 : vector<16xi32>
      %sub3A_149 = arith.subf %masked_cumsum3A_138, %gather3A_145 : vector<16xf32>
      tpu.vector_store_idx %arg14[%add3A_148], %sub3A_149 masked %or3A_78 {add = true} : memref<4096xf32, #tpu.memory_space<vmem>>[vector<16xi32>], vector<16xf32>, vector<16xi1>
      %add3A_150 = arith.constant 16 : i32
      %add3A_151 = arith.addi %mul3A_57, %add3A_150 : i32
      %add3A_152 = arith.constant 16 : i32
      %add3A_153 = arith.addi %add3A_151, %add3A_152 : i32
      %get3A_154 = arith.index_cast %add3A_153 : i32 to index
      %get3A_155 = tpu.vector_load %arg8[%get3A_154] {strides = array<i32>} : memref<2080xi32, #tpu.memory_space<vmem>>, vector<16xi32>,
      %add3A_156 = arith.constant 16 : i32
      %add3A_157 = arith.addi %add3A_151, %add3A_156 : i32
      %sub3A_158 = arith.constant 1 : i32
      %sub3A_159 = arith.subi %add3A_157, %sub3A_158 : i32
      %get3A_160 = arith.index_cast %sub3A_159 : i32 to index
      %get3A_161 = tpu.vector_load %arg8[%get3A_160] {strides = array<i32>} : memref<2080xi32, #tpu.memory_space<vmem>>, vector<16xi32>,
      %add3A_162 = arith.constant 16 : i32
      %add3A_163 = arith.addi %add3A_151, %add3A_162 : i32
      %add3A_164 = arith.constant 1 : i32
      %add3A_165 = arith.addi %add3A_163, %add3A_164 : i32
      %get3A_166 = arith.index_cast %add3A_165 : i32 to index
      %get3A_167 = tpu.vector_load %arg8[%get3A_166] {strides = array<i32>} : memref<2080xi32, #tpu.memory_space<vmem>>, vector<16xi32>,
      %eq3A_168 = arith.constant 0 : i32
      %eq3A_169 = vector.broadcast %eq3A_168 : i32 to vector<16xi32>
      %eq3A_170 = arith.cmpi eq, %iota3A, %eq3A_169 : vector<16xi32>
      %ne3A_171 = arith.cmpi ne, %get3A_155, %get3A_161 : vector<16xi32>
      %or3A_172 = arith.ori %eq3A_170, %ne3A_171 : vector<16xi1>
      %eq3A_173 = arith.constant 15 : i32
      %eq3A_174 = vector.broadcast %eq3A_173 : i32 to vector<16xi32>
      %eq3A_175 = arith.cmpi eq, %iota3A, %eq3A_174 : vector<16xi32>
      %ne3A_176 = arith.cmpi ne, %get3A_155, %get3A_167 : vector<16xi32>
      %or3A_177 = arith.ori %eq3A_175, %ne3A_176 : vector<16xi1>
      %jit3A_178 = arith.constant 0 : i32
      %broadcast_in_dim3A_179 = vector.broadcast %jit3A_178 : i32 to vector<16xi32>
      %select_n3A_180 = arith.select %or3A_172, %iota3A, %broadcast_in_dim3A_179 : vector<16xi1>, vector<16xi32>
      %broadcast_in_dim3A_181 = arith.constant true
      %broadcast_in_dim3A_182 = vector.broadcast %broadcast_in_dim3A_181 : i1 to vector<16xi1>
      %masked_cummax3A_183 = arith.constant -2147483648 : i32
      %masked_cummax3A_184 = vector.broadcast %masked_cummax3A_183 : i32 to vector<16xi32>
      %masked_cummax3A_185 = arith.xori %select_n3A_180, %masked_cummax3A_184 : vector<16xi32>
      %masked_cummax3A_186 = tpu.scan <max>, %masked_cummax3A_185 masked %broadcast_in_dim3A_182 : vector<16xi32>, vector<16xi1> -> vector<16xi32>
      %masked_cummax3A_187 = arith.xori %masked_cummax3A_186, %masked_cummax3A_184 : vector<16xi32>
      %mul3A_188 = arith.constant 4 : i32
      %mul3A_189 = vector.broadcast %mul3A_188 : i32 to vector<16xi32>
      %mul3A_190 = arith.muli %get3A_155, %mul3A_189 : vector<16xi32>
      %get3A_191 = arith.index_cast %add3A_151 : i32 to index
      %get3A_192 = tpu.vector_load %arg9[%get3A_191] {strides = array<i32>} : memref<2048xf32, #tpu.memory_space<vmem>>, vector<16xf32>,
      %broadcast_in_dim3A_193 = arith.constant true
      %broadcast_in_dim3A_194 = vector.broadcast %broadcast_in_dim3A_193 : i1 to vector<16xi1>
      %masked_cumsum3A_195 = tpu.scan <sum>, %get3A_192 masked %broadcast_in_dim3A_194 : vector<16xf32>, vector<16xi1> -> vector<16xf32>
      %sub3A_196 = arith.subf %masked_cumsum3A_195, %get3A_192 : vector<16xf32>
      %swap3A_197 = arith.constant 64 : index
      %swap3A_198 = tpu.vector_load %arg13[%swap3A_197] {strides = array<i32>} : memref<128xf32, #tpu.memory_space<vmem>>, vector<16xf32>,
      tpu.vector_store %arg13[%swap3A_197], %sub3A_196 {strides = array<i32>} : memref<128xf32, #tpu.memory_space<vmem>>, vector<16xf32>,
      %add3A_199 = arith.constant 64 : i32
      %add3A_200 = vector.broadcast %add3A_199 : i32 to vector<16xi32>
      %add3A_201 = arith.addi %add3A_200, %masked_cummax3A_187 : vector<16xi32>
      %gather3A_202 = tpu.vector_load_idx %arg13[%add3A_201] : memref<128xf32, #tpu.memory_space<vmem>>[vector<16xi32>], vector<16xf32>,
      %add3A_203 = arith.constant 0 : i32
      %add3A_204 = vector.broadcast %add3A_203 : i32 to vector<16xi32>
      %add3A_205 = arith.addi %mul3A_190, %add3A_204 : vector<16xi32>
      %sub3A_206 = arith.subf %masked_cumsum3A_195, %gather3A_202 : vector<16xf32>
      tpu.vector_store_idx %arg14[%add3A_205], %sub3A_206 masked %or3A_177 {add = true} : memref<4096xf32, #tpu.memory_space<vmem>>[vector<16xi32>], vector<16xf32>, vector<16xi1>
      %get3A_207 = arith.index_cast %add3A_151 : i32 to index
      %get3A_208 = tpu.vector_load %arg10[%get3A_207] {strides = array<i32>} : memref<2048xf32, #tpu.memory_space<vmem>>, vector<16xf32>,
      %broadcast_in_dim3A_209 = arith.constant true
      %broadcast_in_dim3A_210 = vector.broadcast %broadcast_in_dim3A_209 : i1 to vector<16xi1>
      %masked_cumsum3A_211 = tpu.scan <sum>, %get3A_208 masked %broadcast_in_dim3A_210 : vector<16xf32>, vector<16xi1> -> vector<16xf32>
      %sub3A_212 = arith.subf %masked_cumsum3A_211, %get3A_208 : vector<16xf32>
      %swap3A_213 = arith.constant 80 : index
      %swap3A_214 = tpu.vector_load %arg13[%swap3A_213] {strides = array<i32>} : memref<128xf32, #tpu.memory_space<vmem>>, vector<16xf32>,
      tpu.vector_store %arg13[%swap3A_213], %sub3A_212 {strides = array<i32>} : memref<128xf32, #tpu.memory_space<vmem>>, vector<16xf32>,
      %add3A_215 = arith.constant 80 : i32
      %add3A_216 = vector.broadcast %add3A_215 : i32 to vector<16xi32>
      %add3A_217 = arith.addi %add3A_216, %masked_cummax3A_187 : vector<16xi32>
      %gather3A_218 = tpu.vector_load_idx %arg13[%add3A_217] : memref<128xf32, #tpu.memory_space<vmem>>[vector<16xi32>], vector<16xf32>,
      %add3A_219 = arith.constant 1 : i32
      %add3A_220 = vector.broadcast %add3A_219 : i32 to vector<16xi32>
      %add3A_221 = arith.addi %mul3A_190, %add3A_220 : vector<16xi32>
      %sub3A_222 = arith.subf %masked_cumsum3A_211, %gather3A_218 : vector<16xf32>
      tpu.vector_store_idx %arg14[%add3A_221], %sub3A_222 masked %or3A_177 {add = true} : memref<4096xf32, #tpu.memory_space<vmem>>[vector<16xi32>], vector<16xf32>, vector<16xi1>
      %get3A_223 = arith.index_cast %add3A_151 : i32 to index
      %get3A_224 = tpu.vector_load %arg11[%get3A_223] {strides = array<i32>} : memref<2048xf32, #tpu.memory_space<vmem>>, vector<16xf32>,
      %broadcast_in_dim3A_225 = arith.constant true
      %broadcast_in_dim3A_226 = vector.broadcast %broadcast_in_dim3A_225 : i1 to vector<16xi1>
      %masked_cumsum3A_227 = tpu.scan <sum>, %get3A_224 masked %broadcast_in_dim3A_226 : vector<16xf32>, vector<16xi1> -> vector<16xf32>
      %sub3A_228 = arith.subf %masked_cumsum3A_227, %get3A_224 : vector<16xf32>
      %swap3A_229 = arith.constant 96 : index
      %swap3A_230 = tpu.vector_load %arg13[%swap3A_229] {strides = array<i32>} : memref<128xf32, #tpu.memory_space<vmem>>, vector<16xf32>,
      tpu.vector_store %arg13[%swap3A_229], %sub3A_228 {strides = array<i32>} : memref<128xf32, #tpu.memory_space<vmem>>, vector<16xf32>,
      %add3A_231 = arith.constant 96 : i32
      %add3A_232 = vector.broadcast %add3A_231 : i32 to vector<16xi32>
      %add3A_233 = arith.addi %add3A_232, %masked_cummax3A_187 : vector<16xi32>
      %gather3A_234 = tpu.vector_load_idx %arg13[%add3A_233] : memref<128xf32, #tpu.memory_space<vmem>>[vector<16xi32>], vector<16xf32>,
      %add3A_235 = arith.constant 2 : i32
      %add3A_236 = vector.broadcast %add3A_235 : i32 to vector<16xi32>
      %add3A_237 = arith.addi %mul3A_190, %add3A_236 : vector<16xi32>
      %sub3A_238 = arith.subf %masked_cumsum3A_227, %gather3A_234 : vector<16xf32>
      tpu.vector_store_idx %arg14[%add3A_237], %sub3A_238 masked %or3A_177 {add = true} : memref<4096xf32, #tpu.memory_space<vmem>>[vector<16xi32>], vector<16xf32>, vector<16xi1>
      %get3A_239 = arith.index_cast %add3A_151 : i32 to index
      %get3A_240 = tpu.vector_load %arg12[%get3A_239] {strides = array<i32>} : memref<2048xf32, #tpu.memory_space<vmem>>, vector<16xf32>,
      %broadcast_in_dim3A_241 = arith.constant true
      %broadcast_in_dim3A_242 = vector.broadcast %broadcast_in_dim3A_241 : i1 to vector<16xi1>
      %masked_cumsum3A_243 = tpu.scan <sum>, %get3A_240 masked %broadcast_in_dim3A_242 : vector<16xf32>, vector<16xi1> -> vector<16xf32>
      %sub3A_244 = arith.subf %masked_cumsum3A_243, %get3A_240 : vector<16xf32>
      %swap3A_245 = arith.constant 112 : index
      %swap3A_246 = tpu.vector_load %arg13[%swap3A_245] {strides = array<i32>} : memref<128xf32, #tpu.memory_space<vmem>>, vector<16xf32>,
      tpu.vector_store %arg13[%swap3A_245], %sub3A_244 {strides = array<i32>} : memref<128xf32, #tpu.memory_space<vmem>>, vector<16xf32>,
      %add3A_247 = arith.constant 112 : i32
      %add3A_248 = vector.broadcast %add3A_247 : i32 to vector<16xi32>
      %add3A_249 = arith.addi %add3A_248, %masked_cummax3A_187 : vector<16xi32>
      %gather3A_250 = tpu.vector_load_idx %arg13[%add3A_249] : memref<128xf32, #tpu.memory_space<vmem>>[vector<16xi32>], vector<16xf32>,
      %add3A_251 = arith.constant 3 : i32
      %add3A_252 = vector.broadcast %add3A_251 : i32 to vector<16xi32>
      %add3A_253 = arith.addi %mul3A_190, %add3A_252 : vector<16xi32>
      %sub3A_254 = arith.subf %masked_cumsum3A_243, %gather3A_250 : vector<16xf32>
      tpu.vector_store_idx %arg14[%add3A_253], %sub3A_254 masked %or3A_177 {add = true} : memref<4096xf32, #tpu.memory_space<vmem>>[vector<16xi32>], vector<16xf32>, vector<16xi1>
      %scan3A_255 = arith.constant 0 : i32
      scf.yield %scan3A_255 : i32
    }
    %scan3A_42 = arith.constant 64 : i32
    "tpu.region"() ({
      %run_scoped3A = tpu.sem_alloc : memref<!tpu.dma_semaphore, #tpu.memory_space<semaphore_mem>>
      %dma_start3A_52 = arith.constant 0 : i32
      %dma_start3A_53 = tpu.memref_slice %arg17[%arg1, %dma_start3A_52] : memref<16x4096xf32, #tpu.memory_space<vmem_shared>> -> memref<1x4096xf32, #tpu.memory_space<vmem_shared>>
      %dma_start3A_54 = tpu.memref_squeeze %dma_start3A_53 : memref<1x4096xf32, #tpu.memory_space<vmem_shared>> -> memref<4096xf32, #tpu.memory_space<vmem_shared>>
      %dma_start3A_55 = arith.constant 0 : i32
      %dma_start3A_56 = tpu.memref_slice %arg17[%arg1, %dma_start3A_55] : memref<16x4096xf32, #tpu.memory_space<vmem_shared>> -> memref<1x4096xf32, #tpu.memory_space<vmem_shared>>
      %dma_start3A_57 = tpu.memref_squeeze %dma_start3A_56 : memref<1x4096xf32, #tpu.memory_space<vmem_shared>> -> memref<4096xf32, #tpu.memory_space<vmem_shared>>
      tpu.enqueue_dma source(%arg14 : memref<4096xf32, #tpu.memory_space<vmem>>) target(%dma_start3A_57 : memref<4096xf32, #tpu.memory_space<vmem_shared>>) target_semaphore(%run_scoped3A : memref<!tpu.dma_semaphore, #tpu.memory_space<semaphore_mem>>)
      %dma_wait3A_58 = arith.constant 0 : i32
      %dma_wait3A_59 = tpu.memref_slice %arg17[%arg1, %dma_wait3A_58] : memref<16x4096xf32, #tpu.memory_space<vmem_shared>> -> memref<1x4096xf32, #tpu.memory_space<vmem_shared>>
      %dma_wait3A_60 = tpu.memref_squeeze %dma_wait3A_59 : memref<1x4096xf32, #tpu.memory_space<vmem_shared>> -> memref<4096xf32, #tpu.memory_space<vmem_shared>>
      %dma_wait3A_61 = arith.constant 0 : i32
      %dma_wait3A_62 = tpu.memref_slice %arg17[%arg1, %dma_wait3A_61] : memref<16x4096xf32, #tpu.memory_space<vmem_shared>> -> memref<1x4096xf32, #tpu.memory_space<vmem_shared>>
      %dma_wait3A_63 = tpu.memref_squeeze %dma_wait3A_62 : memref<1x4096xf32, #tpu.memory_space<vmem_shared>> -> memref<4096xf32, #tpu.memory_space<vmem_shared>>
      tpu.wait_dma2 semaphore(%run_scoped3A : memref<!tpu.dma_semaphore, #tpu.memory_space<semaphore_mem>>) src(%arg14 : memref<4096xf32, #tpu.memory_space<vmem>>) dst(%dma_wait3A_63 : memref<4096xf32, #tpu.memory_space<vmem_shared>>)
      tpu.yield
    }) : () -> ()
    %barrier3A = arith.constant 0 : index
    tpu.barrier barrier_id(%barrier3A)
    %mul3A_43 = arith.constant 256 : i32
    %mul3A_44 = arith.muli %arg1, %mul3A_43 : i32
    "tpu.region"() ({
      %run_scoped3A = tpu.sem_alloc : memref<!tpu.dma_semaphore, #tpu.memory_space<semaphore_mem>>
      %dma_start3A_52 = arith.constant 0 : i32
      %dma_start3A_53 = tpu.memref_slice %arg17[%dma_start3A_52, %mul3A_44] : memref<16x4096xf32, #tpu.memory_space<vmem_shared>> -> memref<16x256xf32, #tpu.memory_space<vmem_shared>>
      %dma_start3A_54 = arith.constant 0 : i32
      %dma_start3A_55 = tpu.memref_slice %arg17[%dma_start3A_54, %mul3A_44] : memref<16x4096xf32, #tpu.memory_space<vmem_shared>> -> memref<16x256xf32, #tpu.memory_space<vmem_shared>>
      tpu.enqueue_dma source(%dma_start3A_55 : memref<16x256xf32, #tpu.memory_space<vmem_shared>>) target(%arg15 : memref<16x256xf32, #tpu.memory_space<vmem>>) target_semaphore(%run_scoped3A : memref<!tpu.dma_semaphore, #tpu.memory_space<semaphore_mem>>)
      %dma_wait3A_56 = arith.constant 0 : i32
      %dma_wait3A_57 = tpu.memref_slice %arg17[%dma_wait3A_56, %mul3A_44] : memref<16x4096xf32, #tpu.memory_space<vmem_shared>> -> memref<16x256xf32, #tpu.memory_space<vmem_shared>>
      %dma_wait3A_58 = arith.constant 0 : i32
      %dma_wait3A_59 = tpu.memref_slice %arg17[%dma_wait3A_58, %mul3A_44] : memref<16x4096xf32, #tpu.memory_space<vmem_shared>> -> memref<16x256xf32, #tpu.memory_space<vmem_shared>>
      tpu.wait_dma2 semaphore(%run_scoped3A : memref<!tpu.dma_semaphore, #tpu.memory_space<semaphore_mem>>) src(%dma_wait3A_59 : memref<16x256xf32, #tpu.memory_space<vmem_shared>>) dst(%arg15 : memref<16x256xf32, #tpu.memory_space<vmem>>)
      tpu.yield
    }) : () -> ()
    %scan3A_45 = arith.constant 0 : i32
    %scan3A_46 = arith.constant 0 : i32
    %scan3A_47 = arith.constant 16 : i32
    %scan3A_48 = arith.addi %scan3A_46, %scan3A_47 : i32
    %scan3A_49 = arith.constant 1 : i32
    %scan3A_50 = scf.for %scan3A_52 = %scan3A_46 to %scan3A_48 step %scan3A_49 iter_args(%scan3A_53 = %scan3A_45) -> (i32)  : i32 {
      %mul3A_54 = arith.constant 16 : i32
      %mul3A_55 = arith.muli %scan3A_52, %mul3A_54 : i32
      %get3A = arith.constant 0 : i32
      %get3A_56 = arith.index_cast %get3A : i32 to index
      %get3A_57 = arith.index_cast %mul3A_55 : i32 to index
      %get3A_58 = tpu.vector_load %arg15[%get3A_56, %get3A_57] {strides = array<i32>} : memref<16x256xf32, #tpu.memory_space<vmem>>, vector<16xf32>,
      %get3A_59 = arith.constant 1 : i32
      %get3A_60 = arith.index_cast %get3A_59 : i32 to index
      %get3A_61 = arith.index_cast %mul3A_55 : i32 to index
      %get3A_62 = tpu.vector_load %arg15[%get3A_60, %get3A_61] {strides = array<i32>} : memref<16x256xf32, #tpu.memory_space<vmem>>, vector<16xf32>,
      %add3A_63 = arith.addf %get3A_58, %get3A_62 : vector<16xf32>
      %get3A_64 = arith.constant 2 : i32
      %get3A_65 = arith.index_cast %get3A_64 : i32 to index
      %get3A_66 = arith.index_cast %mul3A_55 : i32 to index
      %get3A_67 = tpu.vector_load %arg15[%get3A_65, %get3A_66] {strides = array<i32>} : memref<16x256xf32, #tpu.memory_space<vmem>>, vector<16xf32>,
      %add3A_68 = arith.addf %add3A_63, %get3A_67 : vector<16xf32>
      %get3A_69 = arith.constant 3 : i32
      %get3A_70 = arith.index_cast %get3A_69 : i32 to index
      %get3A_71 = arith.index_cast %mul3A_55 : i32 to index
      %get3A_72 = tpu.vector_load %arg15[%get3A_70, %get3A_71] {strides = array<i32>} : memref<16x256xf32, #tpu.memory_space<vmem>>, vector<16xf32>,
      %add3A_73 = arith.addf %add3A_68, %get3A_72 : vector<16xf32>
      %get3A_74 = arith.constant 4 : i32
      %get3A_75 = arith.index_cast %get3A_74 : i32 to index
      %get3A_76 = arith.index_cast %mul3A_55 : i32 to index
      %get3A_77 = tpu.vector_load %arg15[%get3A_75, %get3A_76] {strides = array<i32>} : memref<16x256xf32, #tpu.memory_space<vmem>>, vector<16xf32>,
      %add3A_78 = arith.addf %add3A_73, %get3A_77 : vector<16xf32>
      %get3A_79 = arith.constant 5 : i32
      %get3A_80 = arith.index_cast %get3A_79 : i32 to index
      %get3A_81 = arith.index_cast %mul3A_55 : i32 to index
      %get3A_82 = tpu.vector_load %arg15[%get3A_80, %get3A_81] {strides = array<i32>} : memref<16x256xf32, #tpu.memory_space<vmem>>, vector<16xf32>,
      %add3A_83 = arith.addf %add3A_78, %get3A_82 : vector<16xf32>
      %get3A_84 = arith.constant 6 : i32
      %get3A_85 = arith.index_cast %get3A_84 : i32 to index
      %get3A_86 = arith.index_cast %mul3A_55 : i32 to index
      %get3A_87 = tpu.vector_load %arg15[%get3A_85, %get3A_86] {strides = array<i32>} : memref<16x256xf32, #tpu.memory_space<vmem>>, vector<16xf32>,
      %add3A_88 = arith.addf %add3A_83, %get3A_87 : vector<16xf32>
      %get3A_89 = arith.constant 7 : i32
      %get3A_90 = arith.index_cast %get3A_89 : i32 to index
      %get3A_91 = arith.index_cast %mul3A_55 : i32 to index
      %get3A_92 = tpu.vector_load %arg15[%get3A_90, %get3A_91] {strides = array<i32>} : memref<16x256xf32, #tpu.memory_space<vmem>>, vector<16xf32>,
      %add3A_93 = arith.addf %add3A_88, %get3A_92 : vector<16xf32>
      %get3A_94 = arith.constant 8 : i32
      %get3A_95 = arith.index_cast %get3A_94 : i32 to index
      %get3A_96 = arith.index_cast %mul3A_55 : i32 to index
      %get3A_97 = tpu.vector_load %arg15[%get3A_95, %get3A_96] {strides = array<i32>} : memref<16x256xf32, #tpu.memory_space<vmem>>, vector<16xf32>,
      %add3A_98 = arith.addf %add3A_93, %get3A_97 : vector<16xf32>
      %get3A_99 = arith.constant 9 : i32
      %get3A_100 = arith.index_cast %get3A_99 : i32 to index
      %get3A_101 = arith.index_cast %mul3A_55 : i32 to index
      %get3A_102 = tpu.vector_load %arg15[%get3A_100, %get3A_101] {strides = array<i32>} : memref<16x256xf32, #tpu.memory_space<vmem>>, vector<16xf32>,
      %add3A_103 = arith.addf %add3A_98, %get3A_102 : vector<16xf32>
      %get3A_104 = arith.constant 10 : i32
      %get3A_105 = arith.index_cast %get3A_104 : i32 to index
      %get3A_106 = arith.index_cast %mul3A_55 : i32 to index
      %get3A_107 = tpu.vector_load %arg15[%get3A_105, %get3A_106] {strides = array<i32>} : memref<16x256xf32, #tpu.memory_space<vmem>>, vector<16xf32>,
      %add3A_108 = arith.addf %add3A_103, %get3A_107 : vector<16xf32>
      %get3A_109 = arith.constant 11 : i32
      %get3A_110 = arith.index_cast %get3A_109 : i32 to index
      %get3A_111 = arith.index_cast %mul3A_55 : i32 to index
      %get3A_112 = tpu.vector_load %arg15[%get3A_110, %get3A_111] {strides = array<i32>} : memref<16x256xf32, #tpu.memory_space<vmem>>, vector<16xf32>,
      %add3A_113 = arith.addf %add3A_108, %get3A_112 : vector<16xf32>
      %get3A_114 = arith.constant 12 : i32
      %get3A_115 = arith.index_cast %get3A_114 : i32 to index
      %get3A_116 = arith.index_cast %mul3A_55 : i32 to index
      %get3A_117 = tpu.vector_load %arg15[%get3A_115, %get3A_116] {strides = array<i32>} : memref<16x256xf32, #tpu.memory_space<vmem>>, vector<16xf32>,
      %add3A_118 = arith.addf %add3A_113, %get3A_117 : vector<16xf32>
      %get3A_119 = arith.constant 13 : i32
      %get3A_120 = arith.index_cast %get3A_119 : i32 to index
      %get3A_121 = arith.index_cast %mul3A_55 : i32 to index
      %get3A_122 = tpu.vector_load %arg15[%get3A_120, %get3A_121] {strides = array<i32>} : memref<16x256xf32, #tpu.memory_space<vmem>>, vector<16xf32>,
      %add3A_123 = arith.addf %add3A_118, %get3A_122 : vector<16xf32>
      %get3A_124 = arith.constant 14 : i32
      %get3A_125 = arith.index_cast %get3A_124 : i32 to index
      %get3A_126 = arith.index_cast %mul3A_55 : i32 to index
      %get3A_127 = tpu.vector_load %arg15[%get3A_125, %get3A_126] {strides = array<i32>} : memref<16x256xf32, #tpu.memory_space<vmem>>, vector<16xf32>,
      %add3A_128 = arith.addf %add3A_123, %get3A_127 : vector<16xf32>
      %get3A_129 = arith.constant 15 : i32
      %get3A_130 = arith.index_cast %get3A_129 : i32 to index
      %get3A_131 = arith.index_cast %mul3A_55 : i32 to index
      %get3A_132 = tpu.vector_load %arg15[%get3A_130, %get3A_131] {strides = array<i32>} : memref<16x256xf32, #tpu.memory_space<vmem>>, vector<16xf32>,
      %add3A_133 = arith.addf %add3A_128, %get3A_132 : vector<16xf32>
      %swap3A = arith.index_cast %mul3A_55 : i32 to index
      %swap3A_134 = tpu.vector_load %arg16[%swap3A] {strides = array<i32>} : memref<256xf32, #tpu.memory_space<vmem>>, vector<16xf32>,
      tpu.vector_store %arg16[%swap3A], %add3A_133 {strides = array<i32>} : memref<256xf32, #tpu.memory_space<vmem>>, vector<16xf32>,
      %scan3A_135 = arith.constant 0 : i32
      scf.yield %scan3A_135 : i32
    }
    %scan3A_51 = arith.constant 16 : i32
    "tpu.region"() ({
      %run_scoped3A = tpu.sem_alloc : memref<!tpu.dma_semaphore, #tpu.memory_space<semaphore_mem>>
      %dma_start3A_52 = tpu.memref_slice %arg7[%arg0, %mul3A_44] : memref<2x4096xf32, #tpu.memory_space<hbm>> -> memref<1x256xf32, #tpu.memory_space<hbm>>
      %dma_start3A_53 = tpu.memref_squeeze %dma_start3A_52 : memref<1x256xf32, #tpu.memory_space<hbm>> -> memref<256xf32, #tpu.memory_space<hbm>>
      %dma_start3A_54 = tpu.memref_slice %arg7[%arg0, %mul3A_44] : memref<2x4096xf32, #tpu.memory_space<hbm>> -> memref<1x256xf32, #tpu.memory_space<hbm>>
      %dma_start3A_55 = tpu.memref_squeeze %dma_start3A_54 : memref<1x256xf32, #tpu.memory_space<hbm>> -> memref<256xf32, #tpu.memory_space<hbm>>
      tpu.enqueue_dma source(%arg16 : memref<256xf32, #tpu.memory_space<vmem>>) target(%dma_start3A_55 : memref<256xf32, #tpu.memory_space<hbm>>) target_semaphore(%run_scoped3A : memref<!tpu.dma_semaphore, #tpu.memory_space<semaphore_mem>>)
      %dma_wait3A_56 = tpu.memref_slice %arg7[%arg0, %mul3A_44] : memref<2x4096xf32, #tpu.memory_space<hbm>> -> memref<1x256xf32, #tpu.memory_space<hbm>>
      %dma_wait3A_57 = tpu.memref_squeeze %dma_wait3A_56 : memref<1x256xf32, #tpu.memory_space<hbm>> -> memref<256xf32, #tpu.memory_space<hbm>>
      %dma_wait3A_58 = tpu.memref_slice %arg7[%arg0, %mul3A_44] : memref<2x4096xf32, #tpu.memory_space<hbm>> -> memref<1x256xf32, #tpu.memory_space<hbm>>
      %dma_wait3A_59 = tpu.memref_squeeze %dma_wait3A_58 : memref<1x256xf32, #tpu.memory_space<hbm>> -> memref<256xf32, #tpu.memory_space<hbm>>
      tpu.wait_dma2 semaphore(%run_scoped3A : memref<!tpu.dma_semaphore, #tpu.memory_space<semaphore_mem>>) src(%arg16 : memref<256xf32, #tpu.memory_space<vmem>>) dst(%dma_wait3A_59 : memref<256xf32, #tpu.memory_space<hbm>>)
      tpu.yield
    }) : () -> ()
    return
  }
}

#map = affine_map<(d0, d1) -> (0)>
#map1 = affine_map<(d0, d1) -> (0, 0)>
module attributes {stable_mosaic.version = 14 : i64} {
  func.func @sc_scatter(%arg0: i32, %arg1: i32, %arg2: memref<65536xi32, #tpu.memory_space<hbm>>, %arg3: memref<65536xf32, #tpu.memory_space<hbm>>, %arg4: memref<65536xf32, #tpu.memory_space<hbm>>, %arg5: memref<65536xf32, #tpu.memory_space<hbm>>, %arg6: memref<65536xf32, #tpu.memory_space<hbm>>, %arg7: memref<2x4096xf32, #tpu.memory_space<hbm>>, %arg8: memref<2080xi32, #tpu.memory_space<vmem>>, %arg9: memref<2048xf32, #tpu.memory_space<vmem>>, %arg10: memref<2048xf32, #tpu.memory_space<vmem>>, %arg11: memref<2048xf32, #tpu.memory_space<vmem>>, %arg12: memref<2048xf32, #tpu.memory_space<vmem>>, %arg13: memref<128xf32, #tpu.memory_space<vmem>>, %arg14: memref<4096xf32, #tpu.memory_space<vmem>>, %arg15: memref<16x256xf32, #tpu.memory_space<vmem>>, %arg16: memref<256xf32, #tpu.memory_space<vmem>>, %arg17: memref<16x4096xf32, #tpu.memory_space<vmem_shared>>, %arg18: memref<!tpu.dma_semaphore, #tpu.memory_space<semaphore_mem>>) attributes {dimension_semantics = [#tpu.dimension_semantics<core_parallel>, #tpu.dimension_semantics<subcore_parallel>], iteration_bounds = array<i64: 2, 16>, scalar_prefetch = 0 : i64, scratch_operands = 11 : i64, tpu.core_type = #tpu.core_type<sc_vector_subcore>, window_params = [{transform_indices = #map}, {transform_indices = #map}, {transform_indices = #map}, {transform_indices = #map}, {transform_indices = #map}, {transform_indices = #map1}]} {
    %mul3A = arith.constant 16 : i32
    %mul3A_0 = arith.muli %arg0, %mul3A : i32
    %add3A = arith.addi %mul3A_0, %arg1 : i32
    %mul3A_1 = arith.constant 2048 : i32
    %mul3A_2 = arith.muli %add3A, %mul3A_1 : i32
    %dma_start3A = arith.constant 16 : i32
    %dma_start3A_3 = tpu.memref_slice %arg8[%dma_start3A] : memref<2080xi32, #tpu.memory_space<vmem>> -> memref<2048xi32, #tpu.memory_space<vmem>>
    %dma_start3A_4 = tpu.memref_slice %arg2[%mul3A_2] : memref<65536xi32, #tpu.memory_space<hbm>> -> memref<2048xi32, #tpu.memory_space<hbm>>
    %dma_start3A_5 = arith.constant 16 : i32
    %dma_start3A_6 = tpu.memref_slice %arg8[%dma_start3A_5] : memref<2080xi32, #tpu.memory_space<vmem>> -> memref<2048xi32, #tpu.memory_space<vmem>>
    %dma_start3A_7 = tpu.memref_slice %arg2[%mul3A_2] : memref<65536xi32, #tpu.memory_space<hbm>> -> memref<2048xi32, #tpu.memory_space<hbm>>
    tpu.enqueue_dma source(%dma_start3A_7 : memref<2048xi32, #tpu.memory_space<hbm>>) target(%dma_start3A_6 : memref<2048xi32, #tpu.memory_space<vmem>>) target_semaphore(%arg18 : memref<!tpu.dma_semaphore, #tpu.memory_space<semaphore_mem>>)
    %dma_start3A_8 = tpu.memref_slice %arg3[%mul3A_2] : memref<65536xf32, #tpu.memory_space<hbm>> -> memref<2048xf32, #tpu.memory_space<hbm>>
    %dma_start3A_9 = tpu.memref_slice %arg3[%mul3A_2] : memref<65536xf32, #tpu.memory_space<hbm>> -> memref<2048xf32, #tpu.memory_space<hbm>>
    tpu.enqueue_dma source(%dma_start3A_9 : memref<2048xf32, #tpu.memory_space<hbm>>) target(%arg9 : memref<2048xf32, #tpu.memory_space<vmem>>) target_semaphore(%arg18 : memref<!tpu.dma_semaphore, #tpu.memory_space<semaphore_mem>>)
    %dma_start3A_10 = tpu.memref_slice %arg4[%mul3A_2] : memref<65536xf32, #tpu.memory_space<hbm>> -> memref<2048xf32, #tpu.memory_space<hbm>>
    %dma_start3A_11 = tpu.memref_slice %arg4[%mul3A_2] : memref<65536xf32, #tpu.memory_space<hbm>> -> memref<2048xf32, #tpu.memory_space<hbm>>
    tpu.enqueue_dma source(%dma_start3A_11 : memref<2048xf32, #tpu.memory_space<hbm>>) target(%arg10 : memref<2048xf32, #tpu.memory_space<vmem>>) target_semaphore(%arg18 : memref<!tpu.dma_semaphore, #tpu.memory_space<semaphore_mem>>)
    %dma_start3A_12 = tpu.memref_slice %arg5[%mul3A_2] : memref<65536xf32, #tpu.memory_space<hbm>> -> memref<2048xf32, #tpu.memory_space<hbm>>
    %dma_start3A_13 = tpu.memref_slice %arg5[%mul3A_2] : memref<65536xf32, #tpu.memory_space<hbm>> -> memref<2048xf32, #tpu.memory_space<hbm>>
    tpu.enqueue_dma source(%dma_start3A_13 : memref<2048xf32, #tpu.memory_space<hbm>>) target(%arg11 : memref<2048xf32, #tpu.memory_space<vmem>>) target_semaphore(%arg18 : memref<!tpu.dma_semaphore, #tpu.memory_space<semaphore_mem>>)
    %dma_start3A_14 = tpu.memref_slice %arg6[%mul3A_2] : memref<65536xf32, #tpu.memory_space<hbm>> -> memref<2048xf32, #tpu.memory_space<hbm>>
    %dma_start3A_15 = tpu.memref_slice %arg6[%mul3A_2] : memref<65536xf32, #tpu.memory_space<hbm>> -> memref<2048xf32, #tpu.memory_space<hbm>>
    tpu.enqueue_dma source(%dma_start3A_15 : memref<2048xf32, #tpu.memory_space<hbm>>) target(%arg12 : memref<2048xf32, #tpu.memory_space<vmem>>) target_semaphore(%arg18 : memref<!tpu.dma_semaphore, #tpu.memory_space<semaphore_mem>>)
    %broadcast_in_dim3A = arith.constant 0.000000e+00 : f32
    %broadcast_in_dim3A_16 = vector.broadcast %broadcast_in_dim3A : f32 to vector<16xf32>
    %scan3A = arith.constant 0 : i32
    %scan3A_17 = arith.constant 0 : i32
    %scan3A_18 = arith.constant 32 : i32
    %scan3A_19 = arith.addi %scan3A_17, %scan3A_18 : i32
    %scan3A_20 = arith.constant 1 : i32
    %scan3A_21 = scf.for %scan3A_52 = %scan3A_17 to %scan3A_19 step %scan3A_20 iter_args(%scan3A_53 = %scan3A) -> (i32)  : i32 {
      %mul3A_54 = arith.constant 8 : i32
      %mul3A_55 = arith.muli %scan3A_52, %mul3A_54 : i32
      %mul3A_56 = arith.constant 16 : i32
      %mul3A_57 = arith.muli %mul3A_55, %mul3A_56 : i32
      %add3A_58 = arith.constant 0 : i32
      %add3A_59 = arith.addi %mul3A_57, %add3A_58 : i32
      %swap3A = arith.index_cast %add3A_59 : i32 to index
      %swap3A_60 = tpu.vector_load %arg14[%swap3A] {strides = array<i32>} : memref<4096xf32, #tpu.memory_space<vmem>>, vector<16xf32>,
      tpu.vector_store %arg14[%swap3A], %broadcast_in_dim3A_16 {strides = array<i32>} : memref<4096xf32, #tpu.memory_space<vmem>>, vector<16xf32>,
      %add3A_61 = arith.constant 16 : i32
      %add3A_62 = arith.addi %mul3A_57, %add3A_61 : i32
      %swap3A_63 = arith.index_cast %add3A_62 : i32 to index
      %swap3A_64 = tpu.vector_load %arg14[%swap3A_63] {strides = array<i32>} : memref<4096xf32, #tpu.memory_space<vmem>>, vector<16xf32>,
      tpu.vector_store %arg14[%swap3A_63], %broadcast_in_dim3A_16 {strides = array<i32>} : memref<4096xf32, #tpu.memory_space<vmem>>, vector<16xf32>,
      %add3A_65 = arith.constant 32 : i32
      %add3A_66 = arith.addi %mul3A_57, %add3A_65 : i32
      %swap3A_67 = arith.index_cast %add3A_66 : i32 to index
      %swap3A_68 = tpu.vector_load %arg14[%swap3A_67] {strides = array<i32>} : memref<4096xf32, #tpu.memory_space<vmem>>, vector<16xf32>,
      tpu.vector_store %arg14[%swap3A_67], %broadcast_in_dim3A_16 {strides = array<i32>} : memref<4096xf32, #tpu.memory_space<vmem>>, vector<16xf32>,
      %add3A_69 = arith.constant 48 : i32
      %add3A_70 = arith.addi %mul3A_57, %add3A_69 : i32
      %swap3A_71 = arith.index_cast %add3A_70 : i32 to index
      %swap3A_72 = tpu.vector_load %arg14[%swap3A_71] {strides = array<i32>} : memref<4096xf32, #tpu.memory_space<vmem>>, vector<16xf32>,
      tpu.vector_store %arg14[%swap3A_71], %broadcast_in_dim3A_16 {strides = array<i32>} : memref<4096xf32, #tpu.memory_space<vmem>>, vector<16xf32>,
      %add3A_73 = arith.constant 64 : i32
      %add3A_74 = arith.addi %mul3A_57, %add3A_73 : i32
      %swap3A_75 = arith.index_cast %add3A_74 : i32 to index
      %swap3A_76 = tpu.vector_load %arg14[%swap3A_75] {strides = array<i32>} : memref<4096xf32, #tpu.memory_space<vmem>>, vector<16xf32>,
      tpu.vector_store %arg14[%swap3A_75], %broadcast_in_dim3A_16 {strides = array<i32>} : memref<4096xf32, #tpu.memory_space<vmem>>, vector<16xf32>,
      %add3A_77 = arith.constant 80 : i32
      %add3A_78 = arith.addi %mul3A_57, %add3A_77 : i32
      %swap3A_79 = arith.index_cast %add3A_78 : i32 to index
      %swap3A_80 = tpu.vector_load %arg14[%swap3A_79] {strides = array<i32>} : memref<4096xf32, #tpu.memory_space<vmem>>, vector<16xf32>,
      tpu.vector_store %arg14[%swap3A_79], %broadcast_in_dim3A_16 {strides = array<i32>} : memref<4096xf32, #tpu.memory_space<vmem>>, vector<16xf32>,
      %add3A_81 = arith.constant 96 : i32
      %add3A_82 = arith.addi %mul3A_57, %add3A_81 : i32
      %swap3A_83 = arith.index_cast %add3A_82 : i32 to index
      %swap3A_84 = tpu.vector_load %arg14[%swap3A_83] {strides = array<i32>} : memref<4096xf32, #tpu.memory_space<vmem>>, vector<16xf32>,
      tpu.vector_store %arg14[%swap3A_83], %broadcast_in_dim3A_16 {strides = array<i32>} : memref<4096xf32, #tpu.memory_space<vmem>>, vector<16xf32>,
      %add3A_85 = arith.constant 112 : i32
      %add3A_86 = arith.addi %mul3A_57, %add3A_85 : i32
      %swap3A_87 = arith.index_cast %add3A_86 : i32 to index
      %swap3A_88 = tpu.vector_load %arg14[%swap3A_87] {strides = array<i32>} : memref<4096xf32, #tpu.memory_space<vmem>>, vector<16xf32>,
      tpu.vector_store %arg14[%swap3A_87], %broadcast_in_dim3A_16 {strides = array<i32>} : memref<4096xf32, #tpu.memory_space<vmem>>, vector<16xf32>,
      %scan3A_89 = arith.constant 0 : i32
      scf.yield %scan3A_89 : i32
    }
    %scan3A_22 = arith.constant 32 : i32
    %dma_wait3A = arith.constant 16 : i32
    %dma_wait3A_23 = tpu.memref_slice %arg8[%dma_wait3A] : memref<2080xi32, #tpu.memory_space<vmem>> -> memref<2048xi32, #tpu.memory_space<vmem>>
    %dma_wait3A_24 = tpu.memref_slice %arg2[%mul3A_2] : memref<65536xi32, #tpu.memory_space<hbm>> -> memref<2048xi32, #tpu.memory_space<hbm>>
    %dma_wait3A_25 = arith.constant 16 : i32
    %dma_wait3A_26 = tpu.memref_slice %arg8[%dma_wait3A_25] : memref<2080xi32, #tpu.memory_space<vmem>> -> memref<2048xi32, #tpu.memory_space<vmem>>
    %dma_wait3A_27 = tpu.memref_slice %arg2[%mul3A_2] : memref<65536xi32, #tpu.memory_space<hbm>> -> memref<2048xi32, #tpu.memory_space<hbm>>
    tpu.wait_dma2 semaphore(%arg18 : memref<!tpu.dma_semaphore, #tpu.memory_space<semaphore_mem>>) src(%dma_wait3A_27 : memref<2048xi32, #tpu.memory_space<hbm>>) dst(%dma_wait3A_26 : memref<2048xi32, #tpu.memory_space<vmem>>)
    %dma_wait3A_28 = tpu.memref_slice %arg3[%mul3A_2] : memref<65536xf32, #tpu.memory_space<hbm>> -> memref<2048xf32, #tpu.memory_space<hbm>>
    %dma_wait3A_29 = tpu.memref_slice %arg3[%mul3A_2] : memref<65536xf32, #tpu.memory_space<hbm>> -> memref<2048xf32, #tpu.memory_space<hbm>>
    tpu.wait_dma2 semaphore(%arg18 : memref<!tpu.dma_semaphore, #tpu.memory_space<semaphore_mem>>) src(%dma_wait3A_29 : memref<2048xf32, #tpu.memory_space<hbm>>) dst(%arg9 : memref<2048xf32, #tpu.memory_space<vmem>>)
    %dma_wait3A_30 = tpu.memref_slice %arg4[%mul3A_2] : memref<65536xf32, #tpu.memory_space<hbm>> -> memref<2048xf32, #tpu.memory_space<hbm>>
    %dma_wait3A_31 = tpu.memref_slice %arg4[%mul3A_2] : memref<65536xf32, #tpu.memory_space<hbm>> -> memref<2048xf32, #tpu.memory_space<hbm>>
    tpu.wait_dma2 semaphore(%arg18 : memref<!tpu.dma_semaphore, #tpu.memory_space<semaphore_mem>>) src(%dma_wait3A_31 : memref<2048xf32, #tpu.memory_space<hbm>>) dst(%arg10 : memref<2048xf32, #tpu.memory_space<vmem>>)
    %dma_wait3A_32 = tpu.memref_slice %arg5[%mul3A_2] : memref<65536xf32, #tpu.memory_space<hbm>> -> memref<2048xf32, #tpu.memory_space<hbm>>
    %dma_wait3A_33 = tpu.memref_slice %arg5[%mul3A_2] : memref<65536xf32, #tpu.memory_space<hbm>> -> memref<2048xf32, #tpu.memory_space<hbm>>
    tpu.wait_dma2 semaphore(%arg18 : memref<!tpu.dma_semaphore, #tpu.memory_space<semaphore_mem>>) src(%dma_wait3A_33 : memref<2048xf32, #tpu.memory_space<hbm>>) dst(%arg11 : memref<2048xf32, #tpu.memory_space<vmem>>)
    %dma_wait3A_34 = tpu.memref_slice %arg6[%mul3A_2] : memref<65536xf32, #tpu.memory_space<hbm>> -> memref<2048xf32, #tpu.memory_space<hbm>>
    %dma_wait3A_35 = tpu.memref_slice %arg6[%mul3A_2] : memref<65536xf32, #tpu.memory_space<hbm>> -> memref<2048xf32, #tpu.memory_space<hbm>>
    tpu.wait_dma2 semaphore(%arg18 : memref<!tpu.dma_semaphore, #tpu.memory_space<semaphore_mem>>) src(%dma_wait3A_35 : memref<2048xf32, #tpu.memory_space<hbm>>) dst(%arg12 : memref<2048xf32, #tpu.memory_space<vmem>>)
    %iota3A = tpu.iota {dimensions = array<i32: 0>} : vector<16xi32>
    %scan3A_36 = arith.constant 0 : i32
    %scan3A_37 = arith.constant 0 : i32
    %scan3A_38 = arith.constant 64 : i32
    %scan3A_39 = arith.addi %scan3A_37, %scan3A_38 : i32
    %scan3A_40 = arith.constant 1 : i32
    %scan3A_41 = scf.for %scan3A_52 = %scan3A_37 to %scan3A_39 step %scan3A_40 iter_args(%scan3A_53 = %scan3A_36) -> (i32)  : i32 {
      %mul3A_54 = arith.constant 2 : i32
      %mul3A_55 = arith.muli %scan3A_52, %mul3A_54 : i32
      %mul3A_56 = arith.constant 16 : i32
      %mul3A_57 = arith.muli %mul3A_55, %mul3A_56 : i32
      %add3A_58 = arith.constant 16 : i32
      %add3A_59 = arith.addi %mul3A_57, %add3A_58 : i32
      %get3A = arith.index_cast %add3A_59 : i32 to index
      %get3A_60 = tpu.vector_load %arg8[%get3A] {strides = array<i32>} : memref<2080xi32, #tpu.memory_space<vmem>>, vector<16xi32>,
      %add3A_61 = arith.constant 16 : i32
      %add3A_62 = arith.addi %mul3A_57, %add3A_61 : i32
      %sub3A = arith.constant 1 : i32
      %sub3A_63 = arith.subi %add3A_62, %sub3A : i32
      %get3A_64 = arith.index_cast %sub3A_63 : i32 to index
      %get3A_65 = tpu.vector_load %arg8[%get3A_64] {strides = array<i32>} : memref<2080xi32, #tpu.memory_space<vmem>>, vector<16xi32>,
      %add3A_66 = arith.constant 16 : i32
      %add3A_67 = arith.addi %mul3A_57, %add3A_66 : i32
      %add3A_68 = arith.constant 1 : i32
      %add3A_69 = arith.addi %add3A_67, %add3A_68 : i32
      %get3A_70 = arith.index_cast %add3A_69 : i32 to index
      %get3A_71 = tpu.vector_load %arg8[%get3A_70] {strides = array<i32>} : memref<2080xi32, #tpu.memory_space<vmem>>, vector<16xi32>,
      %eq3A = arith.constant 0 : i32
      %eq3A_72 = vector.broadcast %eq3A : i32 to vector<16xi32>
      %eq3A_73 = arith.cmpi eq, %iota3A, %eq3A_72 : vector<16xi32>
      %ne3A = arith.cmpi ne, %get3A_60, %get3A_65 : vector<16xi32>
      %or3A = arith.ori %eq3A_73, %ne3A : vector<16xi1>
      %eq3A_74 = arith.constant 15 : i32
      %eq3A_75 = vector.broadcast %eq3A_74 : i32 to vector<16xi32>
      %eq3A_76 = arith.cmpi eq, %iota3A, %eq3A_75 : vector<16xi32>
      %ne3A_77 = arith.cmpi ne, %get3A_60, %get3A_71 : vector<16xi32>
      %or3A_78 = arith.ori %eq3A_76, %ne3A_77 : vector<16xi1>
      %jit3A = arith.constant 0 : i32
      %broadcast_in_dim3A_79 = vector.broadcast %jit3A : i32 to vector<16xi32>
      %select_n3A = arith.select %or3A, %iota3A, %broadcast_in_dim3A_79 : vector<16xi1>, vector<16xi32>
      %broadcast_in_dim3A_80 = arith.constant true
      %broadcast_in_dim3A_81 = vector.broadcast %broadcast_in_dim3A_80 : i1 to vector<16xi1>
      %masked_cummax3A = arith.constant -2147483648 : i32
      %masked_cummax3A_82 = vector.broadcast %masked_cummax3A : i32 to vector<16xi32>
      %masked_cummax3A_83 = arith.xori %select_n3A, %masked_cummax3A_82 : vector<16xi32>
      %masked_cummax3A_84 = tpu.scan <max>, %masked_cummax3A_83 masked %broadcast_in_dim3A_81 : vector<16xi32>, vector<16xi1> -> vector<16xi32>
      %masked_cummax3A_85 = arith.xori %masked_cummax3A_84, %masked_cummax3A_82 : vector<16xi32>
      %mul3A_86 = arith.constant 4 : i32
      %mul3A_87 = vector.broadcast %mul3A_86 : i32 to vector<16xi32>
      %mul3A_88 = arith.muli %get3A_60, %mul3A_87 : vector<16xi32>
      %get3A_89 = arith.index_cast %mul3A_57 : i32 to index
      %get3A_90 = tpu.vector_load %arg9[%get3A_89] {strides = array<i32>} : memref<2048xf32, #tpu.memory_space<vmem>>, vector<16xf32>,
      %broadcast_in_dim3A_91 = arith.constant true
      %broadcast_in_dim3A_92 = vector.broadcast %broadcast_in_dim3A_91 : i1 to vector<16xi1>
      %masked_cumsum3A = tpu.scan <sum>, %get3A_90 masked %broadcast_in_dim3A_92 : vector<16xf32>, vector<16xi1> -> vector<16xf32>
      %sub3A_93 = arith.subf %masked_cumsum3A, %get3A_90 : vector<16xf32>
      %swap3A = arith.constant 0 : index
      %swap3A_94 = tpu.vector_load %arg13[%swap3A] {strides = array<i32>} : memref<128xf32, #tpu.memory_space<vmem>>, vector<16xf32>,
      tpu.vector_store %arg13[%swap3A], %sub3A_93 {strides = array<i32>} : memref<128xf32, #tpu.memory_space<vmem>>, vector<16xf32>,
      %add3A_95 = arith.constant 0 : i32
      %add3A_96 = vector.broadcast %add3A_95 : i32 to vector<16xi32>
      %add3A_97 = arith.addi %add3A_96, %masked_cummax3A_85 : vector<16xi32>
      %gather3A = tpu.vector_load_idx %arg13[%add3A_97] : memref<128xf32, #tpu.memory_space<vmem>>[vector<16xi32>], vector<16xf32>,
      %add3A_98 = arith.constant 0 : i32
      %add3A_99 = vector.broadcast %add3A_98 : i32 to vector<16xi32>
      %add3A_100 = arith.addi %mul3A_88, %add3A_99 : vector<16xi32>
      %sub3A_101 = arith.subf %masked_cumsum3A, %gather3A : vector<16xf32>
      tpu.vector_store_idx %arg14[%add3A_100], %sub3A_101 masked %or3A_78 {add = true} : memref<4096xf32, #tpu.memory_space<vmem>>[vector<16xi32>], vector<16xf32>, vector<16xi1>
      %get3A_102 = arith.index_cast %mul3A_57 : i32 to index
      %get3A_103 = tpu.vector_load %arg10[%get3A_102] {strides = array<i32>} : memref<2048xf32, #tpu.memory_space<vmem>>, vector<16xf32>,
      %broadcast_in_dim3A_104 = arith.constant true
      %broadcast_in_dim3A_105 = vector.broadcast %broadcast_in_dim3A_104 : i1 to vector<16xi1>
      %masked_cumsum3A_106 = tpu.scan <sum>, %get3A_103 masked %broadcast_in_dim3A_105 : vector<16xf32>, vector<16xi1> -> vector<16xf32>
      %sub3A_107 = arith.subf %masked_cumsum3A_106, %get3A_103 : vector<16xf32>
      %swap3A_108 = arith.constant 16 : index
      %swap3A_109 = tpu.vector_load %arg13[%swap3A_108] {strides = array<i32>} : memref<128xf32, #tpu.memory_space<vmem>>, vector<16xf32>,
      tpu.vector_store %arg13[%swap3A_108], %sub3A_107 {strides = array<i32>} : memref<128xf32, #tpu.memory_space<vmem>>, vector<16xf32>,
      %add3A_110 = arith.constant 16 : i32
      %add3A_111 = vector.broadcast %add3A_110 : i32 to vector<16xi32>
      %add3A_112 = arith.addi %add3A_111, %masked_cummax3A_85 : vector<16xi32>
      %gather3A_113 = tpu.vector_load_idx %arg13[%add3A_112] : memref<128xf32, #tpu.memory_space<vmem>>[vector<16xi32>], vector<16xf32>,
      %add3A_114 = arith.constant 1 : i32
      %add3A_115 = vector.broadcast %add3A_114 : i32 to vector<16xi32>
      %add3A_116 = arith.addi %mul3A_88, %add3A_115 : vector<16xi32>
      %sub3A_117 = arith.subf %masked_cumsum3A_106, %gather3A_113 : vector<16xf32>
      tpu.vector_store_idx %arg14[%add3A_116], %sub3A_117 masked %or3A_78 {add = true} : memref<4096xf32, #tpu.memory_space<vmem>>[vector<16xi32>], vector<16xf32>, vector<16xi1>
      %get3A_118 = arith.index_cast %mul3A_57 : i32 to index
      %get3A_119 = tpu.vector_load %arg11[%get3A_118] {strides = array<i32>} : memref<2048xf32, #tpu.memory_space<vmem>>, vector<16xf32>,
      %broadcast_in_dim3A_120 = arith.constant true
      %broadcast_in_dim3A_121 = vector.broadcast %broadcast_in_dim3A_120 : i1 to vector<16xi1>
      %masked_cumsum3A_122 = tpu.scan <sum>, %get3A_119 masked %broadcast_in_dim3A_121 : vector<16xf32>, vector<16xi1> -> vector<16xf32>
      %sub3A_123 = arith.subf %masked_cumsum3A_122, %get3A_119 : vector<16xf32>
      %swap3A_124 = arith.constant 32 : index
      %swap3A_125 = tpu.vector_load %arg13[%swap3A_124] {strides = array<i32>} : memref<128xf32, #tpu.memory_space<vmem>>, vector<16xf32>,
      tpu.vector_store %arg13[%swap3A_124], %sub3A_123 {strides = array<i32>} : memref<128xf32, #tpu.memory_space<vmem>>, vector<16xf32>,
      %add3A_126 = arith.constant 32 : i32
      %add3A_127 = vector.broadcast %add3A_126 : i32 to vector<16xi32>
      %add3A_128 = arith.addi %add3A_127, %masked_cummax3A_85 : vector<16xi32>
      %gather3A_129 = tpu.vector_load_idx %arg13[%add3A_128] : memref<128xf32, #tpu.memory_space<vmem>>[vector<16xi32>], vector<16xf32>,
      %add3A_130 = arith.constant 2 : i32
      %add3A_131 = vector.broadcast %add3A_130 : i32 to vector<16xi32>
      %add3A_132 = arith.addi %mul3A_88, %add3A_131 : vector<16xi32>
      %sub3A_133 = arith.subf %masked_cumsum3A_122, %gather3A_129 : vector<16xf32>
      tpu.vector_store_idx %arg14[%add3A_132], %sub3A_133 masked %or3A_78 {add = true} : memref<4096xf32, #tpu.memory_space<vmem>>[vector<16xi32>], vector<16xf32>, vector<16xi1>
      %get3A_134 = arith.index_cast %mul3A_57 : i32 to index
      %get3A_135 = tpu.vector_load %arg12[%get3A_134] {strides = array<i32>} : memref<2048xf32, #tpu.memory_space<vmem>>, vector<16xf32>,
      %broadcast_in_dim3A_136 = arith.constant true
      %broadcast_in_dim3A_137 = vector.broadcast %broadcast_in_dim3A_136 : i1 to vector<16xi1>
      %masked_cumsum3A_138 = tpu.scan <sum>, %get3A_135 masked %broadcast_in_dim3A_137 : vector<16xf32>, vector<16xi1> -> vector<16xf32>
      %sub3A_139 = arith.subf %masked_cumsum3A_138, %get3A_135 : vector<16xf32>
      %swap3A_140 = arith.constant 48 : index
      %swap3A_141 = tpu.vector_load %arg13[%swap3A_140] {strides = array<i32>} : memref<128xf32, #tpu.memory_space<vmem>>, vector<16xf32>,
      tpu.vector_store %arg13[%swap3A_140], %sub3A_139 {strides = array<i32>} : memref<128xf32, #tpu.memory_space<vmem>>, vector<16xf32>,
      %add3A_142 = arith.constant 48 : i32
      %add3A_143 = vector.broadcast %add3A_142 : i32 to vector<16xi32>
      %add3A_144 = arith.addi %add3A_143, %masked_cummax3A_85 : vector<16xi32>
      %gather3A_145 = tpu.vector_load_idx %arg13[%add3A_144] : memref<128xf32, #tpu.memory_space<vmem>>[vector<16xi32>], vector<16xf32>,
      %add3A_146 = arith.constant 3 : i32
      %add3A_147 = vector.broadcast %add3A_146 : i32 to vector<16xi32>
      %add3A_148 = arith.addi %mul3A_88, %add3A_147 : vector<16xi32>
      %sub3A_149 = arith.subf %masked_cumsum3A_138, %gather3A_145 : vector<16xf32>
      tpu.vector_store_idx %arg14[%add3A_148], %sub3A_149 masked %or3A_78 {add = true} : memref<4096xf32, #tpu.memory_space<vmem>>[vector<16xi32>], vector<16xf32>, vector<16xi1>
      %add3A_150 = arith.constant 16 : i32
      %add3A_151 = arith.addi %mul3A_57, %add3A_150 : i32
      %add3A_152 = arith.constant 16 : i32
      %add3A_153 = arith.addi %add3A_151, %add3A_152 : i32
      %get3A_154 = arith.index_cast %add3A_153 : i32 to index
      %get3A_155 = tpu.vector_load %arg8[%get3A_154] {strides = array<i32>} : memref<2080xi32, #tpu.memory_space<vmem>>, vector<16xi32>,
      %add3A_156 = arith.constant 16 : i32
      %add3A_157 = arith.addi %add3A_151, %add3A_156 : i32
      %sub3A_158 = arith.constant 1 : i32
      %sub3A_159 = arith.subi %add3A_157, %sub3A_158 : i32
      %get3A_160 = arith.index_cast %sub3A_159 : i32 to index
      %get3A_161 = tpu.vector_load %arg8[%get3A_160] {strides = array<i32>} : memref<2080xi32, #tpu.memory_space<vmem>>, vector<16xi32>,
      %add3A_162 = arith.constant 16 : i32
      %add3A_163 = arith.addi %add3A_151, %add3A_162 : i32
      %add3A_164 = arith.constant 1 : i32
      %add3A_165 = arith.addi %add3A_163, %add3A_164 : i32
      %get3A_166 = arith.index_cast %add3A_165 : i32 to index
      %get3A_167 = tpu.vector_load %arg8[%get3A_166] {strides = array<i32>} : memref<2080xi32, #tpu.memory_space<vmem>>, vector<16xi32>,
      %eq3A_168 = arith.constant 0 : i32
      %eq3A_169 = vector.broadcast %eq3A_168 : i32 to vector<16xi32>
      %eq3A_170 = arith.cmpi eq, %iota3A, %eq3A_169 : vector<16xi32>
      %ne3A_171 = arith.cmpi ne, %get3A_155, %get3A_161 : vector<16xi32>
      %or3A_172 = arith.ori %eq3A_170, %ne3A_171 : vector<16xi1>
      %eq3A_173 = arith.constant 15 : i32
      %eq3A_174 = vector.broadcast %eq3A_173 : i32 to vector<16xi32>
      %eq3A_175 = arith.cmpi eq, %iota3A, %eq3A_174 : vector<16xi32>
      %ne3A_176 = arith.cmpi ne, %get3A_155, %get3A_167 : vector<16xi32>
      %or3A_177 = arith.ori %eq3A_175, %ne3A_176 : vector<16xi1>
      %jit3A_178 = arith.constant 0 : i32
      %broadcast_in_dim3A_179 = vector.broadcast %jit3A_178 : i32 to vector<16xi32>
      %select_n3A_180 = arith.select %or3A_172, %iota3A, %broadcast_in_dim3A_179 : vector<16xi1>, vector<16xi32>
      %broadcast_in_dim3A_181 = arith.constant true
      %broadcast_in_dim3A_182 = vector.broadcast %broadcast_in_dim3A_181 : i1 to vector<16xi1>
      %masked_cummax3A_183 = arith.constant -2147483648 : i32
      %masked_cummax3A_184 = vector.broadcast %masked_cummax3A_183 : i32 to vector<16xi32>
      %masked_cummax3A_185 = arith.xori %select_n3A_180, %masked_cummax3A_184 : vector<16xi32>
      %masked_cummax3A_186 = tpu.scan <max>, %masked_cummax3A_185 masked %broadcast_in_dim3A_182 : vector<16xi32>, vector<16xi1> -> vector<16xi32>
      %masked_cummax3A_187 = arith.xori %masked_cummax3A_186, %masked_cummax3A_184 : vector<16xi32>
      %mul3A_188 = arith.constant 4 : i32
      %mul3A_189 = vector.broadcast %mul3A_188 : i32 to vector<16xi32>
      %mul3A_190 = arith.muli %get3A_155, %mul3A_189 : vector<16xi32>
      %get3A_191 = arith.index_cast %add3A_151 : i32 to index
      %get3A_192 = tpu.vector_load %arg9[%get3A_191] {strides = array<i32>} : memref<2048xf32, #tpu.memory_space<vmem>>, vector<16xf32>,
      %broadcast_in_dim3A_193 = arith.constant true
      %broadcast_in_dim3A_194 = vector.broadcast %broadcast_in_dim3A_193 : i1 to vector<16xi1>
      %masked_cumsum3A_195 = tpu.scan <sum>, %get3A_192 masked %broadcast_in_dim3A_194 : vector<16xf32>, vector<16xi1> -> vector<16xf32>
      %sub3A_196 = arith.subf %masked_cumsum3A_195, %get3A_192 : vector<16xf32>
      %swap3A_197 = arith.constant 64 : index
      %swap3A_198 = tpu.vector_load %arg13[%swap3A_197] {strides = array<i32>} : memref<128xf32, #tpu.memory_space<vmem>>, vector<16xf32>,
      tpu.vector_store %arg13[%swap3A_197], %sub3A_196 {strides = array<i32>} : memref<128xf32, #tpu.memory_space<vmem>>, vector<16xf32>,
      %add3A_199 = arith.constant 64 : i32
      %add3A_200 = vector.broadcast %add3A_199 : i32 to vector<16xi32>
      %add3A_201 = arith.addi %add3A_200, %masked_cummax3A_187 : vector<16xi32>
      %gather3A_202 = tpu.vector_load_idx %arg13[%add3A_201] : memref<128xf32, #tpu.memory_space<vmem>>[vector<16xi32>], vector<16xf32>,
      %add3A_203 = arith.constant 0 : i32
      %add3A_204 = vector.broadcast %add3A_203 : i32 to vector<16xi32>
      %add3A_205 = arith.addi %mul3A_190, %add3A_204 : vector<16xi32>
      %sub3A_206 = arith.subf %masked_cumsum3A_195, %gather3A_202 : vector<16xf32>
      tpu.vector_store_idx %arg14[%add3A_205], %sub3A_206 masked %or3A_177 {add = true} : memref<4096xf32, #tpu.memory_space<vmem>>[vector<16xi32>], vector<16xf32>, vector<16xi1>
      %get3A_207 = arith.index_cast %add3A_151 : i32 to index
      %get3A_208 = tpu.vector_load %arg10[%get3A_207] {strides = array<i32>} : memref<2048xf32, #tpu.memory_space<vmem>>, vector<16xf32>,
      %broadcast_in_dim3A_209 = arith.constant true
      %broadcast_in_dim3A_210 = vector.broadcast %broadcast_in_dim3A_209 : i1 to vector<16xi1>
      %masked_cumsum3A_211 = tpu.scan <sum>, %get3A_208 masked %broadcast_in_dim3A_210 : vector<16xf32>, vector<16xi1> -> vector<16xf32>
      %sub3A_212 = arith.subf %masked_cumsum3A_211, %get3A_208 : vector<16xf32>
      %swap3A_213 = arith.constant 80 : index
      %swap3A_214 = tpu.vector_load %arg13[%swap3A_213] {strides = array<i32>} : memref<128xf32, #tpu.memory_space<vmem>>, vector<16xf32>,
      tpu.vector_store %arg13[%swap3A_213], %sub3A_212 {strides = array<i32>} : memref<128xf32, #tpu.memory_space<vmem>>, vector<16xf32>,
      %add3A_215 = arith.constant 80 : i32
      %add3A_216 = vector.broadcast %add3A_215 : i32 to vector<16xi32>
      %add3A_217 = arith.addi %add3A_216, %masked_cummax3A_187 : vector<16xi32>
      %gather3A_218 = tpu.vector_load_idx %arg13[%add3A_217] : memref<128xf32, #tpu.memory_space<vmem>>[vector<16xi32>], vector<16xf32>,
      %add3A_219 = arith.constant 1 : i32
      %add3A_220 = vector.broadcast %add3A_219 : i32 to vector<16xi32>
      %add3A_221 = arith.addi %mul3A_190, %add3A_220 : vector<16xi32>
      %sub3A_222 = arith.subf %masked_cumsum3A_211, %gather3A_218 : vector<16xf32>
      tpu.vector_store_idx %arg14[%add3A_221], %sub3A_222 masked %or3A_177 {add = true} : memref<4096xf32, #tpu.memory_space<vmem>>[vector<16xi32>], vector<16xf32>, vector<16xi1>
      %get3A_223 = arith.index_cast %add3A_151 : i32 to index
      %get3A_224 = tpu.vector_load %arg11[%get3A_223] {strides = array<i32>} : memref<2048xf32, #tpu.memory_space<vmem>>, vector<16xf32>,
      %broadcast_in_dim3A_225 = arith.constant true
      %broadcast_in_dim3A_226 = vector.broadcast %broadcast_in_dim3A_225 : i1 to vector<16xi1>
      %masked_cumsum3A_227 = tpu.scan <sum>, %get3A_224 masked %broadcast_in_dim3A_226 : vector<16xf32>, vector<16xi1> -> vector<16xf32>
      %sub3A_228 = arith.subf %masked_cumsum3A_227, %get3A_224 : vector<16xf32>
      %swap3A_229 = arith.constant 96 : index
      %swap3A_230 = tpu.vector_load %arg13[%swap3A_229] {strides = array<i32>} : memref<128xf32, #tpu.memory_space<vmem>>, vector<16xf32>,
      tpu.vector_store %arg13[%swap3A_229], %sub3A_228 {strides = array<i32>} : memref<128xf32, #tpu.memory_space<vmem>>, vector<16xf32>,
      %add3A_231 = arith.constant 96 : i32
      %add3A_232 = vector.broadcast %add3A_231 : i32 to vector<16xi32>
      %add3A_233 = arith.addi %add3A_232, %masked_cummax3A_187 : vector<16xi32>
      %gather3A_234 = tpu.vector_load_idx %arg13[%add3A_233] : memref<128xf32, #tpu.memory_space<vmem>>[vector<16xi32>], vector<16xf32>,
      %add3A_235 = arith.constant 2 : i32
      %add3A_236 = vector.broadcast %add3A_235 : i32 to vector<16xi32>
      %add3A_237 = arith.addi %mul3A_190, %add3A_236 : vector<16xi32>
      %sub3A_238 = arith.subf %masked_cumsum3A_227, %gather3A_234 : vector<16xf32>
      tpu.vector_store_idx %arg14[%add3A_237], %sub3A_238 masked %or3A_177 {add = true} : memref<4096xf32, #tpu.memory_space<vmem>>[vector<16xi32>], vector<16xf32>, vector<16xi1>
      %get3A_239 = arith.index_cast %add3A_151 : i32 to index
      %get3A_240 = tpu.vector_load %arg12[%get3A_239] {strides = array<i32>} : memref<2048xf32, #tpu.memory_space<vmem>>, vector<16xf32>,
      %broadcast_in_dim3A_241 = arith.constant true
      %broadcast_in_dim3A_242 = vector.broadcast %broadcast_in_dim3A_241 : i1 to vector<16xi1>
      %masked_cumsum3A_243 = tpu.scan <sum>, %get3A_240 masked %broadcast_in_dim3A_242 : vector<16xf32>, vector<16xi1> -> vector<16xf32>
      %sub3A_244 = arith.subf %masked_cumsum3A_243, %get3A_240 : vector<16xf32>
      %swap3A_245 = arith.constant 112 : index
      %swap3A_246 = tpu.vector_load %arg13[%swap3A_245] {strides = array<i32>} : memref<128xf32, #tpu.memory_space<vmem>>, vector<16xf32>,
      tpu.vector_store %arg13[%swap3A_245], %sub3A_244 {strides = array<i32>} : memref<128xf32, #tpu.memory_space<vmem>>, vector<16xf32>,
      %add3A_247 = arith.constant 112 : i32
      %add3A_248 = vector.broadcast %add3A_247 : i32 to vector<16xi32>
      %add3A_249 = arith.addi %add3A_248, %masked_cummax3A_187 : vector<16xi32>
      %gather3A_250 = tpu.vector_load_idx %arg13[%add3A_249] : memref<128xf32, #tpu.memory_space<vmem>>[vector<16xi32>], vector<16xf32>,
      %add3A_251 = arith.constant 3 : i32
      %add3A_252 = vector.broadcast %add3A_251 : i32 to vector<16xi32>
      %add3A_253 = arith.addi %mul3A_190, %add3A_252 : vector<16xi32>
      %sub3A_254 = arith.subf %masked_cumsum3A_243, %gather3A_250 : vector<16xf32>
      tpu.vector_store_idx %arg14[%add3A_253], %sub3A_254 masked %or3A_177 {add = true} : memref<4096xf32, #tpu.memory_space<vmem>>[vector<16xi32>], vector<16xf32>, vector<16xi1>
      %scan3A_255 = arith.constant 0 : i32
      scf.yield %scan3A_255 : i32
    }
    %scan3A_42 = arith.constant 64 : i32
    "tpu.region"() ({
      %run_scoped3A = tpu.sem_alloc : memref<!tpu.dma_semaphore, #tpu.memory_space<semaphore_mem>>
      %dma_start3A_52 = arith.constant 0 : i32
      %dma_start3A_53 = tpu.memref_slice %arg17[%arg1, %dma_start3A_52] : memref<16x4096xf32, #tpu.memory_space<vmem_shared>> -> memref<1x4096xf32, #tpu.memory_space<vmem_shared>>
      %dma_start3A_54 = tpu.memref_squeeze %dma_start3A_53 : memref<1x4096xf32, #tpu.memory_space<vmem_shared>> -> memref<4096xf32, #tpu.memory_space<vmem_shared>>
      %dma_start3A_55 = arith.constant 0 : i32
      %dma_start3A_56 = tpu.memref_slice %arg17[%arg1, %dma_start3A_55] : memref<16x4096xf32, #tpu.memory_space<vmem_shared>> -> memref<1x4096xf32, #tpu.memory_space<vmem_shared>>
      %dma_start3A_57 = tpu.memref_squeeze %dma_start3A_56 : memref<1x4096xf32, #tpu.memory_space<vmem_shared>> -> memref<4096xf32, #tpu.memory_space<vmem_shared>>
      tpu.enqueue_dma source(%arg14 : memref<4096xf32, #tpu.memory_space<vmem>>) target(%dma_start3A_57 : memref<4096xf32, #tpu.memory_space<vmem_shared>>) target_semaphore(%run_scoped3A : memref<!tpu.dma_semaphore, #tpu.memory_space<semaphore_mem>>)
      %dma_wait3A_58 = arith.constant 0 : i32
      %dma_wait3A_59 = tpu.memref_slice %arg17[%arg1, %dma_wait3A_58] : memref<16x4096xf32, #tpu.memory_space<vmem_shared>> -> memref<1x4096xf32, #tpu.memory_space<vmem_shared>>
      %dma_wait3A_60 = tpu.memref_squeeze %dma_wait3A_59 : memref<1x4096xf32, #tpu.memory_space<vmem_shared>> -> memref<4096xf32, #tpu.memory_space<vmem_shared>>
      %dma_wait3A_61 = arith.constant 0 : i32
      %dma_wait3A_62 = tpu.memref_slice %arg17[%arg1, %dma_wait3A_61] : memref<16x4096xf32, #tpu.memory_space<vmem_shared>> -> memref<1x4096xf32, #tpu.memory_space<vmem_shared>>
      %dma_wait3A_63 = tpu.memref_squeeze %dma_wait3A_62 : memref<1x4096xf32, #tpu.memory_space<vmem_shared>> -> memref<4096xf32, #tpu.memory_space<vmem_shared>>
      tpu.wait_dma2 semaphore(%run_scoped3A : memref<!tpu.dma_semaphore, #tpu.memory_space<semaphore_mem>>) src(%arg14 : memref<4096xf32, #tpu.memory_space<vmem>>) dst(%dma_wait3A_63 : memref<4096xf32, #tpu.memory_space<vmem_shared>>)
      tpu.yield
    }) : () -> ()
    %barrier3A = arith.constant 0 : index
    tpu.barrier barrier_id(%barrier3A)
    %mul3A_43 = arith.constant 256 : i32
    %mul3A_44 = arith.muli %arg1, %mul3A_43 : i32
    "tpu.region"() ({
      %run_scoped3A = tpu.sem_alloc : memref<!tpu.dma_semaphore, #tpu.memory_space<semaphore_mem>>
      %dma_start3A_52 = arith.constant 0 : i32
      %dma_start3A_53 = tpu.memref_slice %arg17[%dma_start3A_52, %mul3A_44] : memref<16x4096xf32, #tpu.memory_space<vmem_shared>> -> memref<16x256xf32, #tpu.memory_space<vmem_shared>>
      %dma_start3A_54 = arith.constant 0 : i32
      %dma_start3A_55 = tpu.memref_slice %arg17[%dma_start3A_54, %mul3A_44] : memref<16x4096xf32, #tpu.memory_space<vmem_shared>> -> memref<16x256xf32, #tpu.memory_space<vmem_shared>>
      tpu.enqueue_dma source(%dma_start3A_55 : memref<16x256xf32, #tpu.memory_space<vmem_shared>>) target(%arg15 : memref<16x256xf32, #tpu.memory_space<vmem>>) target_semaphore(%run_scoped3A : memref<!tpu.dma_semaphore, #tpu.memory_space<semaphore_mem>>)
      %dma_wait3A_56 = arith.constant 0 : i32
      %dma_wait3A_57 = tpu.memref_slice %arg17[%dma_wait3A_56, %mul3A_44] : memref<16x4096xf32, #tpu.memory_space<vmem_shared>> -> memref<16x256xf32, #tpu.memory_space<vmem_shared>>
      %dma_wait3A_58 = arith.constant 0 : i32
      %dma_wait3A_59 = tpu.memref_slice %arg17[%dma_wait3A_58, %mul3A_44] : memref<16x4096xf32, #tpu.memory_space<vmem_shared>> -> memref<16x256xf32, #tpu.memory_space<vmem_shared>>
      tpu.wait_dma2 semaphore(%run_scoped3A : memref<!tpu.dma_semaphore, #tpu.memory_space<semaphore_mem>>) src(%dma_wait3A_59 : memref<16x256xf32, #tpu.memory_space<vmem_shared>>) dst(%arg15 : memref<16x256xf32, #tpu.memory_space<vmem>>)
      tpu.yield
    }) : () -> ()
    %scan3A_45 = arith.constant 0 : i32
    %scan3A_46 = arith.constant 0 : i32
    %scan3A_47 = arith.constant 16 : i32
    %scan3A_48 = arith.addi %scan3A_46, %scan3A_47 : i32
    %scan3A_49 = arith.constant 1 : i32
    %scan3A_50 = scf.for %scan3A_52 = %scan3A_46 to %scan3A_48 step %scan3A_49 iter_args(%scan3A_53 = %scan3A_45) -> (i32)  : i32 {
      %mul3A_54 = arith.constant 16 : i32
      %mul3A_55 = arith.muli %scan3A_52, %mul3A_54 : i32
      %get3A = arith.constant 0 : i32
      %get3A_56 = arith.index_cast %get3A : i32 to index
      %get3A_57 = arith.index_cast %mul3A_55 : i32 to index
      %get3A_58 = tpu.vector_load %arg15[%get3A_56, %get3A_57] {strides = array<i32>} : memref<16x256xf32, #tpu.memory_space<vmem>>, vector<16xf32>,
      %get3A_59 = arith.constant 1 : i32
      %get3A_60 = arith.index_cast %get3A_59 : i32 to index
      %get3A_61 = arith.index_cast %mul3A_55 : i32 to index
      %get3A_62 = tpu.vector_load %arg15[%get3A_60, %get3A_61] {strides = array<i32>} : memref<16x256xf32, #tpu.memory_space<vmem>>, vector<16xf32>,
      %add3A_63 = arith.addf %get3A_58, %get3A_62 : vector<16xf32>
      %get3A_64 = arith.constant 2 : i32
      %get3A_65 = arith.index_cast %get3A_64 : i32 to index
      %get3A_66 = arith.index_cast %mul3A_55 : i32 to index
      %get3A_67 = tpu.vector_load %arg15[%get3A_65, %get3A_66] {strides = array<i32>} : memref<16x256xf32, #tpu.memory_space<vmem>>, vector<16xf32>,
      %add3A_68 = arith.addf %add3A_63, %get3A_67 : vector<16xf32>
      %get3A_69 = arith.constant 3 : i32
      %get3A_70 = arith.index_cast %get3A_69 : i32 to index
      %get3A_71 = arith.index_cast %mul3A_55 : i32 to index
      %get3A_72 = tpu.vector_load %arg15[%get3A_70, %get3A_71] {strides = array<i32>} : memref<16x256xf32, #tpu.memory_space<vmem>>, vector<16xf32>,
      %add3A_73 = arith.addf %add3A_68, %get3A_72 : vector<16xf32>
      %get3A_74 = arith.constant 4 : i32
      %get3A_75 = arith.index_cast %get3A_74 : i32 to index
      %get3A_76 = arith.index_cast %mul3A_55 : i32 to index
      %get3A_77 = tpu.vector_load %arg15[%get3A_75, %get3A_76] {strides = array<i32>} : memref<16x256xf32, #tpu.memory_space<vmem>>, vector<16xf32>,
      %add3A_78 = arith.addf %add3A_73, %get3A_77 : vector<16xf32>
      %get3A_79 = arith.constant 5 : i32
      %get3A_80 = arith.index_cast %get3A_79 : i32 to index
      %get3A_81 = arith.index_cast %mul3A_55 : i32 to index
      %get3A_82 = tpu.vector_load %arg15[%get3A_80, %get3A_81] {strides = array<i32>} : memref<16x256xf32, #tpu.memory_space<vmem>>, vector<16xf32>,
      %add3A_83 = arith.addf %add3A_78, %get3A_82 : vector<16xf32>
      %get3A_84 = arith.constant 6 : i32
      %get3A_85 = arith.index_cast %get3A_84 : i32 to index
      %get3A_86 = arith.index_cast %mul3A_55 : i32 to index
      %get3A_87 = tpu.vector_load %arg15[%get3A_85, %get3A_86] {strides = array<i32>} : memref<16x256xf32, #tpu.memory_space<vmem>>, vector<16xf32>,
      %add3A_88 = arith.addf %add3A_83, %get3A_87 : vector<16xf32>
      %get3A_89 = arith.constant 7 : i32
      %get3A_90 = arith.index_cast %get3A_89 : i32 to index
      %get3A_91 = arith.index_cast %mul3A_55 : i32 to index
      %get3A_92 = tpu.vector_load %arg15[%get3A_90, %get3A_91] {strides = array<i32>} : memref<16x256xf32, #tpu.memory_space<vmem>>, vector<16xf32>,
      %add3A_93 = arith.addf %add3A_88, %get3A_92 : vector<16xf32>
      %get3A_94 = arith.constant 8 : i32
      %get3A_95 = arith.index_cast %get3A_94 : i32 to index
      %get3A_96 = arith.index_cast %mul3A_55 : i32 to index
      %get3A_97 = tpu.vector_load %arg15[%get3A_95, %get3A_96] {strides = array<i32>} : memref<16x256xf32, #tpu.memory_space<vmem>>, vector<16xf32>,
      %add3A_98 = arith.addf %add3A_93, %get3A_97 : vector<16xf32>
      %get3A_99 = arith.constant 9 : i32
      %get3A_100 = arith.index_cast %get3A_99 : i32 to index
      %get3A_101 = arith.index_cast %mul3A_55 : i32 to index
      %get3A_102 = tpu.vector_load %arg15[%get3A_100, %get3A_101] {strides = array<i32>} : memref<16x256xf32, #tpu.memory_space<vmem>>, vector<16xf32>,
      %add3A_103 = arith.addf %add3A_98, %get3A_102 : vector<16xf32>
      %get3A_104 = arith.constant 10 : i32
      %get3A_105 = arith.index_cast %get3A_104 : i32 to index
      %get3A_106 = arith.index_cast %mul3A_55 : i32 to index
      %get3A_107 = tpu.vector_load %arg15[%get3A_105, %get3A_106] {strides = array<i32>} : memref<16x256xf32, #tpu.memory_space<vmem>>, vector<16xf32>,
      %add3A_108 = arith.addf %add3A_103, %get3A_107 : vector<16xf32>
      %get3A_109 = arith.constant 11 : i32
      %get3A_110 = arith.index_cast %get3A_109 : i32 to index
      %get3A_111 = arith.index_cast %mul3A_55 : i32 to index
      %get3A_112 = tpu.vector_load %arg15[%get3A_110, %get3A_111] {strides = array<i32>} : memref<16x256xf32, #tpu.memory_space<vmem>>, vector<16xf32>,
      %add3A_113 = arith.addf %add3A_108, %get3A_112 : vector<16xf32>
      %get3A_114 = arith.constant 12 : i32
      %get3A_115 = arith.index_cast %get3A_114 : i32 to index
      %get3A_116 = arith.index_cast %mul3A_55 : i32 to index
      %get3A_117 = tpu.vector_load %arg15[%get3A_115, %get3A_116] {strides = array<i32>} : memref<16x256xf32, #tpu.memory_space<vmem>>, vector<16xf32>,
      %add3A_118 = arith.addf %add3A_113, %get3A_117 : vector<16xf32>
      %get3A_119 = arith.constant 13 : i32
      %get3A_120 = arith.index_cast %get3A_119 : i32 to index
      %get3A_121 = arith.index_cast %mul3A_55 : i32 to index
      %get3A_122 = tpu.vector_load %arg15[%get3A_120, %get3A_121] {strides = array<i32>} : memref<16x256xf32, #tpu.memory_space<vmem>>, vector<16xf32>,
      %add3A_123 = arith.addf %add3A_118, %get3A_122 : vector<16xf32>
      %get3A_124 = arith.constant 14 : i32
      %get3A_125 = arith.index_cast %get3A_124 : i32 to index
      %get3A_126 = arith.index_cast %mul3A_55 : i32 to index
      %get3A_127 = tpu.vector_load %arg15[%get3A_125, %get3A_126] {strides = array<i32>} : memref<16x256xf32, #tpu.memory_space<vmem>>, vector<16xf32>,
      %add3A_128 = arith.addf %add3A_123, %get3A_127 : vector<16xf32>
      %get3A_129 = arith.constant 15 : i32
      %get3A_130 = arith.index_cast %get3A_129 : i32 to index
      %get3A_131 = arith.index_cast %mul3A_55 : i32 to index
      %get3A_132 = tpu.vector_load %arg15[%get3A_130, %get3A_131] {strides = array<i32>} : memref<16x256xf32, #tpu.memory_space<vmem>>, vector<16xf32>,
      %add3A_133 = arith.addf %add3A_128, %get3A_132 : vector<16xf32>
      %swap3A = arith.index_cast %mul3A_55 : i32 to index
      %swap3A_134 = tpu.vector_load %arg16[%swap3A] {strides = array<i32>} : memref<256xf32, #tpu.memory_space<vmem>>, vector<16xf32>,
      tpu.vector_store %arg16[%swap3A], %add3A_133 {strides = array<i32>} : memref<256xf32, #tpu.memory_space<vmem>>, vector<16xf32>,
      %scan3A_135 = arith.constant 0 : i32
      scf.yield %scan3A_135 : i32
    }
    %scan3A_51 = arith.constant 16 : i32
    "tpu.region"() ({
      %run_scoped3A = tpu.sem_alloc : memref<!tpu.dma_semaphore, #tpu.memory_space<semaphore_mem>>
      %dma_start3A_52 = tpu.memref_slice %arg7[%arg0, %mul3A_44] : memref<2x4096xf32, #tpu.memory_space<hbm>> -> memref<1x256xf32, #tpu.memory_space<hbm>>
      %dma_start3A_53 = tpu.memref_squeeze %dma_start3A_52 : memref<1x256xf32, #tpu.memory_space<hbm>> -> memref<256xf32, #tpu.memory_space<hbm>>
      %dma_start3A_54 = tpu.memref_slice %arg7[%arg0, %mul3A_44] : memref<2x4096xf32, #tpu.memory_space<hbm>> -> memref<1x256xf32, #tpu.memory_space<hbm>>
      %dma_start3A_55 = tpu.memref_squeeze %dma_start3A_54 : memref<1x256xf32, #tpu.memory_space<hbm>> -> memref<256xf32, #tpu.memory_space<hbm>>
      tpu.enqueue_dma source(%arg16 : memref<256xf32, #tpu.memory_space<vmem>>) target(%dma_start3A_55 : memref<256xf32, #tpu.memory_space<hbm>>) target_semaphore(%run_scoped3A : memref<!tpu.dma_semaphore, #tpu.memory_space<semaphore_mem>>)
      %dma_wait3A_56 = tpu.memref_slice %arg7[%arg0, %mul3A_44] : memref<2x4096xf32, #tpu.memory_space<hbm>> -> memref<1x256xf32, #tpu.memory_space<hbm>>
      %dma_wait3A_57 = tpu.memref_squeeze %dma_wait3A_56 : memref<1x256xf32, #tpu.memory_space<hbm>> -> memref<256xf32, #tpu.memory_space<hbm>>
      %dma_wait3A_58 = tpu.memref_slice %arg7[%arg0, %mul3A_44] : memref<2x4096xf32, #tpu.memory_space<hbm>> -> memref<1x256xf32, #tpu.memory_space<hbm>>
      %dma_wait3A_59 = tpu.memref_squeeze %dma_wait3A_58 : memref<1x256xf32, #tpu.memory_space<hbm>> -> memref<256xf32, #tpu.memory_space<hbm>>
      tpu.wait_dma2 semaphore(%run_scoped3A : memref<!tpu.dma_semaphore, #tpu.memory_space<semaphore_mem>>) src(%arg16 : memref<256xf32, #tpu.memory_space<vmem>>) dst(%dma_wait3A_59 : memref<256xf32, #tpu.memory_space<hbm>>)
      tpu.yield
    }) : () -> ()
    return
  }
}

#map = affine_map<(d0, d1) -> (0)>
#map1 = affine_map<(d0, d1) -> (0, 0)>
module attributes {stable_mosaic.version = 14 : i64} {
  func.func @sc_scatter(%arg0: i32, %arg1: i32, %arg2: memref<29696xi32, #tpu.memory_space<hbm>>, %arg3: memref<29696xf32, #tpu.memory_space<hbm>>, %arg4: memref<29696xf32, #tpu.memory_space<hbm>>, %arg5: memref<29696xf32, #tpu.memory_space<hbm>>, %arg6: memref<29696xf32, #tpu.memory_space<hbm>>, %arg7: memref<2x4096xf32, #tpu.memory_space<hbm>>, %arg8: memref<960xi32, #tpu.memory_space<vmem>>, %arg9: memref<928xf32, #tpu.memory_space<vmem>>, %arg10: memref<928xf32, #tpu.memory_space<vmem>>, %arg11: memref<928xf32, #tpu.memory_space<vmem>>, %arg12: memref<928xf32, #tpu.memory_space<vmem>>, %arg13: memref<128xf32, #tpu.memory_space<vmem>>, %arg14: memref<4096xf32, #tpu.memory_space<vmem>>, %arg15: memref<16x256xf32, #tpu.memory_space<vmem>>, %arg16: memref<256xf32, #tpu.memory_space<vmem>>, %arg17: memref<16x4096xf32, #tpu.memory_space<vmem_shared>>, %arg18: memref<!tpu.dma_semaphore, #tpu.memory_space<semaphore_mem>>) attributes {dimension_semantics = [#tpu.dimension_semantics<core_parallel>, #tpu.dimension_semantics<subcore_parallel>], iteration_bounds = array<i64: 2, 16>, scalar_prefetch = 0 : i64, scratch_operands = 11 : i64, tpu.core_type = #tpu.core_type<sc_vector_subcore>, window_params = [{transform_indices = #map}, {transform_indices = #map}, {transform_indices = #map}, {transform_indices = #map}, {transform_indices = #map}, {transform_indices = #map1}]} {
    %mul3A = arith.constant 16 : i32
    %mul3A_0 = arith.muli %arg0, %mul3A : i32
    %add3A = arith.addi %mul3A_0, %arg1 : i32
    %mul3A_1 = arith.constant 928 : i32
    %mul3A_2 = arith.muli %add3A, %mul3A_1 : i32
    %dma_start3A = arith.constant 16 : i32
    %dma_start3A_3 = tpu.memref_slice %arg8[%dma_start3A] : memref<960xi32, #tpu.memory_space<vmem>> -> memref<928xi32, #tpu.memory_space<vmem>>
    %dma_start3A_4 = tpu.memref_slice %arg2[%mul3A_2] : memref<29696xi32, #tpu.memory_space<hbm>> -> memref<928xi32, #tpu.memory_space<hbm>>
    %dma_start3A_5 = arith.constant 16 : i32
    %dma_start3A_6 = tpu.memref_slice %arg8[%dma_start3A_5] : memref<960xi32, #tpu.memory_space<vmem>> -> memref<928xi32, #tpu.memory_space<vmem>>
    %dma_start3A_7 = tpu.memref_slice %arg2[%mul3A_2] : memref<29696xi32, #tpu.memory_space<hbm>> -> memref<928xi32, #tpu.memory_space<hbm>>
    tpu.enqueue_dma source(%dma_start3A_7 : memref<928xi32, #tpu.memory_space<hbm>>) target(%dma_start3A_6 : memref<928xi32, #tpu.memory_space<vmem>>) target_semaphore(%arg18 : memref<!tpu.dma_semaphore, #tpu.memory_space<semaphore_mem>>)
    %dma_start3A_8 = tpu.memref_slice %arg3[%mul3A_2] : memref<29696xf32, #tpu.memory_space<hbm>> -> memref<928xf32, #tpu.memory_space<hbm>>
    %dma_start3A_9 = tpu.memref_slice %arg3[%mul3A_2] : memref<29696xf32, #tpu.memory_space<hbm>> -> memref<928xf32, #tpu.memory_space<hbm>>
    tpu.enqueue_dma source(%dma_start3A_9 : memref<928xf32, #tpu.memory_space<hbm>>) target(%arg9 : memref<928xf32, #tpu.memory_space<vmem>>) target_semaphore(%arg18 : memref<!tpu.dma_semaphore, #tpu.memory_space<semaphore_mem>>)
    %dma_start3A_10 = tpu.memref_slice %arg4[%mul3A_2] : memref<29696xf32, #tpu.memory_space<hbm>> -> memref<928xf32, #tpu.memory_space<hbm>>
    %dma_start3A_11 = tpu.memref_slice %arg4[%mul3A_2] : memref<29696xf32, #tpu.memory_space<hbm>> -> memref<928xf32, #tpu.memory_space<hbm>>
    tpu.enqueue_dma source(%dma_start3A_11 : memref<928xf32, #tpu.memory_space<hbm>>) target(%arg10 : memref<928xf32, #tpu.memory_space<vmem>>) target_semaphore(%arg18 : memref<!tpu.dma_semaphore, #tpu.memory_space<semaphore_mem>>)
    %dma_start3A_12 = tpu.memref_slice %arg5[%mul3A_2] : memref<29696xf32, #tpu.memory_space<hbm>> -> memref<928xf32, #tpu.memory_space<hbm>>
    %dma_start3A_13 = tpu.memref_slice %arg5[%mul3A_2] : memref<29696xf32, #tpu.memory_space<hbm>> -> memref<928xf32, #tpu.memory_space<hbm>>
    tpu.enqueue_dma source(%dma_start3A_13 : memref<928xf32, #tpu.memory_space<hbm>>) target(%arg11 : memref<928xf32, #tpu.memory_space<vmem>>) target_semaphore(%arg18 : memref<!tpu.dma_semaphore, #tpu.memory_space<semaphore_mem>>)
    %dma_start3A_14 = tpu.memref_slice %arg6[%mul3A_2] : memref<29696xf32, #tpu.memory_space<hbm>> -> memref<928xf32, #tpu.memory_space<hbm>>
    %dma_start3A_15 = tpu.memref_slice %arg6[%mul3A_2] : memref<29696xf32, #tpu.memory_space<hbm>> -> memref<928xf32, #tpu.memory_space<hbm>>
    tpu.enqueue_dma source(%dma_start3A_15 : memref<928xf32, #tpu.memory_space<hbm>>) target(%arg12 : memref<928xf32, #tpu.memory_space<vmem>>) target_semaphore(%arg18 : memref<!tpu.dma_semaphore, #tpu.memory_space<semaphore_mem>>)
    %broadcast_in_dim3A = arith.constant 0.000000e+00 : f32
    %broadcast_in_dim3A_16 = vector.broadcast %broadcast_in_dim3A : f32 to vector<16xf32>
    %scan3A = arith.constant 0 : i32
    %scan3A_17 = arith.constant 0 : i32
    %scan3A_18 = arith.constant 32 : i32
    %scan3A_19 = arith.addi %scan3A_17, %scan3A_18 : i32
    %scan3A_20 = arith.constant 1 : i32
    %scan3A_21 = scf.for %scan3A_52 = %scan3A_17 to %scan3A_19 step %scan3A_20 iter_args(%scan3A_53 = %scan3A) -> (i32)  : i32 {
      %mul3A_54 = arith.constant 8 : i32
      %mul3A_55 = arith.muli %scan3A_52, %mul3A_54 : i32
      %mul3A_56 = arith.constant 16 : i32
      %mul3A_57 = arith.muli %mul3A_55, %mul3A_56 : i32
      %add3A_58 = arith.constant 0 : i32
      %add3A_59 = arith.addi %mul3A_57, %add3A_58 : i32
      %swap3A = arith.index_cast %add3A_59 : i32 to index
      %swap3A_60 = tpu.vector_load %arg14[%swap3A] {strides = array<i32>} : memref<4096xf32, #tpu.memory_space<vmem>>, vector<16xf32>,
      tpu.vector_store %arg14[%swap3A], %broadcast_in_dim3A_16 {strides = array<i32>} : memref<4096xf32, #tpu.memory_space<vmem>>, vector<16xf32>,
      %add3A_61 = arith.constant 16 : i32
      %add3A_62 = arith.addi %mul3A_57, %add3A_61 : i32
      %swap3A_63 = arith.index_cast %add3A_62 : i32 to index
      %swap3A_64 = tpu.vector_load %arg14[%swap3A_63] {strides = array<i32>} : memref<4096xf32, #tpu.memory_space<vmem>>, vector<16xf32>,
      tpu.vector_store %arg14[%swap3A_63], %broadcast_in_dim3A_16 {strides = array<i32>} : memref<4096xf32, #tpu.memory_space<vmem>>, vector<16xf32>,
      %add3A_65 = arith.constant 32 : i32
      %add3A_66 = arith.addi %mul3A_57, %add3A_65 : i32
      %swap3A_67 = arith.index_cast %add3A_66 : i32 to index
      %swap3A_68 = tpu.vector_load %arg14[%swap3A_67] {strides = array<i32>} : memref<4096xf32, #tpu.memory_space<vmem>>, vector<16xf32>,
      tpu.vector_store %arg14[%swap3A_67], %broadcast_in_dim3A_16 {strides = array<i32>} : memref<4096xf32, #tpu.memory_space<vmem>>, vector<16xf32>,
      %add3A_69 = arith.constant 48 : i32
      %add3A_70 = arith.addi %mul3A_57, %add3A_69 : i32
      %swap3A_71 = arith.index_cast %add3A_70 : i32 to index
      %swap3A_72 = tpu.vector_load %arg14[%swap3A_71] {strides = array<i32>} : memref<4096xf32, #tpu.memory_space<vmem>>, vector<16xf32>,
      tpu.vector_store %arg14[%swap3A_71], %broadcast_in_dim3A_16 {strides = array<i32>} : memref<4096xf32, #tpu.memory_space<vmem>>, vector<16xf32>,
      %add3A_73 = arith.constant 64 : i32
      %add3A_74 = arith.addi %mul3A_57, %add3A_73 : i32
      %swap3A_75 = arith.index_cast %add3A_74 : i32 to index
      %swap3A_76 = tpu.vector_load %arg14[%swap3A_75] {strides = array<i32>} : memref<4096xf32, #tpu.memory_space<vmem>>, vector<16xf32>,
      tpu.vector_store %arg14[%swap3A_75], %broadcast_in_dim3A_16 {strides = array<i32>} : memref<4096xf32, #tpu.memory_space<vmem>>, vector<16xf32>,
      %add3A_77 = arith.constant 80 : i32
      %add3A_78 = arith.addi %mul3A_57, %add3A_77 : i32
      %swap3A_79 = arith.index_cast %add3A_78 : i32 to index
      %swap3A_80 = tpu.vector_load %arg14[%swap3A_79] {strides = array<i32>} : memref<4096xf32, #tpu.memory_space<vmem>>, vector<16xf32>,
      tpu.vector_store %arg14[%swap3A_79], %broadcast_in_dim3A_16 {strides = array<i32>} : memref<4096xf32, #tpu.memory_space<vmem>>, vector<16xf32>,
      %add3A_81 = arith.constant 96 : i32
      %add3A_82 = arith.addi %mul3A_57, %add3A_81 : i32
      %swap3A_83 = arith.index_cast %add3A_82 : i32 to index
      %swap3A_84 = tpu.vector_load %arg14[%swap3A_83] {strides = array<i32>} : memref<4096xf32, #tpu.memory_space<vmem>>, vector<16xf32>,
      tpu.vector_store %arg14[%swap3A_83], %broadcast_in_dim3A_16 {strides = array<i32>} : memref<4096xf32, #tpu.memory_space<vmem>>, vector<16xf32>,
      %add3A_85 = arith.constant 112 : i32
      %add3A_86 = arith.addi %mul3A_57, %add3A_85 : i32
      %swap3A_87 = arith.index_cast %add3A_86 : i32 to index
      %swap3A_88 = tpu.vector_load %arg14[%swap3A_87] {strides = array<i32>} : memref<4096xf32, #tpu.memory_space<vmem>>, vector<16xf32>,
      tpu.vector_store %arg14[%swap3A_87], %broadcast_in_dim3A_16 {strides = array<i32>} : memref<4096xf32, #tpu.memory_space<vmem>>, vector<16xf32>,
      %scan3A_89 = arith.constant 0 : i32
      scf.yield %scan3A_89 : i32
    }
    %scan3A_22 = arith.constant 32 : i32
    %dma_wait3A = arith.constant 16 : i32
    %dma_wait3A_23 = tpu.memref_slice %arg8[%dma_wait3A] : memref<960xi32, #tpu.memory_space<vmem>> -> memref<928xi32, #tpu.memory_space<vmem>>
    %dma_wait3A_24 = tpu.memref_slice %arg2[%mul3A_2] : memref<29696xi32, #tpu.memory_space<hbm>> -> memref<928xi32, #tpu.memory_space<hbm>>
    %dma_wait3A_25 = arith.constant 16 : i32
    %dma_wait3A_26 = tpu.memref_slice %arg8[%dma_wait3A_25] : memref<960xi32, #tpu.memory_space<vmem>> -> memref<928xi32, #tpu.memory_space<vmem>>
    %dma_wait3A_27 = tpu.memref_slice %arg2[%mul3A_2] : memref<29696xi32, #tpu.memory_space<hbm>> -> memref<928xi32, #tpu.memory_space<hbm>>
    tpu.wait_dma2 semaphore(%arg18 : memref<!tpu.dma_semaphore, #tpu.memory_space<semaphore_mem>>) src(%dma_wait3A_27 : memref<928xi32, #tpu.memory_space<hbm>>) dst(%dma_wait3A_26 : memref<928xi32, #tpu.memory_space<vmem>>)
    %dma_wait3A_28 = tpu.memref_slice %arg3[%mul3A_2] : memref<29696xf32, #tpu.memory_space<hbm>> -> memref<928xf32, #tpu.memory_space<hbm>>
    %dma_wait3A_29 = tpu.memref_slice %arg3[%mul3A_2] : memref<29696xf32, #tpu.memory_space<hbm>> -> memref<928xf32, #tpu.memory_space<hbm>>
    tpu.wait_dma2 semaphore(%arg18 : memref<!tpu.dma_semaphore, #tpu.memory_space<semaphore_mem>>) src(%dma_wait3A_29 : memref<928xf32, #tpu.memory_space<hbm>>) dst(%arg9 : memref<928xf32, #tpu.memory_space<vmem>>)
    %dma_wait3A_30 = tpu.memref_slice %arg4[%mul3A_2] : memref<29696xf32, #tpu.memory_space<hbm>> -> memref<928xf32, #tpu.memory_space<hbm>>
    %dma_wait3A_31 = tpu.memref_slice %arg4[%mul3A_2] : memref<29696xf32, #tpu.memory_space<hbm>> -> memref<928xf32, #tpu.memory_space<hbm>>
    tpu.wait_dma2 semaphore(%arg18 : memref<!tpu.dma_semaphore, #tpu.memory_space<semaphore_mem>>) src(%dma_wait3A_31 : memref<928xf32, #tpu.memory_space<hbm>>) dst(%arg10 : memref<928xf32, #tpu.memory_space<vmem>>)
    %dma_wait3A_32 = tpu.memref_slice %arg5[%mul3A_2] : memref<29696xf32, #tpu.memory_space<hbm>> -> memref<928xf32, #tpu.memory_space<hbm>>
    %dma_wait3A_33 = tpu.memref_slice %arg5[%mul3A_2] : memref<29696xf32, #tpu.memory_space<hbm>> -> memref<928xf32, #tpu.memory_space<hbm>>
    tpu.wait_dma2 semaphore(%arg18 : memref<!tpu.dma_semaphore, #tpu.memory_space<semaphore_mem>>) src(%dma_wait3A_33 : memref<928xf32, #tpu.memory_space<hbm>>) dst(%arg11 : memref<928xf32, #tpu.memory_space<vmem>>)
    %dma_wait3A_34 = tpu.memref_slice %arg6[%mul3A_2] : memref<29696xf32, #tpu.memory_space<hbm>> -> memref<928xf32, #tpu.memory_space<hbm>>
    %dma_wait3A_35 = tpu.memref_slice %arg6[%mul3A_2] : memref<29696xf32, #tpu.memory_space<hbm>> -> memref<928xf32, #tpu.memory_space<hbm>>
    tpu.wait_dma2 semaphore(%arg18 : memref<!tpu.dma_semaphore, #tpu.memory_space<semaphore_mem>>) src(%dma_wait3A_35 : memref<928xf32, #tpu.memory_space<hbm>>) dst(%arg12 : memref<928xf32, #tpu.memory_space<vmem>>)
    %iota3A = tpu.iota {dimensions = array<i32: 0>} : vector<16xi32>
    %scan3A_36 = arith.constant 0 : i32
    %scan3A_37 = arith.constant 0 : i32
    %scan3A_38 = arith.constant 29 : i32
    %scan3A_39 = arith.addi %scan3A_37, %scan3A_38 : i32
    %scan3A_40 = arith.constant 1 : i32
    %scan3A_41 = scf.for %scan3A_52 = %scan3A_37 to %scan3A_39 step %scan3A_40 iter_args(%scan3A_53 = %scan3A_36) -> (i32)  : i32 {
      %mul3A_54 = arith.constant 2 : i32
      %mul3A_55 = arith.muli %scan3A_52, %mul3A_54 : i32
      %mul3A_56 = arith.constant 16 : i32
      %mul3A_57 = arith.muli %mul3A_55, %mul3A_56 : i32
      %add3A_58 = arith.constant 16 : i32
      %add3A_59 = arith.addi %mul3A_57, %add3A_58 : i32
      %get3A = arith.index_cast %add3A_59 : i32 to index
      %get3A_60 = tpu.vector_load %arg8[%get3A] {strides = array<i32>} : memref<960xi32, #tpu.memory_space<vmem>>, vector<16xi32>,
      %add3A_61 = arith.constant 16 : i32
      %add3A_62 = arith.addi %mul3A_57, %add3A_61 : i32
      %sub3A = arith.constant 1 : i32
      %sub3A_63 = arith.subi %add3A_62, %sub3A : i32
      %get3A_64 = arith.index_cast %sub3A_63 : i32 to index
      %get3A_65 = tpu.vector_load %arg8[%get3A_64] {strides = array<i32>} : memref<960xi32, #tpu.memory_space<vmem>>, vector<16xi32>,
      %add3A_66 = arith.constant 16 : i32
      %add3A_67 = arith.addi %mul3A_57, %add3A_66 : i32
      %add3A_68 = arith.constant 1 : i32
      %add3A_69 = arith.addi %add3A_67, %add3A_68 : i32
      %get3A_70 = arith.index_cast %add3A_69 : i32 to index
      %get3A_71 = tpu.vector_load %arg8[%get3A_70] {strides = array<i32>} : memref<960xi32, #tpu.memory_space<vmem>>, vector<16xi32>,
      %eq3A = arith.constant 0 : i32
      %eq3A_72 = vector.broadcast %eq3A : i32 to vector<16xi32>
      %eq3A_73 = arith.cmpi eq, %iota3A, %eq3A_72 : vector<16xi32>
      %ne3A = arith.cmpi ne, %get3A_60, %get3A_65 : vector<16xi32>
      %or3A = arith.ori %eq3A_73, %ne3A : vector<16xi1>
      %eq3A_74 = arith.constant 15 : i32
      %eq3A_75 = vector.broadcast %eq3A_74 : i32 to vector<16xi32>
      %eq3A_76 = arith.cmpi eq, %iota3A, %eq3A_75 : vector<16xi32>
      %ne3A_77 = arith.cmpi ne, %get3A_60, %get3A_71 : vector<16xi32>
      %or3A_78 = arith.ori %eq3A_76, %ne3A_77 : vector<16xi1>
      %jit3A = arith.constant 0 : i32
      %broadcast_in_dim3A_79 = vector.broadcast %jit3A : i32 to vector<16xi32>
      %select_n3A = arith.select %or3A, %iota3A, %broadcast_in_dim3A_79 : vector<16xi1>, vector<16xi32>
      %broadcast_in_dim3A_80 = arith.constant true
      %broadcast_in_dim3A_81 = vector.broadcast %broadcast_in_dim3A_80 : i1 to vector<16xi1>
      %masked_cummax3A = arith.constant -2147483648 : i32
      %masked_cummax3A_82 = vector.broadcast %masked_cummax3A : i32 to vector<16xi32>
      %masked_cummax3A_83 = arith.xori %select_n3A, %masked_cummax3A_82 : vector<16xi32>
      %masked_cummax3A_84 = tpu.scan <max>, %masked_cummax3A_83 masked %broadcast_in_dim3A_81 : vector<16xi32>, vector<16xi1> -> vector<16xi32>
      %masked_cummax3A_85 = arith.xori %masked_cummax3A_84, %masked_cummax3A_82 : vector<16xi32>
      %mul3A_86 = arith.constant 4 : i32
      %mul3A_87 = vector.broadcast %mul3A_86 : i32 to vector<16xi32>
      %mul3A_88 = arith.muli %get3A_60, %mul3A_87 : vector<16xi32>
      %get3A_89 = arith.index_cast %mul3A_57 : i32 to index
      %get3A_90 = tpu.vector_load %arg9[%get3A_89] {strides = array<i32>} : memref<928xf32, #tpu.memory_space<vmem>>, vector<16xf32>,
      %broadcast_in_dim3A_91 = arith.constant true
      %broadcast_in_dim3A_92 = vector.broadcast %broadcast_in_dim3A_91 : i1 to vector<16xi1>
      %masked_cumsum3A = tpu.scan <sum>, %get3A_90 masked %broadcast_in_dim3A_92 : vector<16xf32>, vector<16xi1> -> vector<16xf32>
      %sub3A_93 = arith.subf %masked_cumsum3A, %get3A_90 : vector<16xf32>
      %swap3A = arith.constant 0 : index
      %swap3A_94 = tpu.vector_load %arg13[%swap3A] {strides = array<i32>} : memref<128xf32, #tpu.memory_space<vmem>>, vector<16xf32>,
      tpu.vector_store %arg13[%swap3A], %sub3A_93 {strides = array<i32>} : memref<128xf32, #tpu.memory_space<vmem>>, vector<16xf32>,
      %add3A_95 = arith.constant 0 : i32
      %add3A_96 = vector.broadcast %add3A_95 : i32 to vector<16xi32>
      %add3A_97 = arith.addi %add3A_96, %masked_cummax3A_85 : vector<16xi32>
      %gather3A = tpu.vector_load_idx %arg13[%add3A_97] : memref<128xf32, #tpu.memory_space<vmem>>[vector<16xi32>], vector<16xf32>,
      %add3A_98 = arith.constant 0 : i32
      %add3A_99 = vector.broadcast %add3A_98 : i32 to vector<16xi32>
      %add3A_100 = arith.addi %mul3A_88, %add3A_99 : vector<16xi32>
      %sub3A_101 = arith.subf %masked_cumsum3A, %gather3A : vector<16xf32>
      tpu.vector_store_idx %arg14[%add3A_100], %sub3A_101 masked %or3A_78 {add = true} : memref<4096xf32, #tpu.memory_space<vmem>>[vector<16xi32>], vector<16xf32>, vector<16xi1>
      %get3A_102 = arith.index_cast %mul3A_57 : i32 to index
      %get3A_103 = tpu.vector_load %arg10[%get3A_102] {strides = array<i32>} : memref<928xf32, #tpu.memory_space<vmem>>, vector<16xf32>,
      %broadcast_in_dim3A_104 = arith.constant true
      %broadcast_in_dim3A_105 = vector.broadcast %broadcast_in_dim3A_104 : i1 to vector<16xi1>
      %masked_cumsum3A_106 = tpu.scan <sum>, %get3A_103 masked %broadcast_in_dim3A_105 : vector<16xf32>, vector<16xi1> -> vector<16xf32>
      %sub3A_107 = arith.subf %masked_cumsum3A_106, %get3A_103 : vector<16xf32>
      %swap3A_108 = arith.constant 16 : index
      %swap3A_109 = tpu.vector_load %arg13[%swap3A_108] {strides = array<i32>} : memref<128xf32, #tpu.memory_space<vmem>>, vector<16xf32>,
      tpu.vector_store %arg13[%swap3A_108], %sub3A_107 {strides = array<i32>} : memref<128xf32, #tpu.memory_space<vmem>>, vector<16xf32>,
      %add3A_110 = arith.constant 16 : i32
      %add3A_111 = vector.broadcast %add3A_110 : i32 to vector<16xi32>
      %add3A_112 = arith.addi %add3A_111, %masked_cummax3A_85 : vector<16xi32>
      %gather3A_113 = tpu.vector_load_idx %arg13[%add3A_112] : memref<128xf32, #tpu.memory_space<vmem>>[vector<16xi32>], vector<16xf32>,
      %add3A_114 = arith.constant 1 : i32
      %add3A_115 = vector.broadcast %add3A_114 : i32 to vector<16xi32>
      %add3A_116 = arith.addi %mul3A_88, %add3A_115 : vector<16xi32>
      %sub3A_117 = arith.subf %masked_cumsum3A_106, %gather3A_113 : vector<16xf32>
      tpu.vector_store_idx %arg14[%add3A_116], %sub3A_117 masked %or3A_78 {add = true} : memref<4096xf32, #tpu.memory_space<vmem>>[vector<16xi32>], vector<16xf32>, vector<16xi1>
      %get3A_118 = arith.index_cast %mul3A_57 : i32 to index
      %get3A_119 = tpu.vector_load %arg11[%get3A_118] {strides = array<i32>} : memref<928xf32, #tpu.memory_space<vmem>>, vector<16xf32>,
      %broadcast_in_dim3A_120 = arith.constant true
      %broadcast_in_dim3A_121 = vector.broadcast %broadcast_in_dim3A_120 : i1 to vector<16xi1>
      %masked_cumsum3A_122 = tpu.scan <sum>, %get3A_119 masked %broadcast_in_dim3A_121 : vector<16xf32>, vector<16xi1> -> vector<16xf32>
      %sub3A_123 = arith.subf %masked_cumsum3A_122, %get3A_119 : vector<16xf32>
      %swap3A_124 = arith.constant 32 : index
      %swap3A_125 = tpu.vector_load %arg13[%swap3A_124] {strides = array<i32>} : memref<128xf32, #tpu.memory_space<vmem>>, vector<16xf32>,
      tpu.vector_store %arg13[%swap3A_124], %sub3A_123 {strides = array<i32>} : memref<128xf32, #tpu.memory_space<vmem>>, vector<16xf32>,
      %add3A_126 = arith.constant 32 : i32
      %add3A_127 = vector.broadcast %add3A_126 : i32 to vector<16xi32>
      %add3A_128 = arith.addi %add3A_127, %masked_cummax3A_85 : vector<16xi32>
      %gather3A_129 = tpu.vector_load_idx %arg13[%add3A_128] : memref<128xf32, #tpu.memory_space<vmem>>[vector<16xi32>], vector<16xf32>,
      %add3A_130 = arith.constant 2 : i32
      %add3A_131 = vector.broadcast %add3A_130 : i32 to vector<16xi32>
      %add3A_132 = arith.addi %mul3A_88, %add3A_131 : vector<16xi32>
      %sub3A_133 = arith.subf %masked_cumsum3A_122, %gather3A_129 : vector<16xf32>
      tpu.vector_store_idx %arg14[%add3A_132], %sub3A_133 masked %or3A_78 {add = true} : memref<4096xf32, #tpu.memory_space<vmem>>[vector<16xi32>], vector<16xf32>, vector<16xi1>
      %get3A_134 = arith.index_cast %mul3A_57 : i32 to index
      %get3A_135 = tpu.vector_load %arg12[%get3A_134] {strides = array<i32>} : memref<928xf32, #tpu.memory_space<vmem>>, vector<16xf32>,
      %broadcast_in_dim3A_136 = arith.constant true
      %broadcast_in_dim3A_137 = vector.broadcast %broadcast_in_dim3A_136 : i1 to vector<16xi1>
      %masked_cumsum3A_138 = tpu.scan <sum>, %get3A_135 masked %broadcast_in_dim3A_137 : vector<16xf32>, vector<16xi1> -> vector<16xf32>
      %sub3A_139 = arith.subf %masked_cumsum3A_138, %get3A_135 : vector<16xf32>
      %swap3A_140 = arith.constant 48 : index
      %swap3A_141 = tpu.vector_load %arg13[%swap3A_140] {strides = array<i32>} : memref<128xf32, #tpu.memory_space<vmem>>, vector<16xf32>,
      tpu.vector_store %arg13[%swap3A_140], %sub3A_139 {strides = array<i32>} : memref<128xf32, #tpu.memory_space<vmem>>, vector<16xf32>,
      %add3A_142 = arith.constant 48 : i32
      %add3A_143 = vector.broadcast %add3A_142 : i32 to vector<16xi32>
      %add3A_144 = arith.addi %add3A_143, %masked_cummax3A_85 : vector<16xi32>
      %gather3A_145 = tpu.vector_load_idx %arg13[%add3A_144] : memref<128xf32, #tpu.memory_space<vmem>>[vector<16xi32>], vector<16xf32>,
      %add3A_146 = arith.constant 3 : i32
      %add3A_147 = vector.broadcast %add3A_146 : i32 to vector<16xi32>
      %add3A_148 = arith.addi %mul3A_88, %add3A_147 : vector<16xi32>
      %sub3A_149 = arith.subf %masked_cumsum3A_138, %gather3A_145 : vector<16xf32>
      tpu.vector_store_idx %arg14[%add3A_148], %sub3A_149 masked %or3A_78 {add = true} : memref<4096xf32, #tpu.memory_space<vmem>>[vector<16xi32>], vector<16xf32>, vector<16xi1>
      %add3A_150 = arith.constant 16 : i32
      %add3A_151 = arith.addi %mul3A_57, %add3A_150 : i32
      %add3A_152 = arith.constant 16 : i32
      %add3A_153 = arith.addi %add3A_151, %add3A_152 : i32
      %get3A_154 = arith.index_cast %add3A_153 : i32 to index
      %get3A_155 = tpu.vector_load %arg8[%get3A_154] {strides = array<i32>} : memref<960xi32, #tpu.memory_space<vmem>>, vector<16xi32>,
      %add3A_156 = arith.constant 16 : i32
      %add3A_157 = arith.addi %add3A_151, %add3A_156 : i32
      %sub3A_158 = arith.constant 1 : i32
      %sub3A_159 = arith.subi %add3A_157, %sub3A_158 : i32
      %get3A_160 = arith.index_cast %sub3A_159 : i32 to index
      %get3A_161 = tpu.vector_load %arg8[%get3A_160] {strides = array<i32>} : memref<960xi32, #tpu.memory_space<vmem>>, vector<16xi32>,
      %add3A_162 = arith.constant 16 : i32
      %add3A_163 = arith.addi %add3A_151, %add3A_162 : i32
      %add3A_164 = arith.constant 1 : i32
      %add3A_165 = arith.addi %add3A_163, %add3A_164 : i32
      %get3A_166 = arith.index_cast %add3A_165 : i32 to index
      %get3A_167 = tpu.vector_load %arg8[%get3A_166] {strides = array<i32>} : memref<960xi32, #tpu.memory_space<vmem>>, vector<16xi32>,
      %eq3A_168 = arith.constant 0 : i32
      %eq3A_169 = vector.broadcast %eq3A_168 : i32 to vector<16xi32>
      %eq3A_170 = arith.cmpi eq, %iota3A, %eq3A_169 : vector<16xi32>
      %ne3A_171 = arith.cmpi ne, %get3A_155, %get3A_161 : vector<16xi32>
      %or3A_172 = arith.ori %eq3A_170, %ne3A_171 : vector<16xi1>
      %eq3A_173 = arith.constant 15 : i32
      %eq3A_174 = vector.broadcast %eq3A_173 : i32 to vector<16xi32>
      %eq3A_175 = arith.cmpi eq, %iota3A, %eq3A_174 : vector<16xi32>
      %ne3A_176 = arith.cmpi ne, %get3A_155, %get3A_167 : vector<16xi32>
      %or3A_177 = arith.ori %eq3A_175, %ne3A_176 : vector<16xi1>
      %jit3A_178 = arith.constant 0 : i32
      %broadcast_in_dim3A_179 = vector.broadcast %jit3A_178 : i32 to vector<16xi32>
      %select_n3A_180 = arith.select %or3A_172, %iota3A, %broadcast_in_dim3A_179 : vector<16xi1>, vector<16xi32>
      %broadcast_in_dim3A_181 = arith.constant true
      %broadcast_in_dim3A_182 = vector.broadcast %broadcast_in_dim3A_181 : i1 to vector<16xi1>
      %masked_cummax3A_183 = arith.constant -2147483648 : i32
      %masked_cummax3A_184 = vector.broadcast %masked_cummax3A_183 : i32 to vector<16xi32>
      %masked_cummax3A_185 = arith.xori %select_n3A_180, %masked_cummax3A_184 : vector<16xi32>
      %masked_cummax3A_186 = tpu.scan <max>, %masked_cummax3A_185 masked %broadcast_in_dim3A_182 : vector<16xi32>, vector<16xi1> -> vector<16xi32>
      %masked_cummax3A_187 = arith.xori %masked_cummax3A_186, %masked_cummax3A_184 : vector<16xi32>
      %mul3A_188 = arith.constant 4 : i32
      %mul3A_189 = vector.broadcast %mul3A_188 : i32 to vector<16xi32>
      %mul3A_190 = arith.muli %get3A_155, %mul3A_189 : vector<16xi32>
      %get3A_191 = arith.index_cast %add3A_151 : i32 to index
      %get3A_192 = tpu.vector_load %arg9[%get3A_191] {strides = array<i32>} : memref<928xf32, #tpu.memory_space<vmem>>, vector<16xf32>,
      %broadcast_in_dim3A_193 = arith.constant true
      %broadcast_in_dim3A_194 = vector.broadcast %broadcast_in_dim3A_193 : i1 to vector<16xi1>
      %masked_cumsum3A_195 = tpu.scan <sum>, %get3A_192 masked %broadcast_in_dim3A_194 : vector<16xf32>, vector<16xi1> -> vector<16xf32>
      %sub3A_196 = arith.subf %masked_cumsum3A_195, %get3A_192 : vector<16xf32>
      %swap3A_197 = arith.constant 64 : index
      %swap3A_198 = tpu.vector_load %arg13[%swap3A_197] {strides = array<i32>} : memref<128xf32, #tpu.memory_space<vmem>>, vector<16xf32>,
      tpu.vector_store %arg13[%swap3A_197], %sub3A_196 {strides = array<i32>} : memref<128xf32, #tpu.memory_space<vmem>>, vector<16xf32>,
      %add3A_199 = arith.constant 64 : i32
      %add3A_200 = vector.broadcast %add3A_199 : i32 to vector<16xi32>
      %add3A_201 = arith.addi %add3A_200, %masked_cummax3A_187 : vector<16xi32>
      %gather3A_202 = tpu.vector_load_idx %arg13[%add3A_201] : memref<128xf32, #tpu.memory_space<vmem>>[vector<16xi32>], vector<16xf32>,
      %add3A_203 = arith.constant 0 : i32
      %add3A_204 = vector.broadcast %add3A_203 : i32 to vector<16xi32>
      %add3A_205 = arith.addi %mul3A_190, %add3A_204 : vector<16xi32>
      %sub3A_206 = arith.subf %masked_cumsum3A_195, %gather3A_202 : vector<16xf32>
      tpu.vector_store_idx %arg14[%add3A_205], %sub3A_206 masked %or3A_177 {add = true} : memref<4096xf32, #tpu.memory_space<vmem>>[vector<16xi32>], vector<16xf32>, vector<16xi1>
      %get3A_207 = arith.index_cast %add3A_151 : i32 to index
      %get3A_208 = tpu.vector_load %arg10[%get3A_207] {strides = array<i32>} : memref<928xf32, #tpu.memory_space<vmem>>, vector<16xf32>,
      %broadcast_in_dim3A_209 = arith.constant true
      %broadcast_in_dim3A_210 = vector.broadcast %broadcast_in_dim3A_209 : i1 to vector<16xi1>
      %masked_cumsum3A_211 = tpu.scan <sum>, %get3A_208 masked %broadcast_in_dim3A_210 : vector<16xf32>, vector<16xi1> -> vector<16xf32>
      %sub3A_212 = arith.subf %masked_cumsum3A_211, %get3A_208 : vector<16xf32>
      %swap3A_213 = arith.constant 80 : index
      %swap3A_214 = tpu.vector_load %arg13[%swap3A_213] {strides = array<i32>} : memref<128xf32, #tpu.memory_space<vmem>>, vector<16xf32>,
      tpu.vector_store %arg13[%swap3A_213], %sub3A_212 {strides = array<i32>} : memref<128xf32, #tpu.memory_space<vmem>>, vector<16xf32>,
      %add3A_215 = arith.constant 80 : i32
      %add3A_216 = vector.broadcast %add3A_215 : i32 to vector<16xi32>
      %add3A_217 = arith.addi %add3A_216, %masked_cummax3A_187 : vector<16xi32>
      %gather3A_218 = tpu.vector_load_idx %arg13[%add3A_217] : memref<128xf32, #tpu.memory_space<vmem>>[vector<16xi32>], vector<16xf32>,
      %add3A_219 = arith.constant 1 : i32
      %add3A_220 = vector.broadcast %add3A_219 : i32 to vector<16xi32>
      %add3A_221 = arith.addi %mul3A_190, %add3A_220 : vector<16xi32>
      %sub3A_222 = arith.subf %masked_cumsum3A_211, %gather3A_218 : vector<16xf32>
      tpu.vector_store_idx %arg14[%add3A_221], %sub3A_222 masked %or3A_177 {add = true} : memref<4096xf32, #tpu.memory_space<vmem>>[vector<16xi32>], vector<16xf32>, vector<16xi1>
      %get3A_223 = arith.index_cast %add3A_151 : i32 to index
      %get3A_224 = tpu.vector_load %arg11[%get3A_223] {strides = array<i32>} : memref<928xf32, #tpu.memory_space<vmem>>, vector<16xf32>,
      %broadcast_in_dim3A_225 = arith.constant true
      %broadcast_in_dim3A_226 = vector.broadcast %broadcast_in_dim3A_225 : i1 to vector<16xi1>
      %masked_cumsum3A_227 = tpu.scan <sum>, %get3A_224 masked %broadcast_in_dim3A_226 : vector<16xf32>, vector<16xi1> -> vector<16xf32>
      %sub3A_228 = arith.subf %masked_cumsum3A_227, %get3A_224 : vector<16xf32>
      %swap3A_229 = arith.constant 96 : index
      %swap3A_230 = tpu.vector_load %arg13[%swap3A_229] {strides = array<i32>} : memref<128xf32, #tpu.memory_space<vmem>>, vector<16xf32>,
      tpu.vector_store %arg13[%swap3A_229], %sub3A_228 {strides = array<i32>} : memref<128xf32, #tpu.memory_space<vmem>>, vector<16xf32>,
      %add3A_231 = arith.constant 96 : i32
      %add3A_232 = vector.broadcast %add3A_231 : i32 to vector<16xi32>
      %add3A_233 = arith.addi %add3A_232, %masked_cummax3A_187 : vector<16xi32>
      %gather3A_234 = tpu.vector_load_idx %arg13[%add3A_233] : memref<128xf32, #tpu.memory_space<vmem>>[vector<16xi32>], vector<16xf32>,
      %add3A_235 = arith.constant 2 : i32
      %add3A_236 = vector.broadcast %add3A_235 : i32 to vector<16xi32>
      %add3A_237 = arith.addi %mul3A_190, %add3A_236 : vector<16xi32>
      %sub3A_238 = arith.subf %masked_cumsum3A_227, %gather3A_234 : vector<16xf32>
      tpu.vector_store_idx %arg14[%add3A_237], %sub3A_238 masked %or3A_177 {add = true} : memref<4096xf32, #tpu.memory_space<vmem>>[vector<16xi32>], vector<16xf32>, vector<16xi1>
      %get3A_239 = arith.index_cast %add3A_151 : i32 to index
      %get3A_240 = tpu.vector_load %arg12[%get3A_239] {strides = array<i32>} : memref<928xf32, #tpu.memory_space<vmem>>, vector<16xf32>,
      %broadcast_in_dim3A_241 = arith.constant true
      %broadcast_in_dim3A_242 = vector.broadcast %broadcast_in_dim3A_241 : i1 to vector<16xi1>
      %masked_cumsum3A_243 = tpu.scan <sum>, %get3A_240 masked %broadcast_in_dim3A_242 : vector<16xf32>, vector<16xi1> -> vector<16xf32>
      %sub3A_244 = arith.subf %masked_cumsum3A_243, %get3A_240 : vector<16xf32>
      %swap3A_245 = arith.constant 112 : index
      %swap3A_246 = tpu.vector_load %arg13[%swap3A_245] {strides = array<i32>} : memref<128xf32, #tpu.memory_space<vmem>>, vector<16xf32>,
      tpu.vector_store %arg13[%swap3A_245], %sub3A_244 {strides = array<i32>} : memref<128xf32, #tpu.memory_space<vmem>>, vector<16xf32>,
      %add3A_247 = arith.constant 112 : i32
      %add3A_248 = vector.broadcast %add3A_247 : i32 to vector<16xi32>
      %add3A_249 = arith.addi %add3A_248, %masked_cummax3A_187 : vector<16xi32>
      %gather3A_250 = tpu.vector_load_idx %arg13[%add3A_249] : memref<128xf32, #tpu.memory_space<vmem>>[vector<16xi32>], vector<16xf32>,
      %add3A_251 = arith.constant 3 : i32
      %add3A_252 = vector.broadcast %add3A_251 : i32 to vector<16xi32>
      %add3A_253 = arith.addi %mul3A_190, %add3A_252 : vector<16xi32>
      %sub3A_254 = arith.subf %masked_cumsum3A_243, %gather3A_250 : vector<16xf32>
      tpu.vector_store_idx %arg14[%add3A_253], %sub3A_254 masked %or3A_177 {add = true} : memref<4096xf32, #tpu.memory_space<vmem>>[vector<16xi32>], vector<16xf32>, vector<16xi1>
      %scan3A_255 = arith.constant 0 : i32
      scf.yield %scan3A_255 : i32
    }
    %scan3A_42 = arith.constant 29 : i32
    "tpu.region"() ({
      %run_scoped3A = tpu.sem_alloc : memref<!tpu.dma_semaphore, #tpu.memory_space<semaphore_mem>>
      %dma_start3A_52 = arith.constant 0 : i32
      %dma_start3A_53 = tpu.memref_slice %arg17[%arg1, %dma_start3A_52] : memref<16x4096xf32, #tpu.memory_space<vmem_shared>> -> memref<1x4096xf32, #tpu.memory_space<vmem_shared>>
      %dma_start3A_54 = tpu.memref_squeeze %dma_start3A_53 : memref<1x4096xf32, #tpu.memory_space<vmem_shared>> -> memref<4096xf32, #tpu.memory_space<vmem_shared>>
      %dma_start3A_55 = arith.constant 0 : i32
      %dma_start3A_56 = tpu.memref_slice %arg17[%arg1, %dma_start3A_55] : memref<16x4096xf32, #tpu.memory_space<vmem_shared>> -> memref<1x4096xf32, #tpu.memory_space<vmem_shared>>
      %dma_start3A_57 = tpu.memref_squeeze %dma_start3A_56 : memref<1x4096xf32, #tpu.memory_space<vmem_shared>> -> memref<4096xf32, #tpu.memory_space<vmem_shared>>
      tpu.enqueue_dma source(%arg14 : memref<4096xf32, #tpu.memory_space<vmem>>) target(%dma_start3A_57 : memref<4096xf32, #tpu.memory_space<vmem_shared>>) target_semaphore(%run_scoped3A : memref<!tpu.dma_semaphore, #tpu.memory_space<semaphore_mem>>)
      %dma_wait3A_58 = arith.constant 0 : i32
      %dma_wait3A_59 = tpu.memref_slice %arg17[%arg1, %dma_wait3A_58] : memref<16x4096xf32, #tpu.memory_space<vmem_shared>> -> memref<1x4096xf32, #tpu.memory_space<vmem_shared>>
      %dma_wait3A_60 = tpu.memref_squeeze %dma_wait3A_59 : memref<1x4096xf32, #tpu.memory_space<vmem_shared>> -> memref<4096xf32, #tpu.memory_space<vmem_shared>>
      %dma_wait3A_61 = arith.constant 0 : i32
      %dma_wait3A_62 = tpu.memref_slice %arg17[%arg1, %dma_wait3A_61] : memref<16x4096xf32, #tpu.memory_space<vmem_shared>> -> memref<1x4096xf32, #tpu.memory_space<vmem_shared>>
      %dma_wait3A_63 = tpu.memref_squeeze %dma_wait3A_62 : memref<1x4096xf32, #tpu.memory_space<vmem_shared>> -> memref<4096xf32, #tpu.memory_space<vmem_shared>>
      tpu.wait_dma2 semaphore(%run_scoped3A : memref<!tpu.dma_semaphore, #tpu.memory_space<semaphore_mem>>) src(%arg14 : memref<4096xf32, #tpu.memory_space<vmem>>) dst(%dma_wait3A_63 : memref<4096xf32, #tpu.memory_space<vmem_shared>>)
      tpu.yield
    }) : () -> ()
    %barrier3A = arith.constant 0 : index
    tpu.barrier barrier_id(%barrier3A)
    %mul3A_43 = arith.constant 256 : i32
    %mul3A_44 = arith.muli %arg1, %mul3A_43 : i32
    "tpu.region"() ({
      %run_scoped3A = tpu.sem_alloc : memref<!tpu.dma_semaphore, #tpu.memory_space<semaphore_mem>>
      %dma_start3A_52 = arith.constant 0 : i32
      %dma_start3A_53 = tpu.memref_slice %arg17[%dma_start3A_52, %mul3A_44] : memref<16x4096xf32, #tpu.memory_space<vmem_shared>> -> memref<16x256xf32, #tpu.memory_space<vmem_shared>>
      %dma_start3A_54 = arith.constant 0 : i32
      %dma_start3A_55 = tpu.memref_slice %arg17[%dma_start3A_54, %mul3A_44] : memref<16x4096xf32, #tpu.memory_space<vmem_shared>> -> memref<16x256xf32, #tpu.memory_space<vmem_shared>>
      tpu.enqueue_dma source(%dma_start3A_55 : memref<16x256xf32, #tpu.memory_space<vmem_shared>>) target(%arg15 : memref<16x256xf32, #tpu.memory_space<vmem>>) target_semaphore(%run_scoped3A : memref<!tpu.dma_semaphore, #tpu.memory_space<semaphore_mem>>)
      %dma_wait3A_56 = arith.constant 0 : i32
      %dma_wait3A_57 = tpu.memref_slice %arg17[%dma_wait3A_56, %mul3A_44] : memref<16x4096xf32, #tpu.memory_space<vmem_shared>> -> memref<16x256xf32, #tpu.memory_space<vmem_shared>>
      %dma_wait3A_58 = arith.constant 0 : i32
      %dma_wait3A_59 = tpu.memref_slice %arg17[%dma_wait3A_58, %mul3A_44] : memref<16x4096xf32, #tpu.memory_space<vmem_shared>> -> memref<16x256xf32, #tpu.memory_space<vmem_shared>>
      tpu.wait_dma2 semaphore(%run_scoped3A : memref<!tpu.dma_semaphore, #tpu.memory_space<semaphore_mem>>) src(%dma_wait3A_59 : memref<16x256xf32, #tpu.memory_space<vmem_shared>>) dst(%arg15 : memref<16x256xf32, #tpu.memory_space<vmem>>)
      tpu.yield
    }) : () -> ()
    %scan3A_45 = arith.constant 0 : i32
    %scan3A_46 = arith.constant 0 : i32
    %scan3A_47 = arith.constant 16 : i32
    %scan3A_48 = arith.addi %scan3A_46, %scan3A_47 : i32
    %scan3A_49 = arith.constant 1 : i32
    %scan3A_50 = scf.for %scan3A_52 = %scan3A_46 to %scan3A_48 step %scan3A_49 iter_args(%scan3A_53 = %scan3A_45) -> (i32)  : i32 {
      %mul3A_54 = arith.constant 16 : i32
      %mul3A_55 = arith.muli %scan3A_52, %mul3A_54 : i32
      %get3A = arith.constant 0 : i32
      %get3A_56 = arith.index_cast %get3A : i32 to index
      %get3A_57 = arith.index_cast %mul3A_55 : i32 to index
      %get3A_58 = tpu.vector_load %arg15[%get3A_56, %get3A_57] {strides = array<i32>} : memref<16x256xf32, #tpu.memory_space<vmem>>, vector<16xf32>,
      %get3A_59 = arith.constant 1 : i32
      %get3A_60 = arith.index_cast %get3A_59 : i32 to index
      %get3A_61 = arith.index_cast %mul3A_55 : i32 to index
      %get3A_62 = tpu.vector_load %arg15[%get3A_60, %get3A_61] {strides = array<i32>} : memref<16x256xf32, #tpu.memory_space<vmem>>, vector<16xf32>,
      %add3A_63 = arith.addf %get3A_58, %get3A_62 : vector<16xf32>
      %get3A_64 = arith.constant 2 : i32
      %get3A_65 = arith.index_cast %get3A_64 : i32 to index
      %get3A_66 = arith.index_cast %mul3A_55 : i32 to index
      %get3A_67 = tpu.vector_load %arg15[%get3A_65, %get3A_66] {strides = array<i32>} : memref<16x256xf32, #tpu.memory_space<vmem>>, vector<16xf32>,
      %add3A_68 = arith.addf %add3A_63, %get3A_67 : vector<16xf32>
      %get3A_69 = arith.constant 3 : i32
      %get3A_70 = arith.index_cast %get3A_69 : i32 to index
      %get3A_71 = arith.index_cast %mul3A_55 : i32 to index
      %get3A_72 = tpu.vector_load %arg15[%get3A_70, %get3A_71] {strides = array<i32>} : memref<16x256xf32, #tpu.memory_space<vmem>>, vector<16xf32>,
      %add3A_73 = arith.addf %add3A_68, %get3A_72 : vector<16xf32>
      %get3A_74 = arith.constant 4 : i32
      %get3A_75 = arith.index_cast %get3A_74 : i32 to index
      %get3A_76 = arith.index_cast %mul3A_55 : i32 to index
      %get3A_77 = tpu.vector_load %arg15[%get3A_75, %get3A_76] {strides = array<i32>} : memref<16x256xf32, #tpu.memory_space<vmem>>, vector<16xf32>,
      %add3A_78 = arith.addf %add3A_73, %get3A_77 : vector<16xf32>
      %get3A_79 = arith.constant 5 : i32
      %get3A_80 = arith.index_cast %get3A_79 : i32 to index
      %get3A_81 = arith.index_cast %mul3A_55 : i32 to index
      %get3A_82 = tpu.vector_load %arg15[%get3A_80, %get3A_81] {strides = array<i32>} : memref<16x256xf32, #tpu.memory_space<vmem>>, vector<16xf32>,
      %add3A_83 = arith.addf %add3A_78, %get3A_82 : vector<16xf32>
      %get3A_84 = arith.constant 6 : i32
      %get3A_85 = arith.index_cast %get3A_84 : i32 to index
      %get3A_86 = arith.index_cast %mul3A_55 : i32 to index
      %get3A_87 = tpu.vector_load %arg15[%get3A_85, %get3A_86] {strides = array<i32>} : memref<16x256xf32, #tpu.memory_space<vmem>>, vector<16xf32>,
      %add3A_88 = arith.addf %add3A_83, %get3A_87 : vector<16xf32>
      %get3A_89 = arith.constant 7 : i32
      %get3A_90 = arith.index_cast %get3A_89 : i32 to index
      %get3A_91 = arith.index_cast %mul3A_55 : i32 to index
      %get3A_92 = tpu.vector_load %arg15[%get3A_90, %get3A_91] {strides = array<i32>} : memref<16x256xf32, #tpu.memory_space<vmem>>, vector<16xf32>,
      %add3A_93 = arith.addf %add3A_88, %get3A_92 : vector<16xf32>
      %get3A_94 = arith.constant 8 : i32
      %get3A_95 = arith.index_cast %get3A_94 : i32 to index
      %get3A_96 = arith.index_cast %mul3A_55 : i32 to index
      %get3A_97 = tpu.vector_load %arg15[%get3A_95, %get3A_96] {strides = array<i32>} : memref<16x256xf32, #tpu.memory_space<vmem>>, vector<16xf32>,
      %add3A_98 = arith.addf %add3A_93, %get3A_97 : vector<16xf32>
      %get3A_99 = arith.constant 9 : i32
      %get3A_100 = arith.index_cast %get3A_99 : i32 to index
      %get3A_101 = arith.index_cast %mul3A_55 : i32 to index
      %get3A_102 = tpu.vector_load %arg15[%get3A_100, %get3A_101] {strides = array<i32>} : memref<16x256xf32, #tpu.memory_space<vmem>>, vector<16xf32>,
      %add3A_103 = arith.addf %add3A_98, %get3A_102 : vector<16xf32>
      %get3A_104 = arith.constant 10 : i32
      %get3A_105 = arith.index_cast %get3A_104 : i32 to index
      %get3A_106 = arith.index_cast %mul3A_55 : i32 to index
      %get3A_107 = tpu.vector_load %arg15[%get3A_105, %get3A_106] {strides = array<i32>} : memref<16x256xf32, #tpu.memory_space<vmem>>, vector<16xf32>,
      %add3A_108 = arith.addf %add3A_103, %get3A_107 : vector<16xf32>
      %get3A_109 = arith.constant 11 : i32
      %get3A_110 = arith.index_cast %get3A_109 : i32 to index
      %get3A_111 = arith.index_cast %mul3A_55 : i32 to index
      %get3A_112 = tpu.vector_load %arg15[%get3A_110, %get3A_111] {strides = array<i32>} : memref<16x256xf32, #tpu.memory_space<vmem>>, vector<16xf32>,
      %add3A_113 = arith.addf %add3A_108, %get3A_112 : vector<16xf32>
      %get3A_114 = arith.constant 12 : i32
      %get3A_115 = arith.index_cast %get3A_114 : i32 to index
      %get3A_116 = arith.index_cast %mul3A_55 : i32 to index
      %get3A_117 = tpu.vector_load %arg15[%get3A_115, %get3A_116] {strides = array<i32>} : memref<16x256xf32, #tpu.memory_space<vmem>>, vector<16xf32>,
      %add3A_118 = arith.addf %add3A_113, %get3A_117 : vector<16xf32>
      %get3A_119 = arith.constant 13 : i32
      %get3A_120 = arith.index_cast %get3A_119 : i32 to index
      %get3A_121 = arith.index_cast %mul3A_55 : i32 to index
      %get3A_122 = tpu.vector_load %arg15[%get3A_120, %get3A_121] {strides = array<i32>} : memref<16x256xf32, #tpu.memory_space<vmem>>, vector<16xf32>,
      %add3A_123 = arith.addf %add3A_118, %get3A_122 : vector<16xf32>
      %get3A_124 = arith.constant 14 : i32
      %get3A_125 = arith.index_cast %get3A_124 : i32 to index
      %get3A_126 = arith.index_cast %mul3A_55 : i32 to index
      %get3A_127 = tpu.vector_load %arg15[%get3A_125, %get3A_126] {strides = array<i32>} : memref<16x256xf32, #tpu.memory_space<vmem>>, vector<16xf32>,
      %add3A_128 = arith.addf %add3A_123, %get3A_127 : vector<16xf32>
      %get3A_129 = arith.constant 15 : i32
      %get3A_130 = arith.index_cast %get3A_129 : i32 to index
      %get3A_131 = arith.index_cast %mul3A_55 : i32 to index
      %get3A_132 = tpu.vector_load %arg15[%get3A_130, %get3A_131] {strides = array<i32>} : memref<16x256xf32, #tpu.memory_space<vmem>>, vector<16xf32>,
      %add3A_133 = arith.addf %add3A_128, %get3A_132 : vector<16xf32>
      %swap3A = arith.index_cast %mul3A_55 : i32 to index
      %swap3A_134 = tpu.vector_load %arg16[%swap3A] {strides = array<i32>} : memref<256xf32, #tpu.memory_space<vmem>>, vector<16xf32>,
      tpu.vector_store %arg16[%swap3A], %add3A_133 {strides = array<i32>} : memref<256xf32, #tpu.memory_space<vmem>>, vector<16xf32>,
      %scan3A_135 = arith.constant 0 : i32
      scf.yield %scan3A_135 : i32
    }
    %scan3A_51 = arith.constant 16 : i32
    "tpu.region"() ({
      %run_scoped3A = tpu.sem_alloc : memref<!tpu.dma_semaphore, #tpu.memory_space<semaphore_mem>>
      %dma_start3A_52 = tpu.memref_slice %arg7[%arg0, %mul3A_44] : memref<2x4096xf32, #tpu.memory_space<hbm>> -> memref<1x256xf32, #tpu.memory_space<hbm>>
      %dma_start3A_53 = tpu.memref_squeeze %dma_start3A_52 : memref<1x256xf32, #tpu.memory_space<hbm>> -> memref<256xf32, #tpu.memory_space<hbm>>
      %dma_start3A_54 = tpu.memref_slice %arg7[%arg0, %mul3A_44] : memref<2x4096xf32, #tpu.memory_space<hbm>> -> memref<1x256xf32, #tpu.memory_space<hbm>>
      %dma_start3A_55 = tpu.memref_squeeze %dma_start3A_54 : memref<1x256xf32, #tpu.memory_space<hbm>> -> memref<256xf32, #tpu.memory_space<hbm>>
      tpu.enqueue_dma source(%arg16 : memref<256xf32, #tpu.memory_space<vmem>>) target(%dma_start3A_55 : memref<256xf32, #tpu.memory_space<hbm>>) target_semaphore(%run_scoped3A : memref<!tpu.dma_semaphore, #tpu.memory_space<semaphore_mem>>)
      %dma_wait3A_56 = tpu.memref_slice %arg7[%arg0, %mul3A_44] : memref<2x4096xf32, #tpu.memory_space<hbm>> -> memref<1x256xf32, #tpu.memory_space<hbm>>
      %dma_wait3A_57 = tpu.memref_squeeze %dma_wait3A_56 : memref<1x256xf32, #tpu.memory_space<hbm>> -> memref<256xf32, #tpu.memory_space<hbm>>
      %dma_wait3A_58 = tpu.memref_slice %arg7[%arg0, %mul3A_44] : memref<2x4096xf32, #tpu.memory_space<hbm>> -> memref<1x256xf32, #tpu.memory_space<hbm>>
      %dma_wait3A_59 = tpu.memref_squeeze %dma_wait3A_58 : memref<1x256xf32, #tpu.memory_space<hbm>> -> memref<256xf32, #tpu.memory_space<hbm>>
      tpu.wait_dma2 semaphore(%run_scoped3A : memref<!tpu.dma_semaphore, #tpu.memory_space<semaphore_mem>>) src(%arg16 : memref<256xf32, #tpu.memory_space<vmem>>) dst(%dma_wait3A_59 : memref<256xf32, #tpu.memory_space<hbm>>)
      tpu.yield
    }) : () -> ()
    return
  }
}

module attributes {stable_mosaic.version = 14 : i64} {
  func.func @_tc_half_body(%arg0: i32, %arg1: memref<8192x256xf32, #tpu.memory_space<vmem>>, %arg2: memref<3x8192xf32, #tpu.memory_space<vmem>>, %arg3: memref<1x256xf32, #tpu.memory_space<vmem>>, %arg4: memref<1x1xf32, #tpu.memory_space<vmem>>, %arg5: memref<8192xf32, #tpu.memory_space<vmem>>, %arg6: memref<8192xf32, #tpu.memory_space<vmem>>, %arg7: memref<8192xf32, #tpu.memory_space<vmem>>, %arg8: memref<8192xf32, #tpu.memory_space<vmem>>) attributes {dimension_semantics = [#tpu.dimension_semantics<arbitrary>], iteration_bounds = array<i64: 8>, scalar_prefetch = 0 : i64, scratch_operands = 0 : i64, tpu.core_type = #tpu.core_type<tc>, window_params = [{transform_indices = @transform_0, window_bounds = array<i64: 8192, 256>}, {transform_indices = @transform_1, window_bounds = array<i64: 3, 8192>}, {pipeline_mode = #tpu.pipeline_mode<synchronous>, transform_indices = @transform_2, window_bounds = array<i64: 1, 256>}, {pipeline_mode = #tpu.pipeline_mode<synchronous>, transform_indices = @transform_3, window_bounds = array<i64: 1, 1>}, {transform_indices = @transform_4, window_bounds = array<i64: 8192>}, {transform_indices = @transform_5, window_bounds = array<i64: 8192>}, {transform_indices = @transform_6, window_bounds = array<i64: 8192>}, {transform_indices = @transform_7, window_bounds = array<i64: 8192>}]} {
    %get3A = arith.constant 0 : index
    %get3A_0 = arith.constant 0 : index
    %get3A_1 = vector.load %arg3[%get3A, %get3A_0] : memref<1x256xf32, #tpu.memory_space<vmem>>, vector<1x256xf32>
    %get3A_2 = arith.constant 0 : index
    %get3A_3 = arith.constant 0 : index
    %get3A_4 = vector.load %arg1[%get3A_2, %get3A_3] : memref<8192x256xf32, #tpu.memory_space<vmem>>, vector<8192x256xf32>
    %dot_general3A = arith.constant dense<0.000000e+00> : vector<1x8192xf32>
    %dot_general3A_5 = tpu.matmul %get3A_1, %get3A_4, %dot_general3A {dimension_numbers = #tpu.dot_dimension_numbers<[1], [1], [0], [0], [0, 0, 1, 0], [], []>, transpose_lhs_hint = false} : vector<1x256xf32>, vector<8192x256xf32>, vector<1x8192xf32> -> vector<1x8192xf32>
    %get3A_6 = arith.constant 0 : index
    %get3A_7 = arith.constant 0 : index
    %get3A_8 = vector.load %arg4[%get3A_6, %get3A_7] : memref<1x1xf32, #tpu.memory_space<vmem>>, vector<1x1xf32>
    %get3A_9 = vector.extract %get3A_8[0, 0] : f32 from vector<1x1xf32>
    %add3A = vector.broadcast %get3A_9 : f32 to vector<1x8192xf32>
    %add3A_10 = arith.addf %dot_general3A_5, %add3A : vector<1x8192xf32>
    %mul3A = arith.constant 8192 : i32
    %mul3A_11 = arith.muli %arg0, %mul3A : i32
    %add3A_12 = arith.constant 0 : i32
    %add3A_13 = arith.addi %add3A_12, %mul3A_11 : i32
    %iota3A = tpu.iota {dimensions = array<i32: 1>} : vector<1x8192xi32>
    %add3A_14 = vector.broadcast %add3A_13 : i32 to vector<1x8192xi32>
    %add3A_15 = arith.addi %add3A_14, %iota3A : vector<1x8192xi32>
    %lt3A = arith.constant 160000 : i32
    %lt3A_16 = vector.broadcast %lt3A : i32 to vector<1x8192xi32>
    %lt3A_17 = arith.cmpi slt, %add3A_15, %lt3A_16 : vector<1x8192xi32>
    %jit3A = arith.constant 0.000000e+00 : f32
    %broadcast_in_dim3A = vector.broadcast %jit3A : f32 to vector<1x8192xf32>
    %select_n3A = arith.select %lt3A_17, %add3A_10, %broadcast_in_dim3A : vector<1x8192xi1>, vector<1x8192xf32>
    %get3A_18 = arith.constant 0 : index
    %get3A_19 = arith.constant 0 : index
    %get3A_20 = vector.load %arg2[%get3A_18, %get3A_19] : memref<3x8192xf32, #tpu.memory_space<vmem>>, vector<3x8192xf32>
    %mul3A_21 = vector.broadcast %select_n3A : vector<1x8192xf32> to vector<3x8192xf32>
    %mul3A_22 = arith.mulf %get3A_20, %mul3A_21 : vector<3x8192xf32>
    %jit3A_23 = arith.constant 0.000000e+00 : f32
    %broadcast_in_dim3A_24 = vector.shape_cast %lt3A_17 : vector<1x8192xi1> to vector<1x8192xi1>
    %broadcast_in_dim3A_25 = vector.broadcast %broadcast_in_dim3A_24 : vector<1x8192xi1> to vector<3x8192xi1>
    %broadcast_in_dim3A_26 = vector.broadcast %jit3A_23 : f32 to vector<3x8192xf32>
    %select_n3A_27 = arith.select %broadcast_in_dim3A_25, %mul3A_22, %broadcast_in_dim3A_26 : vector<3x8192xi1>, vector<3x8192xf32>
    %squeeze3A = vector.shape_cast %select_n3A : vector<1x8192xf32> to vector<8192xf32>
    %swap3A = arith.constant 0 : index
    %swap3A_28 = vector.load %arg5[%swap3A] : memref<8192xf32, #tpu.memory_space<vmem>>, vector<8192xf32>
    tpu.vector_store %arg5[%swap3A], %squeeze3A {strides = array<i32>} : memref<8192xf32, #tpu.memory_space<vmem>>, vector<8192xf32>,
    %slice3A = vector.extract_strided_slice %select_n3A_27 {offsets = [0, 0], sizes = [1, 8192], strides = [1, 1]} : vector<3x8192xf32> to vector<1x8192xf32>
    %squeeze3A_29 = vector.shape_cast %slice3A : vector<1x8192xf32> to vector<8192xf32>
    %swap3A_30 = arith.constant 0 : index
    %swap3A_31 = vector.load %arg6[%swap3A_30] : memref<8192xf32, #tpu.memory_space<vmem>>, vector<8192xf32>
    tpu.vector_store %arg6[%swap3A_30], %squeeze3A_29 {strides = array<i32>} : memref<8192xf32, #tpu.memory_space<vmem>>, vector<8192xf32>,
    %slice3A_32 = vector.extract_strided_slice %select_n3A_27 {offsets = [1, 0], sizes = [1, 8192], strides = [1, 1]} : vector<3x8192xf32> to vector<1x8192xf32>
    %squeeze3A_33 = vector.shape_cast %slice3A_32 : vector<1x8192xf32> to vector<8192xf32>
    %swap3A_34 = arith.constant 0 : index
    %swap3A_35 = vector.load %arg7[%swap3A_34] : memref<8192xf32, #tpu.memory_space<vmem>>, vector<8192xf32>
    tpu.vector_store %arg7[%swap3A_34], %squeeze3A_33 {strides = array<i32>} : memref<8192xf32, #tpu.memory_space<vmem>>, vector<8192xf32>,
    %slice3A_36 = vector.extract_strided_slice %select_n3A_27 {offsets = [2, 0], sizes = [1, 8192], strides = [1, 1]} : vector<3x8192xf32> to vector<1x8192xf32>
    %squeeze3A_37 = vector.shape_cast %slice3A_36 : vector<1x8192xf32> to vector<8192xf32>
    %swap3A_38 = arith.constant 0 : index
    %swap3A_39 = vector.load %arg8[%swap3A_38] : memref<8192xf32, #tpu.memory_space<vmem>>, vector<8192xf32>
    tpu.vector_store %arg8[%swap3A_38], %squeeze3A_37 {strides = array<i32>} : memref<8192xf32, #tpu.memory_space<vmem>>, vector<8192xf32>,
    return
  }
  func.func @transform_0(%arg0: i32) -> (i32, i32) {
    %add3A = arith.constant 0 : i32
    %add3A_0 = arith.addi %arg0, %add3A : i32
    %c0_i32 = arith.constant 0 : i32
    %c0_i32_1 = arith.constant 0 : i32
    return %add3A_0, %c0_i32 : i32, i32
  }
  func.func @transform_1(%arg0: i32) -> (i32, i32) {
    %add3A = arith.constant 0 : i32
    %add3A_0 = arith.addi %arg0, %add3A : i32
    %c0_i32 = arith.constant 0 : i32
    %c0_i32_1 = arith.constant 0 : i32
    return %c0_i32, %add3A_0 : i32, i32
  }
  func.func @transform_2(%arg0: i32) -> (i32, i32) {
    %c0_i32 = arith.constant 0 : i32
    %c0_i32_0 = arith.constant 0 : i32
    %c0_i32_1 = arith.constant 0 : i32
    return %c0_i32, %c0_i32_0 : i32, i32
  }
  func.func @transform_3(%arg0: i32) -> (i32, i32) {
    %c0_i32 = arith.constant 0 : i32
    %c0_i32_0 = arith.constant 0 : i32
    %c0_i32_1 = arith.constant 0 : i32
    return %c0_i32, %c0_i32_0 : i32, i32
  }
  func.func @transform_4(%arg0: i32) -> i32 {
    %c0_i32 = arith.constant 0 : i32
    return %arg0 : i32
  }
  func.func @transform_5(%arg0: i32) -> i32 {
    %c0_i32 = arith.constant 0 : i32
    return %arg0 : i32
  }
  func.func @transform_6(%arg0: i32) -> i32 {
    %c0_i32 = arith.constant 0 : i32
    return %arg0 : i32
  }
  func.func @transform_7(%arg0: i32) -> i32 {
    %c0_i32 = arith.constant 0 : i32
    return %arg0 : i32
  }
}

module attributes {stable_mosaic.version = 14 : i64} {
  func.func @_tc_half_body(%arg0: i32, %arg1: memref<8192x256xf32, #tpu.memory_space<vmem>>, %arg2: memref<3x8192xf32, #tpu.memory_space<vmem>>, %arg3: memref<1x256xf32, #tpu.memory_space<vmem>>, %arg4: memref<1x1xf32, #tpu.memory_space<vmem>>, %arg5: memref<8192xf32, #tpu.memory_space<vmem>>, %arg6: memref<8192xf32, #tpu.memory_space<vmem>>, %arg7: memref<8192xf32, #tpu.memory_space<vmem>>, %arg8: memref<8192xf32, #tpu.memory_space<vmem>>) attributes {dimension_semantics = [#tpu.dimension_semantics<arbitrary>], iteration_bounds = array<i64: 4>, scalar_prefetch = 0 : i64, scratch_operands = 0 : i64, tpu.core_type = #tpu.core_type<tc>, window_params = [{transform_indices = @transform_0, window_bounds = array<i64: 8192, 256>}, {transform_indices = @transform_1, window_bounds = array<i64: 3, 8192>}, {pipeline_mode = #tpu.pipeline_mode<synchronous>, transform_indices = @transform_2, window_bounds = array<i64: 1, 256>}, {pipeline_mode = #tpu.pipeline_mode<synchronous>, transform_indices = @transform_3, window_bounds = array<i64: 1, 1>}, {transform_indices = @transform_4, window_bounds = array<i64: 8192>}, {transform_indices = @transform_5, window_bounds = array<i64: 8192>}, {transform_indices = @transform_6, window_bounds = array<i64: 8192>}, {transform_indices = @transform_7, window_bounds = array<i64: 8192>}]} {
    %get3A = arith.constant 0 : index
    %get3A_0 = arith.constant 0 : index
    %get3A_1 = vector.load %arg3[%get3A, %get3A_0] : memref<1x256xf32, #tpu.memory_space<vmem>>, vector<1x256xf32>
    %get3A_2 = arith.constant 0 : index
    %get3A_3 = arith.constant 0 : index
    %get3A_4 = vector.load %arg1[%get3A_2, %get3A_3] : memref<8192x256xf32, #tpu.memory_space<vmem>>, vector<8192x256xf32>
    %dot_general3A = arith.constant dense<0.000000e+00> : vector<1x8192xf32>
    %dot_general3A_5 = tpu.matmul %get3A_1, %get3A_4, %dot_general3A {dimension_numbers = #tpu.dot_dimension_numbers<[1], [1], [0], [0], [0, 0, 1, 0], [], []>, transpose_lhs_hint = false} : vector<1x256xf32>, vector<8192x256xf32>, vector<1x8192xf32> -> vector<1x8192xf32>
    %get3A_6 = arith.constant 0 : index
    %get3A_7 = arith.constant 0 : index
    %get3A_8 = vector.load %arg4[%get3A_6, %get3A_7] : memref<1x1xf32, #tpu.memory_space<vmem>>, vector<1x1xf32>
    %get3A_9 = vector.extract %get3A_8[0, 0] : f32 from vector<1x1xf32>
    %add3A = vector.broadcast %get3A_9 : f32 to vector<1x8192xf32>
    %add3A_10 = arith.addf %dot_general3A_5, %add3A : vector<1x8192xf32>
    %mul3A = arith.constant 8192 : i32
    %mul3A_11 = arith.muli %arg0, %mul3A : i32
    %add3A_12 = arith.constant 131072 : i32
    %add3A_13 = arith.addi %add3A_12, %mul3A_11 : i32
    %iota3A = tpu.iota {dimensions = array<i32: 1>} : vector<1x8192xi32>
    %add3A_14 = vector.broadcast %add3A_13 : i32 to vector<1x8192xi32>
    %add3A_15 = arith.addi %add3A_14, %iota3A : vector<1x8192xi32>
    %lt3A = arith.constant 160000 : i32
    %lt3A_16 = vector.broadcast %lt3A : i32 to vector<1x8192xi32>
    %lt3A_17 = arith.cmpi slt, %add3A_15, %lt3A_16 : vector<1x8192xi32>
    %jit3A = arith.constant 0.000000e+00 : f32
    %broadcast_in_dim3A = vector.broadcast %jit3A : f32 to vector<1x8192xf32>
    %select_n3A = arith.select %lt3A_17, %add3A_10, %broadcast_in_dim3A : vector<1x8192xi1>, vector<1x8192xf32>
    %get3A_18 = arith.constant 0 : index
    %get3A_19 = arith.constant 0 : index
    %get3A_20 = vector.load %arg2[%get3A_18, %get3A_19] : memref<3x8192xf32, #tpu.memory_space<vmem>>, vector<3x8192xf32>
    %mul3A_21 = vector.broadcast %select_n3A : vector<1x8192xf32> to vector<3x8192xf32>
    %mul3A_22 = arith.mulf %get3A_20, %mul3A_21 : vector<3x8192xf32>
    %jit3A_23 = arith.constant 0.000000e+00 : f32
    %broadcast_in_dim3A_24 = vector.shape_cast %lt3A_17 : vector<1x8192xi1> to vector<1x8192xi1>
    %broadcast_in_dim3A_25 = vector.broadcast %broadcast_in_dim3A_24 : vector<1x8192xi1> to vector<3x8192xi1>
    %broadcast_in_dim3A_26 = vector.broadcast %jit3A_23 : f32 to vector<3x8192xf32>
    %select_n3A_27 = arith.select %broadcast_in_dim3A_25, %mul3A_22, %broadcast_in_dim3A_26 : vector<3x8192xi1>, vector<3x8192xf32>
    %squeeze3A = vector.shape_cast %select_n3A : vector<1x8192xf32> to vector<8192xf32>
    %swap3A = arith.constant 0 : index
    %swap3A_28 = vector.load %arg5[%swap3A] : memref<8192xf32, #tpu.memory_space<vmem>>, vector<8192xf32>
    tpu.vector_store %arg5[%swap3A], %squeeze3A {strides = array<i32>} : memref<8192xf32, #tpu.memory_space<vmem>>, vector<8192xf32>,
    %slice3A = vector.extract_strided_slice %select_n3A_27 {offsets = [0, 0], sizes = [1, 8192], strides = [1, 1]} : vector<3x8192xf32> to vector<1x8192xf32>
    %squeeze3A_29 = vector.shape_cast %slice3A : vector<1x8192xf32> to vector<8192xf32>
    %swap3A_30 = arith.constant 0 : index
    %swap3A_31 = vector.load %arg6[%swap3A_30] : memref<8192xf32, #tpu.memory_space<vmem>>, vector<8192xf32>
    tpu.vector_store %arg6[%swap3A_30], %squeeze3A_29 {strides = array<i32>} : memref<8192xf32, #tpu.memory_space<vmem>>, vector<8192xf32>,
    %slice3A_32 = vector.extract_strided_slice %select_n3A_27 {offsets = [1, 0], sizes = [1, 8192], strides = [1, 1]} : vector<3x8192xf32> to vector<1x8192xf32>
    %squeeze3A_33 = vector.shape_cast %slice3A_32 : vector<1x8192xf32> to vector<8192xf32>
    %swap3A_34 = arith.constant 0 : index
    %swap3A_35 = vector.load %arg7[%swap3A_34] : memref<8192xf32, #tpu.memory_space<vmem>>, vector<8192xf32>
    tpu.vector_store %arg7[%swap3A_34], %squeeze3A_33 {strides = array<i32>} : memref<8192xf32, #tpu.memory_space<vmem>>, vector<8192xf32>,
    %slice3A_36 = vector.extract_strided_slice %select_n3A_27 {offsets = [2, 0], sizes = [1, 8192], strides = [1, 1]} : vector<3x8192xf32> to vector<1x8192xf32>
    %squeeze3A_37 = vector.shape_cast %slice3A_36 : vector<1x8192xf32> to vector<8192xf32>
    %swap3A_38 = arith.constant 0 : index
    %swap3A_39 = vector.load %arg8[%swap3A_38] : memref<8192xf32, #tpu.memory_space<vmem>>, vector<8192xf32>
    tpu.vector_store %arg8[%swap3A_38], %squeeze3A_37 {strides = array<i32>} : memref<8192xf32, #tpu.memory_space<vmem>>, vector<8192xf32>,
    return
  }
  func.func @transform_0(%arg0: i32) -> (i32, i32) {
    %add3A = arith.constant 16 : i32
    %add3A_0 = arith.addi %arg0, %add3A : i32
    %c0_i32 = arith.constant 0 : i32
    %c0_i32_1 = arith.constant 0 : i32
    return %add3A_0, %c0_i32 : i32, i32
  }
  func.func @transform_1(%arg0: i32) -> (i32, i32) {
    %add3A = arith.constant 16 : i32
    %add3A_0 = arith.addi %arg0, %add3A : i32
    %c0_i32 = arith.constant 0 : i32
    %c0_i32_1 = arith.constant 0 : i32
    return %c0_i32, %add3A_0 : i32, i32
  }
  func.func @transform_2(%arg0: i32) -> (i32, i32) {
    %c0_i32 = arith.constant 0 : i32
    %c0_i32_0 = arith.constant 0 : i32
    %c0_i32_1 = arith.constant 0 : i32
    return %c0_i32, %c0_i32_0 : i32, i32
  }
  func.func @transform_3(%arg0: i32) -> (i32, i32) {
    %c0_i32 = arith.constant 0 : i32
    %c0_i32_0 = arith.constant 0 : i32
    %c0_i32_1 = arith.constant 0 : i32
    return %c0_i32, %c0_i32_0 : i32, i32
  }
  func.func @transform_4(%arg0: i32) -> i32 {
    %c0_i32 = arith.constant 0 : i32
    return %arg0 : i32
  }
  func.func @transform_5(%arg0: i32) -> i32 {
    %c0_i32 = arith.constant 0 : i32
    return %arg0 : i32
  }
  func.func @transform_6(%arg0: i32) -> i32 {
    %c0_i32 = arith.constant 0 : i32
    return %arg0 : i32
  }
  func.func @transform_7(%arg0: i32) -> i32 {
    %c0_i32 = arith.constant 0 : i32
    return %arg0 : i32
  }
}

module attributes {stable_mosaic.version = 14 : i64} {
  func.func @_tc_half_body(%arg0: i32, %arg1: memref<8192x256xf32, #tpu.memory_space<vmem>>, %arg2: memref<3x8192xf32, #tpu.memory_space<vmem>>, %arg3: memref<1x256xf32, #tpu.memory_space<vmem>>, %arg4: memref<1x1xf32, #tpu.memory_space<vmem>>, %arg5: memref<8192xf32, #tpu.memory_space<vmem>>, %arg6: memref<8192xf32, #tpu.memory_space<vmem>>, %arg7: memref<8192xf32, #tpu.memory_space<vmem>>, %arg8: memref<8192xf32, #tpu.memory_space<vmem>>) attributes {dimension_semantics = [#tpu.dimension_semantics<arbitrary>], iteration_bounds = array<i64: 8>, scalar_prefetch = 0 : i64, scratch_operands = 0 : i64, tpu.core_type = #tpu.core_type<tc>, window_params = [{transform_indices = @transform_0, window_bounds = array<i64: 8192, 256>}, {transform_indices = @transform_1, window_bounds = array<i64: 3, 8192>}, {pipeline_mode = #tpu.pipeline_mode<synchronous>, transform_indices = @transform_2, window_bounds = array<i64: 1, 256>}, {pipeline_mode = #tpu.pipeline_mode<synchronous>, transform_indices = @transform_3, window_bounds = array<i64: 1, 1>}, {transform_indices = @transform_4, window_bounds = array<i64: 8192>}, {transform_indices = @transform_5, window_bounds = array<i64: 8192>}, {transform_indices = @transform_6, window_bounds = array<i64: 8192>}, {transform_indices = @transform_7, window_bounds = array<i64: 8192>}]} {
    %get3A = arith.constant 0 : index
    %get3A_0 = arith.constant 0 : index
    %get3A_1 = vector.load %arg3[%get3A, %get3A_0] : memref<1x256xf32, #tpu.memory_space<vmem>>, vector<1x256xf32>
    %get3A_2 = arith.constant 0 : index
    %get3A_3 = arith.constant 0 : index
    %get3A_4 = vector.load %arg1[%get3A_2, %get3A_3] : memref<8192x256xf32, #tpu.memory_space<vmem>>, vector<8192x256xf32>
    %dot_general3A = arith.constant dense<0.000000e+00> : vector<1x8192xf32>
    %dot_general3A_5 = tpu.matmul %get3A_1, %get3A_4, %dot_general3A {dimension_numbers = #tpu.dot_dimension_numbers<[1], [1], [0], [0], [0, 0, 1, 0], [], []>, transpose_lhs_hint = false} : vector<1x256xf32>, vector<8192x256xf32>, vector<1x8192xf32> -> vector<1x8192xf32>
    %get3A_6 = arith.constant 0 : index
    %get3A_7 = arith.constant 0 : index
    %get3A_8 = vector.load %arg4[%get3A_6, %get3A_7] : memref<1x1xf32, #tpu.memory_space<vmem>>, vector<1x1xf32>
    %get3A_9 = vector.extract %get3A_8[0, 0] : f32 from vector<1x1xf32>
    %add3A = vector.broadcast %get3A_9 : f32 to vector<1x8192xf32>
    %add3A_10 = arith.addf %dot_general3A_5, %add3A : vector<1x8192xf32>
    %mul3A = arith.constant 8192 : i32
    %mul3A_11 = arith.muli %arg0, %mul3A : i32
    %add3A_12 = arith.constant 65536 : i32
    %add3A_13 = arith.addi %add3A_12, %mul3A_11 : i32
    %iota3A = tpu.iota {dimensions = array<i32: 1>} : vector<1x8192xi32>
    %add3A_14 = vector.broadcast %add3A_13 : i32 to vector<1x8192xi32>
    %add3A_15 = arith.addi %add3A_14, %iota3A : vector<1x8192xi32>
    %lt3A = arith.constant 160000 : i32
    %lt3A_16 = vector.broadcast %lt3A : i32 to vector<1x8192xi32>
    %lt3A_17 = arith.cmpi slt, %add3A_15, %lt3A_16 : vector<1x8192xi32>
    %jit3A = arith.constant 0.000000e+00 : f32
    %broadcast_in_dim3A = vector.broadcast %jit3A : f32 to vector<1x8192xf32>
    %select_n3A = arith.select %lt3A_17, %add3A_10, %broadcast_in_dim3A : vector<1x8192xi1>, vector<1x8192xf32>
    %get3A_18 = arith.constant 0 : index
    %get3A_19 = arith.constant 0 : index
    %get3A_20 = vector.load %arg2[%get3A_18, %get3A_19] : memref<3x8192xf32, #tpu.memory_space<vmem>>, vector<3x8192xf32>
    %mul3A_21 = vector.broadcast %select_n3A : vector<1x8192xf32> to vector<3x8192xf32>
    %mul3A_22 = arith.mulf %get3A_20, %mul3A_21 : vector<3x8192xf32>
    %jit3A_23 = arith.constant 0.000000e+00 : f32
    %broadcast_in_dim3A_24 = vector.shape_cast %lt3A_17 : vector<1x8192xi1> to vector<1x8192xi1>
    %broadcast_in_dim3A_25 = vector.broadcast %broadcast_in_dim3A_24 : vector<1x8192xi1> to vector<3x8192xi1>
    %broadcast_in_dim3A_26 = vector.broadcast %jit3A_23 : f32 to vector<3x8192xf32>
    %select_n3A_27 = arith.select %broadcast_in_dim3A_25, %mul3A_22, %broadcast_in_dim3A_26 : vector<3x8192xi1>, vector<3x8192xf32>
    %squeeze3A = vector.shape_cast %select_n3A : vector<1x8192xf32> to vector<8192xf32>
    %swap3A = arith.constant 0 : index
    %swap3A_28 = vector.load %arg5[%swap3A] : memref<8192xf32, #tpu.memory_space<vmem>>, vector<8192xf32>
    tpu.vector_store %arg5[%swap3A], %squeeze3A {strides = array<i32>} : memref<8192xf32, #tpu.memory_space<vmem>>, vector<8192xf32>,
    %slice3A = vector.extract_strided_slice %select_n3A_27 {offsets = [0, 0], sizes = [1, 8192], strides = [1, 1]} : vector<3x8192xf32> to vector<1x8192xf32>
    %squeeze3A_29 = vector.shape_cast %slice3A : vector<1x8192xf32> to vector<8192xf32>
    %swap3A_30 = arith.constant 0 : index
    %swap3A_31 = vector.load %arg6[%swap3A_30] : memref<8192xf32, #tpu.memory_space<vmem>>, vector<8192xf32>
    tpu.vector_store %arg6[%swap3A_30], %squeeze3A_29 {strides = array<i32>} : memref<8192xf32, #tpu.memory_space<vmem>>, vector<8192xf32>,
    %slice3A_32 = vector.extract_strided_slice %select_n3A_27 {offsets = [1, 0], sizes = [1, 8192], strides = [1, 1]} : vector<3x8192xf32> to vector<1x8192xf32>
    %squeeze3A_33 = vector.shape_cast %slice3A_32 : vector<1x8192xf32> to vector<8192xf32>
    %swap3A_34 = arith.constant 0 : index
    %swap3A_35 = vector.load %arg7[%swap3A_34] : memref<8192xf32, #tpu.memory_space<vmem>>, vector<8192xf32>
    tpu.vector_store %arg7[%swap3A_34], %squeeze3A_33 {strides = array<i32>} : memref<8192xf32, #tpu.memory_space<vmem>>, vector<8192xf32>,
    %slice3A_36 = vector.extract_strided_slice %select_n3A_27 {offsets = [2, 0], sizes = [1, 8192], strides = [1, 1]} : vector<3x8192xf32> to vector<1x8192xf32>
    %squeeze3A_37 = vector.shape_cast %slice3A_36 : vector<1x8192xf32> to vector<8192xf32>
    %swap3A_38 = arith.constant 0 : index
    %swap3A_39 = vector.load %arg8[%swap3A_38] : memref<8192xf32, #tpu.memory_space<vmem>>, vector<8192xf32>
    tpu.vector_store %arg8[%swap3A_38], %squeeze3A_37 {strides = array<i32>} : memref<8192xf32, #tpu.memory_space<vmem>>, vector<8192xf32>,
    return
  }
  func.func @transform_0(%arg0: i32) -> (i32, i32) {
    %add3A = arith.constant 8 : i32
    %add3A_0 = arith.addi %arg0, %add3A : i32
    %c0_i32 = arith.constant 0 : i32
    %c0_i32_1 = arith.constant 0 : i32
    return %add3A_0, %c0_i32 : i32, i32
  }
  func.func @transform_1(%arg0: i32) -> (i32, i32) {
    %add3A = arith.constant 8 : i32
    %add3A_0 = arith.addi %arg0, %add3A : i32
    %c0_i32 = arith.constant 0 : i32
    %c0_i32_1 = arith.constant 0 : i32
    return %c0_i32, %add3A_0 : i32, i32
  }
  func.func @transform_2(%arg0: i32) -> (i32, i32) {
    %c0_i32 = arith.constant 0 : i32
    %c0_i32_0 = arith.constant 0 : i32
    %c0_i32_1 = arith.constant 0 : i32
    return %c0_i32, %c0_i32_0 : i32, i32
  }
  func.func @transform_3(%arg0: i32) -> (i32, i32) {
    %c0_i32 = arith.constant 0 : i32
    %c0_i32_0 = arith.constant 0 : i32
    %c0_i32_1 = arith.constant 0 : i32
    return %c0_i32, %c0_i32_0 : i32, i32
  }
  func.func @transform_4(%arg0: i32) -> i32 {
    %c0_i32 = arith.constant 0 : i32
    return %arg0 : i32
  }
  func.func @transform_5(%arg0: i32) -> i32 {
    %c0_i32 = arith.constant 0 : i32
    return %arg0 : i32
  }
  func.func @transform_6(%arg0: i32) -> i32 {
    %c0_i32 = arith.constant 0 : i32
    return %arg0 : i32
  }
  func.func @transform_7(%arg0: i32) -> i32 {
    %c0_i32 = arith.constant 0 : i32
    return %arg0 : i32
  }
}

</mosaic_0001>

<sc_bundles>
// kernel: kernel.11.cloned.1.call-start
scs
__scs_entry_jumppad:
0x0: {  	(pc) =	sbr.rel $0x88, $3  }
0x1: {  	(tag) =	ssettag $0x0;
	lr =	simm.s32 $0x1  }
0x2: {  	[smem:$0x3F9C] =	sst lr;
	_ =	strace $0xD0000000  }
0x3: {  	_ = 	snop  }
0x4: {  	_ = 	snop  }
0x5: {  	_ = 	snop  }
0x6: {  	_ = 	snop  }
0x7: {  	_ = 	snop  }
__scs_overlays_trampoline_lowered:
0x8: {  	[smem:$0x3FAB] =	sst s0  }
0x9: {  	[smem:$0x3FAC] =	sst s1  }
0xa: {  	[smem:$0x3FAD] =	sst s2  }
0xb: {  	[smem:$0x3FAE] =	sst s3  }
0xc: {  	[smem:$0x3FAF] =	sst s4  }
0xd: {  	[smem:$0x3FB0] =	sst s5  }
0xe: {  	[smem:$0x3FB1] =	sst s6  }
0xf: {  	[smem:$0x3FB2] =	sst s7  }
0x10: {  	[smem:$0x3FB3] =	sst s8  }
0x11: {  	[smem:$0x3FB4] =	sst s9;
	s0 =	simm.s32 @!p0 $0x0  }
0x12: {  	s1 =	sld [smem:$0x3F9A];
	s0 =	simm.s32 @p0 $0x1  }
0x13: {  	[smem:$0x3FB5] =	sst s0;
	s0 =	simm.s32 @!p1 $0x0  }
0x14: {  	s2 =	sld [smem:$0x3F99];
	s0 =	simm.s32 @p1 $0x1  }
0x15: {  	[smem:$0x3FB6] =	sst s0;
	s0 =	simm.s32 @!p2 $0x0  }
0x16: {  	s3 =	sld [smem:$0x3FDB];
	s0 =	simm.s32 @p2 $0x1  }
0x17: {  	s4 =	simm.s32 $0x1BF5;
	[smem:$0x3FB8] =	sst s0  }
0x18: {  	s0 =	sld [smem:$0x3F9B];
	_ =	swait.ge [sflag:s4], $0x0  }
0x19: {  	s7 =	sld [smem:$0x3F9C]  }
0x1a: {  	s8 =	sadd.s32 $0xFFFFE003, lr  }
0x1b: {  	s9 =	sadd.s32 $0xFFFFFEF7, lr;
	s5 =	simm.s32 $0xFFFFFFFF;
	p2 =	slt.u32 s8, $0xFFFFF086  }
0x1c: {  	p1 =	slt.u32 s9, $0xF7A;
	s5 =	simm.s32 @!p2 $0x0  }
0x1d: {  	s5 =	simm.s32 @p1 $0x1;
	p0 =	seq.s32 s7, s2  }
0x1e: {  	s7 =	smul.u32 @!p0 $0xF7A, s2;
	p2 =	seq.s32 @!p0 s5, $0x0  }
0x1f: {  	s9 =	smul.u32 $0xF7A, s1;
	s8 =	simm.s32 @!p0 $0x1BF5;
	p2 =	por !p2, p0  }
0x20: {  	[sflag:s8] =	ssyncset.s32 @!p0 $0xFFFFF086;
	s6 =	sadd.s32 @!p0 s3, s7;
	s7 =	simm.s32 @!p0 $0x108  }
0x21: {  	s3 =	sadd.s32 s3, s9;
	s6 =	sadd.s32 @!p0 $0x88, s6;
	s7 =	simm.s32 @p2 $0x1082  }
0x22: {  	[simem:s7], [sflag:s8] =	dma.local @!p0 [hbm:s6], $0xF7A  }
0x23: {  	s9 =	sor.u32 $0xD0000000, s2;
	s6 =	simm.s32 $0x108;
	_ =	swait.ge @!p0 [sflag:s8], $0x0  }
0x24: {  	s3 =	sadd.s32 $0x88, s3;
	s6 =	simm.s32 @!p1 $0x1082;
	[sflag:s4] =	ssyncset.s32 $0xFFFFF086  }
0x25: {  	[simem:s6], [sflag:s4] =	dma.local [hbm:s3], $0xF7A  }
0x26: {  	[smem:$0x3F9C] =	sst s1;
	(tag) =	ssettag s2;
	_ =	strace s9  }
0x27: {  	s1 =	sld [smem:$0x3FAC]  }
0x28: {  	s2 =	sld [smem:$0x3FAD]  }
0x29: {  	s4 =	sld [smem:$0x3FAF]  }
0x2a: {  	p0 =	seq.s32 s5, $0x0;
	s5 =	sld [smem:$0x3FB0]  }
0x2b: {  	s6 =	sld [smem:$0x3FB1]  }
0x2c: {  	s7 =	sld [smem:$0x3FB2]  }
0x2d: {  	s3 =	simm.s32 $0x108;
	s8 =	sld [smem:$0x3FB3]  }
0x2e: {  	s3 =	simm.s32 @!p0 $0x1082;
	s9 =	sld [smem:$0x3FB4]  }
0x2f: {  	lr =	sadd.s32 s0, s3;
	s0 =	sld [smem:$0x3FAB]  }
0x30: {  	s3 =	sld [smem:$0x3FAE]  }
0x31: {  	[smem:$0x3FB7] =	sst s10  }
0x32: {  	s10 =	sld [smem:$0x3FB5];
	_ =	sdelay $0x3  }
0x33: {  	p0 =	seq.s32 s10, $0x1;
	s10 =	sld [smem:$0x3FB7];
	_ =	sdelay $0x3  }
0x34: {  	[smem:$0x3FB7] =	sst s10  }
0x35: {  	s10 =	sld [smem:$0x3FB6];
	_ =	sdelay $0x3  }
0x36: {  	p1 =	seq.s32 s10, $0x1;
	s10 =	sld [smem:$0x3FB7];
	_ =	sdelay $0x3  }
0x37: {  	[smem:$0x3FB7] =	sst s10  }
0x38: {  	s10 =	sld [smem:$0x3FB8]  }
0x39: {  	_ = 	snop;
	(pc) =	sbr.ind lr, $3  }
0x3a: {  	_ = 	snop  }
0x3b: {  	_ = 	snop  }
0x3c: {  	p2 =	seq.s32 s10, $0x1;
	s10 =	sld [smem:$0x3FB7]  }
0x3d: {  	_ =	shalt  }
0x3e: {  	_ =	shalt  }
0x3f: {  	_ =	shalt  }
0x40: {  	_ =	shalt  }
0x41: {  	_ =	shalt  }
0x42: {  	_ =	shalt  }
0x43: {  	_ =	shalt  }
0x44: {  	_ =	shalt  }
0x45: {  	_ =	shalt  }
0x46: {  	_ =	shalt  }
0x47: {  	_ =	shalt  }
0x48: {  	_ =	shalt  }
0x49: {  	_ =	shalt  }
0x4a: {  	_ =	shalt  }
0x4b: {  	_ =	shalt  }
0x4c: {  	_ =	shalt  }
0x4d: {  	_ =	shalt  }
0x4e: {  	_ =	shalt  }
0x4f: {  	_ =	shalt  }
0x50: {  	_ =	shalt  }
0x51: {  	_ =	shalt  }
0x52: {  	_ =	shalt  }
0x53: {  	_ =	shalt  }
0x54: {  	_ =	shalt  }
0x55: {  	_ =	shalt  }
0x56: {  	_ =	shalt  }
0x57: {  	_ =	shalt  }
0x58: {  	_ =	shalt  }
0x59: {  	_ =	shalt  }
0x5a: {  	_ =	shalt  }
0x5b: {  	_ =	shalt  }
0x5c: {  	_ =	shalt  }
0x5d: {  	_ =	shalt  }
0x5e: {  	_ =	shalt  }
0x5f: {  	_ =	shalt  }
0x60: {  	_ =	shalt  }
0x61: {  	_ =	shalt  }
0x62: {  	_ =	shalt  }
0x63: {  	_ =	shalt  }
0x64: {  	_ =	shalt  }
0x65: {  	_ =	shalt  }
0x66: {  	_ =	shalt  }
0x67: {  	_ =	shalt  }
0x68: {  	_ =	shalt  }
0x69: {  	_ =	shalt  }
0x6a: {  	_ =	shalt  }
0x6b: {  	_ =	shalt  }
0x6c: {  	_ =	shalt  }
0x6d: {  	_ =	shalt  }
0x6e: {  	_ =	shalt  }
0x6f: {  	_ =	shalt  }
0x70: {  	_ =	shalt  }
0x71: {  	_ =	shalt  }
0x72: {  	_ =	shalt  }
0x73: {  	_ =	shalt  }
0x74: {  	_ =	shalt  }
0x75: {  	_ =	shalt  }
0x76: {  	_ =	shalt  }
0x77: {  	_ =	shalt  }
0x78: {  	_ =	shalt  }
0x79: {  	_ =	shalt  }
0x7a: {  	_ =	shalt  }
0x7b: {  	_ =	shalt  }
0x7c: {  	_ =	shalt  }
0x7d: {  	_ =	shalt  }
0x7e: {  	_ =	shalt  }
0x7f: {  	_ =	shalt  }
0x80: {  	_ =	shalt  }
0x81: {  	_ =	shalt  }
0x82: {  	_ =	shalt  }
0x83: {  	_ =	shalt  }
0x84: {  	_ =	shalt  }
0x85: {  	_ =	shalt  }
0x86: {  	_ =	shalt  }
0x87: {  	_ =	shalt  }
.Lfunc_end0:
.L_simem_size_0:
called_computation.1_lowered:
.L_overlay_start_0:
0x88: {  	s2 =	sld [smem:$0x3FD9]  }
0x89: {  	s3 =	sld [smem:$0x3FFE];
	_ =	sdelay $0x1  }
0x8a: {  	s1 =	srdreg.scid  }
0x8b: {  	s0 =	sand.u32 $0x1, s1  }
0x8c: {  	s17 =	sshll.u32 s0, $0xA;
	s2 =	sadd.s32 s3, s2  }
0x8d: {  	s2 =	sadd.s32 s2, s17  }
0x8e: {  	[smem:$0x3FC3] =	sst s2  }
0x8f: {  	_ = 	snop  }
0x90: {  	(tm) =	ssettm $0x1  }
0x91: {  	s18 =	sld [smem:$0x3FFB];
	_ =	sdelay $0x3  }
0x92: {  	_ =	strace s18  }
0x93: {  	s2 =	sld [smem:$0x3FFC];
	_ =	sdelay $0x3  }
0x94: {  	_ =	strace s2  }
0x95: {  	s2 =	sld [smem:$0x3FFD];
	_ =	sdelay $0x3  }
0x96: {  	_ =	strace s2  }
0x97: {  	_ =	strace $0x8FFFFFFF  }
0x98: {  	s19 =	sld [smem:$0x3FDB];
	_ =	sdelay $0x1  }
0x99: {  	s20 =	simm.s32 $_scs_section_size  }
0x9a: {  	s4 =	simm.s32 $_size__tile_overlayer_lowered;
	s5 =	simm.s32 $_tile_overlayer_lowered  }
0x9b: {  	s6 =	simm.s32 $0x1BFF;
	s21 =	sshll.u32 s5, $0x1;
	s3 =	sadd.s32 s20, s19  }
0x9c: {  	s22 =	simm.s32 $0x0;
	s4 =	sshll.u32 s4, $0x1;
	s5 =	sadd.s32 s21, s3  }
0x9d: {  	[timem:s22], [sflag:s6] =	dma.local [hbm:s5], s4  }
0x9e: {  	_ =	swait.ge [sflag:s6], s4  }
0x9f: {  	s4 =	ssub.s32 $0x0, s4;
	[sflag:s6] =	ssyncset.done $0x0  }
0xa0: {  	[sflag:s6] =	ssyncadd.s32 s4;
	_ =	sdelay $0x1  }
0xa1: {  	s23 =	simm.s32 $0x1B8B  }
0xa2: {  	_ =	swait.ge [sflag:s23], $0x1  }
0xa3: {  	[sflag:s23] =	ssyncset.done $0x0  }
0xa4: {  	[sflag:s23] =	ssyncadd.s32 $0xFFFFFFFF  }
0xa5: {  	s4 =	sld [smem:$0x0]  }
0xa6: {  	s5 =	sand.u32 $0xFFFFFFFE, s1  }
0xa7: {  	p0 =	sne.s32 s1, s5  }
0xa8: {  	s5 =	sshll.u32 @p0 s5, $0xE  }
0xa9: {  	s5 =	sadd.s32 @p0 $0x11B8D, s5;
	s6 =	sshll.u32 @p0 s4, $0x11  }
0xaa: {  	s5 =	sor.u32 @p0 s6, s5  }
0xab: {  	[sflag:s5] =	ssyncadd.remote.s32 @p0 $0x1;
	_ =	sdelay $0x1  }
0xac: {  	s5 =	simm.s32 @p0 $0x1B8D  }
0xad: {  	_ =	swait.eq @p0 [sflag:s5], $0x1  }
0xae: {  	[sflag:s5] =	ssyncadd.s32 @p0 $0xFFFFFFFF  }
0xaf: {  	s6 =	sshll.u32 @!p0 s1, $0xE  }
0xb0: {  	s6 =	sor.u32 @!p0 $0x4000, s6;
	s5 =	simm.s32 @!p0 $0x1B8D  }
0xb1: {  	s4 =	sshll.u32 @!p0 s4, $0x11;
	s6 =	sadd.s32 @!p0 $0x11B8D, s6;
	_ =	swait.eq @!p0 [sflag:s5], $0x1  }
0xb2: {  	s4 =	sor.u32 @!p0 s4, s6;
	[sflag:s5] =	ssyncadd.s32 @!p0 $0xFFFFFFFF  }
0xb3: {  	s25 =	simm.s32 $0x1B8E;
	s24 =	sld [smem:$0x3FFE];
	[sflag:s4] =	ssyncadd.remote.s32 @!p0 $0x1  }
0xb4: {  	s26 =	simm.s32 $execute0_lowered;
	[smem:$0x3FD2] =	sst s25  }
0xb5: {  	s5 =	sshll.u32 s26, $0x1;
	_ =	strace $0x80000049;
	[dreg:$0x1] =	wrdreg $0xFFFFFFFF  }
0xb6: {  	s28 =	simm.s32 $_size_execute0_lowered;
	s3 =	sadd.s32 s3, s5;
	[dreg:$0x0] =	wrdreg $0x0  }
0xb7: {  	s5 =	sshll.u32 s28, $0x1;
	[dreg:$0x2] =	wrdreg s3  }
0xb8: {  	[dreg:$0x3] =	wrdreg s5  }
0xb9: {  	[dreg:$0x4] =	wrdreg $0xC0  }
0xba: {  	_ =	task [dreg:s22], $0x5FFFF  }
0xbb: {  	[dreg:$0x1] =	wrdreg $0xFFFFFFFF  }
0xbc: {  	[dreg:$0x0] =	wrdreg $0x60  }
0xbd: {  	[dreg:$0x2] =	wrdreg s24  }
0xbe: {  	[dreg:$0x3] =	wrdreg $0x49A00  }
0xbf: {  	[dreg:$0x4] =	wrdreg $0xA  }
0xc0: {  	_ =	task.clear_ibuf [dreg:s22], $0x5FFFF;
	_ =	strace $0x90000049  }
0xc1: {  	s29 =	simm.s32 $0xA;
	_ =	strace $0x8000004B  }
0xc2: {  	_ =	swait.ge [sflag:s29], $0x1  }
0xc3: {  	[sflag:s29] =	ssyncadd.s32 $0xFFFFFFFF  }
0xc4: {  	_ =	strace $0x9000004B  }
0xc5: {  	_ =	sfence  }
0xc6: {  	s30 =	sld [smem:$0x0];
	_ =	sdelay $0x2  }
0xc7: {  	s31 =	sshll.u32 s1, $0xD;
	s1 =	sshrl.u32 s1, $0x2  }
0xc8: {  	s4 =	sand.u32 $0x4000, s31;
	s1 =	sadd.s32 s1, s30  }
0xc9: {  	s0 =	sor.u32 s4, s0;
	s1 =	sshll.u32 s1, $0x11  }
0xca: {  	s0 =	sor.u32 s1, s0  }
0xcb: {  	s0 =	sadd.s32 $0x8F2B, s0  }
0xcc: {  	[sflag:s0] =	ssyncadd.remote.s32 $0x1  }
0xcd: {  	_ =	sfence.sel $0xFFFF  }
0xce: {  	[dreg:$0x0] =	wrdreg $0xFFFFFFFF;
	(pc) =	sbr.abs _section_cstart, $3  }
0xcf: {  	[dreg:$0x1] =	wrdreg $0xFFFFFFFF  }
0xd0: {  	_ =	task.clear_ibuf [dreg:s22], $0x2FFFF;
	_ =	strace $0x9FFFFFFF  }
0xd1: {  	(tm) =	ssettm $0x7FFFFFFF  }
tec
execute0_lowered:
.L_overlay_start_1:
0x0: {  	(tag) =	ssettag $0x1  }
0x1: {  	s3 =	rddreg [dreg:$0x0]  }
0x2: {  	s9 =	rddreg [dreg:$0x1];
	s2 =	srdreg.scid  }
0x3: {  	s0 =	rddreg [dreg:$0x2];
	s1 =	stileid.u32;
	s13 =	simm.s32 $0x820  }
0x4: {  	s14 =	simm.s32 $0x1020;
	s15 =	simm.s32 $0x1820;
	s16 =	simm.s32 $0x2020  }
0x5: {  	s17 =	simm.s32 $0x1;
	s18 =	simm.s32 $0x2820;
	s19 =	simm.s32 $0x28A0  }
0x6: {  	s20 =	simm.s32 $0x2;
	s21 =	simm.s32 $0x100;
	s22 =	simm.s32 $0x1000  }
0x7: {  	s23 =	simm.s32 $0x38A0;
	s24 =	simm.s32 $0x48A0;
	s25 =	simm.s32 $0x0  }
0x8: {  	s4 =	sand.u32 $0x1, s2;
	s2 =	simm.s32 $0x0;
	s10 =	sshll.u32 s1, $0x8  }
0x9: {  	s31 =	sshll.u32 s1, $0xC;
	s5 =	sshll.u32 s4, $0xC;
	[smem:$0x7FF] =	sst s2  }
0xa: {  	s4 =	ssub.s32 $0x2, s4;
	s5 =	sor.u32 s10, s5;
	_ =	strace $0x8000004A  }
0xb: {  	s7 =	sshrl.u32 s4, $0x1;
	s6 =	sshrl.u32 s5, $0x3;
	s8 =	sadd.s32 s5, s3  }
0xc: {  	s12 =	ssub.s32 s4, s7;
	s11 =	sadd.s32 s6, s3;
	s3 =	sadd.s32 $0x4A00, s8  }
0xd: {  	s4 =	sadd.s32 $0xEE00, s8;
	s5 =	sadd.s32 $0x10E00, s8;
	s6 =	sadd.s32 $0x12E00, s8  }
0xe: {  	v1 =	vlaneseq.u32;
	s7 =	sadd.s32 $0x14E00, s8;
	s8 =	sadd.s32 s31, s9;
	s9 =	sadd.s32 s10, s9  }
0xf: {  	v0 =	vimm.f32 $0.0e+00;
	vm0 =	vcmask $0x3F3C;
	v1 =	vor.u32 $0x80000000, v1;
	s10 =	sadd.s32 $0x16E00, s11;
	s11 =	smax.u32 s12, $0x1;
	s12 =	simm.s32 $0x10  }
.LBB2_1:
0x10: {  	[tilespmem:s12], [sflag:$0x1] =	stream.linear.gather [hbm4b:s3+s2], $0x800, $0x38;
	[tilespmem:$0x59A0] =	vst v63  }
0x11: {  	_ = 	snop  }
0x12: {  	[tilespmem:s13], [sflag:$0x1] =	stream.linear.gather [hbm4b:s4+s2], $0x800, $0x38;
	[tilespmem:$0x59A0] =	vst v63  }
0x13: {  	_ = 	snop  }
0x14: {  	[tilespmem:s14], [sflag:$0x1] =	stream.linear.gather [hbm4b:s5+s2], $0x800, $0x38;
	[tilespmem:$0x59A0] =	vst v63  }
0x15: {  	_ = 	snop  }
0x16: {  	[tilespmem:s15], [sflag:$0x1] =	stream.linear.gather [hbm4b:s6+s2], $0x800, $0x38;
	[tilespmem:$0x59A0] =	vst v63  }
0x17: {  	s26 =	simm.s32 $0x0;
	s28 =	simm.s32 $0x200  }
0x18: {  	[tilespmem:s16], [sflag:$0x1] =	stream.linear.gather [hbm4b:s7+s2], $0x800, $0x38;
	[tilespmem:$0x59A0] =	vst v63  }
.LBB2_2:
0x19: {  	p0 =	sne.s32 s28, $0x3E00;
	[tilespmem:s26+$0x2910] =	vst v0  }
0x1a: {  	[tilespmem:s26+$0x28A0] =	vst v0  }
0x1b: {  	[tilespmem:s26+$0x28B0] =	vst v0  }
.Ltmp0:
0x1c: {  	[tilespmem:s26+$0x28C0] =	vst v0;
	(pc) =	sbr.rel @p0 .LBB2_2-.Ltmp0, $4  }
0x1d: {  	[tilespmem:s26+$0x28D0] =	vst v0  }
0x1e: {  	[tilespmem:s26+$0x28E0] =	vst v0  }
0x1f: {  	[tilespmem:s26+$0x28F0] =	vst v0  }
0x20: {  	[tilespmem:s26+$0x2900] =	vst v0;
	s26 =	sshra.s32 s28, $0x2;
	s28 =	sadd.s32 $0x200, s28  }
0x21: {  	[tilespmem:s26+$0x2910] =	vst v0  }
0x22: {  	[tilespmem:s26+$0x28A0] =	vst v0  }
0x23: {  	[tilespmem:s26+$0x28B0] =	vst v0  }
0x24: {  	[tilespmem:s26+$0x28C0] =	vst v0  }
0x25: {  	[tilespmem:s26+$0x28D0] =	vst v0  }
0x26: {  	[tilespmem:s26+$0x28E0] =	vst v0  }
0x27: {  	[tilespmem:s26+$0x28F0] =	vst v0  }
0x28: {  	[tilespmem:s26+$0x2900] =	vst v0  }
0x29: {  	_ =	swait.ge [sflag:s17], $0x800  }
0x2a: {  	[sflag:s17] =	ssyncset.done $0x0  }
0x2b: {  	[sflag:s17] =	ssyncadd.s32 $0xFFFFF800  }
0x2c: {  	_ =	swait.ge [sflag:s17], $0x800  }
0x2d: {  	[sflag:s17] =	ssyncset.done $0x0  }
0x2e: {  	[sflag:s17] =	ssyncadd.s32 $0xFFFFF800  }
0x2f: {  	_ =	swait.ge [sflag:s17], $0x800  }
0x30: {  	[sflag:s17] =	ssyncset.done $0x0  }
0x31: {  	[sflag:s17] =	ssyncadd.s32 $0xFFFFF800  }
0x32: {  	_ =	swait.ge [sflag:s17], $0x800  }
0x33: {  	[sflag:s17] =	ssyncset.done $0x0  }
0x34: {  	[sflag:s17] =	ssyncadd.s32 $0xFFFFF800  }
0x35: {  	_ =	swait.ge [sflag:s17], $0x800  }
0x36: {  	[sflag:s17] =	ssyncset.done $0x0  }
0x37: {  	s31 =	simm.s32 $0x0;
	[sflag:s17] =	ssyncadd.s32 $0xFFFFF800  }
0x38: {  	v2 =	vld [tilespmem:s31+$0x820]  }
0x39: {  	v3 =	vld [tilespmem:s31+$0x10]  }
0x3a: {  	v4 =	vld [tilespmem:s31+$0xF];
	_ =	sdelay $0x4  }
0x3b: {  	vm1 =	veq.s32 v3, v4;
	(xrf2) =	vadd.scan.msk.f32 $0xffff, v2  }
0x3c: {  	v4 =	vsel vm1, $0x80000000, v1  }
0x3d: {  	(xrf0) =	vmax.scan.msk.u32 $0xffff, v4;
	_ =	sdelay $0x5  }
0x3e: {  	v4, _, _ =	vpop (xrf0)  }
0x3f: {  	v5 =	vld [tilespmem:s31+$0x11];
	v6 =	vxor.u32 $0x80000000, v4  }
0x40: {  	v7, _, _ =	vpop (xrf2)  }
0x41: {  	v2 =	vsub.f32 v7, v2;
	_ =	sdelay $0x1  }
0x42: {  	[tilespmem:$0x2820] =	vst v2  }
0x43: {  	vm1 =	vne.s32 v3, v5;
	v2 =	vld.idx.msk [tilespmem:v6+s18+$0x0], $0xffff  }
0x44: {  	vm1 =	vmor vm1, vm0  }
0x45: {  	v3 =	vshll.u32 v3, $0x2;
	_ =	sdelay $0x2  }
0x46: {  	v2 =	vsub.f32 v7, v2;
	_ =	sdelay $0x1  }
0x47: {  	[tilespmem:v3+s19+$0x0] =	vst.idx.add.f32.msk vm1, v2  }
0x48: {  	v2 =	vld [tilespmem:s31+$0x1020];
	_ =	sdelay $0x4  }
0x49: {  	(xrf2) =	vadd.scan.msk.f32 $0xffff, v2;
	_ =	sdelay $0x8  }
0x4a: {  	v5 =	vadd.s32 $0x80000010, v4  }
0x4b: {  	v6, _, _ =	vpop (xrf2)  }
0x4c: {  	v2 =	vsub.f32 v6, v2;
	_ =	sdelay $0x1  }
0x4d: {  	[tilespmem:$0x2830] =	vst v2  }
0x4e: {  	v2 =	vld.idx.msk [tilespmem:v5+s18+$0x0], $0xffff;
	_ =	sdelay $0x1  }
0x4f: {  	v5 =	vor.u32 $0x1, v3;
	_ =	sdelay $0x2  }
0x50: {  	v2 =	vsub.f32 v6, v2;
	_ =	sdelay $0x1  }
0x51: {  	[tilespmem:v5+s19+$0x0] =	vst.idx.add.f32.msk vm1, v2  }
0x52: {  	v2 =	vld [tilespmem:s31+$0x1820];
	_ =	sdelay $0x4  }
0x53: {  	(xrf2) =	vadd.scan.msk.f32 $0xffff, v2;
	_ =	sdelay $0x8  }
0x54: {  	v5 =	vadd.s32 $0x80000020, v4  }
0x55: {  	v6, _, _ =	vpop (xrf2)  }
0x56: {  	v2 =	vsub.f32 v6, v2;
	_ =	sdelay $0x1  }
0x57: {  	[tilespmem:$0x2840] =	vst v2  }
0x58: {  	v2 =	vld.idx.msk [tilespmem:v5+s18+$0x0], $0xffff;
	_ =	sdelay $0x1  }
0x59: {  	v5 =	vor.u32 $0x2, v3;
	_ =	sdelay $0x2  }
0x5a: {  	v2 =	vsub.f32 v6, v2;
	_ =	sdelay $0x1  }
0x5b: {  	[tilespmem:v5+s19+$0x0] =	vst.idx.add.f32.msk vm1, v2  }
0x5c: {  	v2 =	vld [tilespmem:s31+$0x2020];
	_ =	sdelay $0x4  }
0x5d: {  	(xrf2) =	vadd.scan.msk.f32 $0xffff, v2;
	_ =	sdelay $0x8  }
0x5e: {  	v4 =	vadd.s32 $0x80000030, v4  }
0x5f: {  	v5, _, _ =	vpop (xrf2)  }
0x60: {  	v2 =	vsub.f32 v5, v2;
	_ =	sdelay $0x1  }
0x61: {  	[tilespmem:$0x2850] =	vst v2  }
0x62: {  	v2 =	vld.idx.msk [tilespmem:v4+s18+$0x0], $0xffff;
	_ =	sdelay $0x1  }
0x63: {  	v3 =	vor.u32 $0x3, v3;
	_ =	sdelay $0x2  }
0x64: {  	v2 =	vsub.f32 v5, v2;
	_ =	sdelay $0x1  }
0x65: {  	[tilespmem:v3+s19+$0x0] =	vst.idx.add.f32.msk vm1, v2  }
0x66: {  	v2 =	vld [tilespmem:s31+$0x20]  }
0x67: {  	v3 =	vld [tilespmem:s31+$0x830]  }
0x68: {  	v4 =	vld [tilespmem:s31+$0x1F];
	_ =	sdelay $0x4  }
0x69: {  	(xrf2) =	vadd.scan.msk.f32 $0xffff, v3;
	vm1 =	veq.s32 v2, v4  }
0x6a: {  	v4 =	vsel vm1, $0x80000000, v1  }
0x6b: {  	(xrf0) =	vmax.scan.msk.u32 $0xffff, v4;
	_ =	sdelay $0x5  }
0x6c: {  	v4, _, _ =	vpop (xrf0)  }
0x6d: {  	v5 =	vld [tilespmem:s31+$0x21];
	v6 =	vadd.s32 $0x80000040, v4  }
0x6e: {  	v7, _, _ =	vpop (xrf2)  }
0x6f: {  	v3 =	vsub.f32 v7, v3;
	_ =	sdelay $0x1  }
0x70: {  	[tilespmem:$0x2860] =	vst v3  }
0x71: {  	vm1 =	vne.s32 v2, v5;
	v3 =	vld.idx.msk [tilespmem:v6+s18+$0x0], $0xffff  }
0x72: {  	vm1 =	vmor vm1, vm0  }
0x73: {  	v5 =	vshll.u32 v2, $0x2;
	_ =	sdelay $0x2  }
0x74: {  	v2 =	vsub.f32 v7, v3;
	_ =	sdelay $0x1  }
0x75: {  	[tilespmem:v5+s19+$0x0] =	vst.idx.add.f32.msk vm1, v2  }
0x76: {  	v2 =	vld [tilespmem:s31+$0x1030];
	_ =	sdelay $0x4  }
0x77: {  	(xrf2) =	vadd.scan.msk.f32 $0xffff, v2;
	_ =	sdelay $0x8  }
0x78: {  	v3 =	vadd.s32 $0x80000050, v4  }
0x79: {  	v6, _, _ =	vpop (xrf2)  }
0x7a: {  	v2 =	vsub.f32 v6, v2;
	_ =	sdelay $0x1  }
0x7b: {  	[tilespmem:$0x2870] =	vst v2  }
0x7c: {  	v2 =	vld.idx.msk [tilespmem:v3+s18+$0x0], $0xffff;
	_ =	sdelay $0x1  }
0x7d: {  	v3 =	vor.u32 $0x1, v5;
	_ =	sdelay $0x2  }
0x7e: {  	v2 =	vsub.f32 v6, v2;
	_ =	sdelay $0x1  }
0x7f: {  	[tilespmem:v3+s19+$0x0] =	vst.idx.add.f32.msk vm1, v2  }
0x80: {  	v2 =	vld [tilespmem:s31+$0x1830];
	_ =	sdelay $0x4  }
0x81: {  	(xrf2) =	vadd.scan.msk.f32 $0xffff, v2;
	_ =	sdelay $0x8  }
0x82: {  	v3 =	vadd.s32 $0x80000060, v4  }
0x83: {  	v6, _, _ =	vpop (xrf2)  }
0x84: {  	v2 =	vsub.f32 v6, v2;
	_ =	sdelay $0x1  }
0x85: {  	[tilespmem:$0x2880] =	vst v2  }
0x86: {  	v2 =	vld.idx.msk [tilespmem:v3+s18+$0x0], $0xffff;
	_ =	sdelay $0x1  }
0x87: {  	v3 =	vor.u32 $0x2, v5;
	_ =	sdelay $0x2  }
0x88: {  	v2 =	vsub.f32 v6, v2;
	_ =	sdelay $0x1  }
0x89: {  	[tilespmem:v3+s19+$0x0] =	vst.idx.add.f32.msk vm1, v2  }
0x8a: {  	v3 =	vld [tilespmem:s31+$0x2030];
	_ =	sdelay $0x4  }
0x8b: {  	(xrf2) =	vadd.scan.msk.f32 $0xffff, v3;
	_ =	sdelay $0x8  }
0x8c: {  	v4 =	vadd.s32 $0x80000070, v4  }
0x8d: {  	v2, _, _ =	vpop (xrf2)  }
0x8e: {  	v3 =	vsub.f32 v2, v3;
	_ =	sdelay $0x1  }
0x8f: {  	[tilespmem:$0x2890] =	vst v3  }
0x90: {  	v4 =	vld.idx.msk [tilespmem:v4+s18+$0x0], $0xffff  }
0x91: {  	s26 =	simm.s32 $0x80;
	v3 =	vor.u32 $0x3, v5  }
.LBB2_4:
0x92: {  	p0 =	sne.s32 s26, $0x1F80;
	s28 =	smov.u32 s26;
	s26 =	sadd.s32 $0x80, s26  }
0x93: {  	_ =	sdelay $0x1  }
0x94: {  	v2 =	vsub.f32 v2, v4;
	_ =	sdelay $0x1  }
0x95: {  	s28 =	sshra.s32 s28, $0x2;
	[tilespmem:v3+s19+$0x0] =	vst.idx.add.f32.msk vm1, v2  }
0x96: {  	v2 =	vld [tilespmem:s28+$0x11]  }
0x97: {  	v3 =	vld [tilespmem:s28+$0x820]  }
0x98: {  	v4 =	vld [tilespmem:s28+$0x10]  }
0x99: {  	v5 =	vld [tilespmem:s28+$0xF];
	_ =	sdelay $0x3  }
0x9a: {  	vm1 =	vne.s32 v4, v2  }
0x9b: {  	vm2 =	veq.s32 v4, v5;
	(xrf2) =	vadd.scan.msk.f32 $0xffff, v3  }
0x9c: {  	v2 =	vsel vm2, $0x80000000, v1  }
0x9d: {  	(xrf0) =	vmax.scan.msk.u32 $0xffff, v2;
	_ =	sdelay $0x5  }
0x9e: {  	v2, _, _ =	vpop (xrf0)  }
0x9f: {  	v5 =	vxor.u32 $0x80000000, v2  }
0xa0: {  	v6, _, _ =	vpop (xrf2)  }
0xa1: {  	v3 =	vsub.f32 v6, v3;
	_ =	sdelay $0x1  }
0xa2: {  	[tilespmem:$0x2820] =	vst v3  }
0xa3: {  	v3 =	vld.idx.msk [tilespmem:v5+s18+$0x0], $0xffff;
	_ =	sdelay $0x1  }
0xa4: {  	vm1 =	vmor vm1, vm0  }
0xa5: {  	v4 =	vshll.u32 v4, $0x2;
	_ =	sdelay $0x2  }
0xa6: {  	v3 =	vsub.f32 v6, v3;
	_ =	sdelay $0x1  }
0xa7: {  	[tilespmem:v4+s19+$0x0] =	vst.idx.add.f32.msk vm1, v3  }
0xa8: {  	v3 =	vld [tilespmem:s28+$0x1020];
	_ =	sdelay $0x4  }
0xa9: {  	(xrf2) =	vadd.scan.msk.f32 $0xffff, v3;
	_ =	sdelay $0x8  }
0xaa: {  	v5 =	vadd.s32 $0x80000010, v2  }
0xab: {  	v6, _, _ =	vpop (xrf2)  }
0xac: {  	v3 =	vsub.f32 v6, v3;
	_ =	sdelay $0x1  }
0xad: {  	[tilespmem:$0x2830] =	vst v3  }
0xae: {  	v3 =	vld.idx.msk [tilespmem:v5+s18+$0x0], $0xffff;
	_ =	sdelay $0x2  }
0xaf: {  	v5 =	vor.u32 $0x1, v4;
	_ =	sdelay $0x2  }
0xb0: {  	v3 =	vsub.f32 v6, v3;
	_ =	sdelay $0x1  }
0xb1: {  	[tilespmem:v5+s19+$0x0] =	vst.idx.add.f32.msk vm1, v3  }
0xb2: {  	v3 =	vld [tilespmem:s28+$0x1820];
	_ =	sdelay $0x4  }
0xb3: {  	(xrf2) =	vadd.scan.msk.f32 $0xffff, v3;
	_ =	sdelay $0x8  }
0xb4: {  	v5 =	vadd.s32 $0x80000020, v2  }
0xb5: {  	v6, _, _ =	vpop (xrf2)  }
0xb6: {  	v3 =	vsub.f32 v6, v3;
	_ =	sdelay $0x1  }
0xb7: {  	[tilespmem:$0x2840] =	vst v3  }
0xb8: {  	v3 =	vld.idx.msk [tilespmem:v5+s18+$0x0], $0xffff;
	_ =	sdelay $0x2  }
0xb9: {  	v5 =	vor.u32 $0x2, v4;
	_ =	sdelay $0x2  }
0xba: {  	v3 =	vsub.f32 v6, v3;
	_ =	sdelay $0x1  }
0xbb: {  	[tilespmem:v5+s19+$0x0] =	vst.idx.add.f32.msk vm1, v3  }
0xbc: {  	v3 =	vld [tilespmem:s28+$0x2020];
	_ =	sdelay $0x4  }
0xbd: {  	(xrf2) =	vadd.scan.msk.f32 $0xffff, v3;
	_ =	sdelay $0x8  }
0xbe: {  	v2 =	vadd.s32 $0x80000030, v2  }
0xbf: {  	v5, _, _ =	vpop (xrf2)  }
0xc0: {  	v3 =	vsub.f32 v5, v3;
	_ =	sdelay $0x1  }
0xc1: {  	[tilespmem:$0x2850] =	vst v3  }
0xc2: {  	v2 =	vld.idx.msk [tilespmem:v2+s18+$0x0], $0xffff;
	_ =	sdelay $0x2  }
0xc3: {  	v3 =	vor.u32 $0x3, v4;
	_ =	sdelay $0x2  }
0xc4: {  	v2 =	vsub.f32 v5, v2;
	_ =	sdelay $0x1  }
0xc5: {  	[tilespmem:v3+s19+$0x0] =	vst.idx.add.f32.msk vm1, v2  }
0xc6: {  	v2 =	vld [tilespmem:s28+$0x20]  }
0xc7: {  	v3 =	vld [tilespmem:s28+$0x830]  }
0xc8: {  	v4 =	vld [tilespmem:s28+$0x1F]  }
0xc9: {  	v5 =	vld [tilespmem:s28+$0x21];
	_ =	sdelay $0x2  }
0xca: {  	(xrf2) =	vadd.scan.msk.f32 $0xffff, v3  }
0xcb: {  	vm1 =	veq.s32 v2, v4  }
0xcc: {  	vm2 =	vne.s32 v2, v5;
	v4 =	vsel vm1, $0x80000000, v1  }
0xcd: {  	(xrf0) =	vmax.scan.msk.u32 $0xffff, v4;
	_ =	sdelay $0x5  }
0xce: {  	v4, _, _ =	vpop (xrf0)  }
0xcf: {  	v5 =	vadd.s32 $0x80000040, v4;
	v6, _, _ =	vpop (xrf2)  }
0xd0: {  	v3 =	vsub.f32 v6, v3;
	_ =	sdelay $0x1  }
0xd1: {  	[tilespmem:$0x2860] =	vst v3;
	_ =	sdelay $0x1  }
0xd2: {  	v3 =	vld.idx.msk [tilespmem:v5+s18+$0x0], $0xffff  }
0xd3: {  	vm1 =	vmor vm2, vm0  }
0xd4: {  	v5 =	vshll.u32 v2, $0x2;
	_ =	sdelay $0x3  }
0xd5: {  	v2 =	vsub.f32 v6, v3;
	_ =	sdelay $0x1  }
0xd6: {  	[tilespmem:v5+s19+$0x0] =	vst.idx.add.f32.msk vm1, v2  }
0xd7: {  	v2 =	vld [tilespmem:s28+$0x1030];
	_ =	sdelay $0x4  }
0xd8: {  	(xrf2) =	vadd.scan.msk.f32 $0xffff, v2;
	_ =	sdelay $0x7  }
0xd9: {  	v3 =	vadd.s32 $0x80000050, v4;
	_ =	sdelay $0x1  }
0xda: {  	v6, _, _ =	vpop (xrf2)  }
0xdb: {  	v2 =	vsub.f32 v6, v2;
	_ =	sdelay $0x1  }
0xdc: {  	[tilespmem:$0x2870] =	vst v2  }
0xdd: {  	v2 =	vld.idx.msk [tilespmem:v3+s18+$0x0], $0xffff;
	_ =	sdelay $0x1  }
0xde: {  	v3 =	vor.u32 $0x1, v5;
	_ =	sdelay $0x3  }
0xdf: {  	v2 =	vsub.f32 v6, v2;
	_ =	sdelay $0x1  }
0xe0: {  	[tilespmem:v3+s19+$0x0] =	vst.idx.add.f32.msk vm1, v2  }
0xe1: {  	v2 =	vld [tilespmem:s28+$0x1830];
	_ =	sdelay $0x4  }
0xe2: {  	(xrf2) =	vadd.scan.msk.f32 $0xffff, v2;
	_ =	sdelay $0x7  }
0xe3: {  	v3 =	vadd.s32 $0x80000060, v4;
	_ =	sdelay $0x1  }
0xe4: {  	v6, _, _ =	vpop (xrf2)  }
0xe5: {  	v2 =	vsub.f32 v6, v2;
	_ =	sdelay $0x1  }
0xe6: {  	[tilespmem:$0x2880] =	vst v2  }
0xe7: {  	v2 =	vld.idx.msk [tilespmem:v3+s18+$0x0], $0xffff;
	_ =	sdelay $0x1  }
0xe8: {  	v3 =	vor.u32 $0x2, v5;
	_ =	sdelay $0x3  }
0xe9: {  	v2 =	vsub.f32 v6, v2;
	_ =	sdelay $0x1  }
0xea: {  	[tilespmem:v3+s19+$0x0] =	vst.idx.add.f32.msk vm1, v2  }
0xeb: {  	v3 =	vld [tilespmem:s28+$0x2030];
	_ =	sdelay $0x4  }
0xec: {  	(xrf2) =	vadd.scan.msk.f32 $0xffff, v3;
	_ =	sdelay $0x7  }
0xed: {  	v4 =	vadd.s32 $0x80000070, v4;
	_ =	sdelay $0x1  }
0xee: {  	v2, _, _ =	vpop (xrf2)  }
0xef: {  	v3 =	vsub.f32 v2, v3  }
.Ltmp1:
0xf0: {  	(pc) =	sbr.rel @p0 .LBB2_4-.Ltmp1, $3  }
0xf1: {  	[tilespmem:$0x2890] =	vst v3  }
0xf2: {  	v4 =	vld.idx.msk [tilespmem:v4+s18+$0x0], $0xffff;
	_ =	sdelay $0x1  }
0xf3: {  	v3 =	vor.u32 $0x3, v5  }
0xf4: {  	_ =	sdelay $0x2  }
0xf5: {  	v2 =	vsub.f32 v2, v4;
	_ =	sdelay $0x1  }
0xf6: {  	[tilespmem:v3+s19+$0x0] =	vst.idx.add.f32.msk vm1, v2  }
0xf7: {  	[spmem:s8] =	stream.linear.scatter [tilespmem:s19], [sflag:$0x2], $0x1000, $0x38;
	[tilespmem:$0x59A0] =	vst v63  }
0xf8: {  	_ =	swait.ge [sflag:s20], $0x1000  }
0xf9: {  	[sflag:s20] =	ssyncset.done $0x0  }
0xfa: {  	[sflag:s20] =	ssyncadd.s32 $0xFFFFF000  }
0xfb: {  	[bflag:$0x0] =	sbarrier.arrive $0xFFFF  }
0xfc: {  	[tilespmem:s23], [sflag:$0x2] =	stream.strided.gather [spmem:s9], $0x1000, s22, s21, $0x38;
	[tilespmem:$0x59A0] =	vst v63  }
0xfd: {  	_ =	swait.ge [sflag:s20], $0x1000  }
0xfe: {  	[sflag:s20] =	ssyncset.done $0x0  }
0xff: {  	s28 =	simm.s32 $0x0;
	[sflag:s20] =	ssyncadd.s32 $0xFFFFF000  }
0x100: {  	v2 =	vld [tilespmem:s28+$0x38A0]  }
0x101: {  	v3 =	vld [tilespmem:s28+$0x39A0];
	_ =	sdelay $0x1  }
0x102: {  	v4 =	vld [tilespmem:s28+$0x3AA0];
	_ =	sdelay $0x1  }
0x103: {  	v5 =	vld [tilespmem:s28+$0x3BA0]  }
0x104: {  	v2 =	vadd.f32 v3, v2  }
0x105: {  	v3 =	vld [tilespmem:s28+$0x3CA0]  }
0x106: {  	v2 =	vadd.f32 v4, v2  }
0x107: {  	v4 =	vld [tilespmem:s28+$0x3DA0]  }
0x108: {  	v2 =	vadd.f32 v5, v2  }
0x109: {  	v5 =	vld [tilespmem:s28+$0x3EA0]  }
0x10a: {  	v2 =	vadd.f32 v3, v2  }
0x10b: {  	v3 =	vld [tilespmem:s28+$0x3FA0]  }
0x10c: {  	s26 =	simm.s32 $0x10;
	v6 =	vld [tilespmem:s28+$0x40A0];
	v2 =	vadd.f32 v4, v2  }
0x10d: {  	v7 =	vld [tilespmem:s26+$0x38A0]  }
0x10e: {  	v4 =	vld [tilespmem:s28+$0x41A0];
	v2 =	vadd.f32 v5, v2  }
0x10f: {  	v5 =	vld [tilespmem:s26+$0x39A0]  }
0x110: {  	v8 =	vld [tilespmem:s26+$0x3AA0];
	v2 =	vadd.f32 v3, v2  }
0x111: {  	v3 =	vld [tilespmem:s28+$0x42A0]  }
0x112: {  	v9 =	vld [tilespmem:s26+$0x3BA0];
	v2 =	vadd.f32 v6, v2  }
0x113: {  	v6 =	vld [tilespmem:s28+$0x43A0]  }
0x114: {  	v5 =	vadd.f32 v5, v7;
	v7 =	vld [tilespmem:s26+$0x3CA0];
	v2 =	vadd.f32 v4, v2  }
0x115: {  	v4 =	vld [tilespmem:s28+$0x44A0]  }
0x116: {  	v5 =	vadd.f32 v8, v5;
	v8 =	vld [tilespmem:s26+$0x3DA0];
	v2 =	vadd.f32 v3, v2  }
0x117: {  	v3 =	vld [tilespmem:s28+$0x45A0]  }
0x118: {  	v10 =	vld [tilespmem:s26+$0x3EA0];
	v5 =	vadd.f32 v9, v5;
	v2 =	vadd.f32 v6, v2  }
0x119: {  	v9 =	vld [tilespmem:s28+$0x46A0]  }
0x11a: {  	v6 =	vadd.f32 v7, v5;
	v5 =	vld [tilespmem:s26+$0x3FA0];
	v7 =	vadd.f32 v4, v2  }
0x11b: {  	v4 =	vld [tilespmem:s28+$0x47A0]  }
0x11c: {  	v2 =	vld [tilespmem:s26+$0x41A0];
	v8 =	vadd.f32 v8, v6;
	v11 =	vadd.f32 v3, v7  }
0x11d: {  	s29 =	simm.s32 $0x20;
	v6 =	vld [tilespmem:s26+$0x40A0]  }
0x11e: {  	s30 =	simm.s32 $0xC0;
	v3 =	vld [tilespmem:s29+$0x38A0];
	v7 =	vadd.f32 v10, v8;
	v8 =	vadd.f32 v9, v11  }
.LBB2_6:
0x11f: {  	p0 =	sne.s32 s30, $0x3C0;
	v9 =	vld [tilespmem:s29+$0x39A0]  }
0x120: {  	v5 =	vadd.f32 v5, v7;
	v7 =	vld [tilespmem:s26+$0x42A0];
	v4 =	vadd.f32 v4, v8  }
0x121: {  	v8 =	vld [tilespmem:s29+$0x3AA0]  }
0x122: {  	v5 =	vadd.f32 v6, v5;
	v6 =	vld [tilespmem:s26+$0x43A0];
	[tilespmem:s28+$0x48A0] =	vst v4;
	s28 =	smov.u32 s26;
	s26 =	smov.u32 s29  }
0x123: {  	v4 =	vld [tilespmem:s26+$0x3BA0]  }
0x124: {  	v3 =	vadd.f32 v9, v3;
	v2 =	vadd.f32 v2, v5;
	v5 =	vld [tilespmem:s28+$0x44A0]  }
0x125: {  	v9 =	vld [tilespmem:s26+$0x3CA0]  }
0x126: {  	v3 =	vadd.f32 v8, v3;
	v2 =	vadd.f32 v7, v2;
	v7 =	vld [tilespmem:s28+$0x45A0]  }
0x127: {  	v8 =	vld [tilespmem:s26+$0x3DA0]  }
0x128: {  	v3 =	vadd.f32 v4, v3;
	v2 =	vadd.f32 v6, v2;
	v10 =	vld [tilespmem:s28+$0x46A0]  }
0x129: {  	v11 =	vld [tilespmem:s26+$0x3EA0]  }
.Ltmp2:
0x12a: {  	v3 =	vadd.f32 v9, v3;
	v6 =	vadd.f32 v5, v2;
	v4 =	vld [tilespmem:s28+$0x47A0];
	(pc) =	sbr.rel @p0 .LBB2_6-.Ltmp2, $4  }
0x12b: {  	v5 =	vld [tilespmem:s26+$0x3FA0]  }
0x12c: {  	v8 =	vadd.f32 v8, v3;
	v2 =	vld [tilespmem:s26+$0x41A0];
	v9 =	vadd.f32 v7, v6  }
0x12d: {  	s29 =	sshra.s32 s30, $0x2;
	v6 =	vld [tilespmem:s26+$0x40A0]  }
0x12e: {  	s30 =	sadd.s32 $0x40, s30;
	v3 =	vld [tilespmem:s29+$0x38A0];
	v7 =	vadd.f32 v11, v8;
	v8 =	vadd.f32 v10, v9  }
0x12f: {  	v9 =	vld [tilespmem:s29+$0x39A0]  }
0x130: {  	v10 =	vld [tilespmem:s26+$0x42A0];
	v4 =	vadd.f32 v4, v8  }
0x131: {  	v49 =	vld [tilespmem:s29+$0x3AA0]  }
0x132: {  	v11 =	vld [tilespmem:s26+$0x43A0];
	v5 =	vadd.f32 v5, v7;
	[tilespmem:s28+$0x48A0] =	vst v4  }
0x133: {  	v4 =	vld [tilespmem:s29+$0x3BA0]  }
0x134: {  	v5 =	vadd.f32 v6, v5;
	v3 =	vadd.f32 v9, v3  }
0x135: {  	v50 =	vld [tilespmem:s29+$0x3CA0]  }
0x136: {  	v51 =	vld [tilespmem:s26+$0x44A0];
	v2 =	vadd.f32 v2, v5;
	v3 =	vadd.f32 v49, v3  }
0x137: {  	v52 =	vld [tilespmem:s29+$0x3DA0]  }
0x138: {  	v53 =	vld [tilespmem:s26+$0x45A0];
	v2 =	vadd.f32 v10, v2;
	v3 =	vadd.f32 v4, v3  }
0x139: {  	v54 =	vld [tilespmem:s29+$0x3EA0]  }
0x13a: {  	v55 =	vld [tilespmem:s26+$0x46A0];
	v2 =	vadd.f32 v11, v2;
	v3 =	vadd.f32 v50, v3  }
0x13b: {  	v56 =	vld [tilespmem:s29+$0x3FA0]  }
0x13c: {  	v57 =	vld [tilespmem:s26+$0x47A0];
	v2 =	vadd.f32 v51, v2;
	v3 =	vadd.f32 v52, v3  }
0x13d: {  	v58 =	vld [tilespmem:s29+$0x40A0]  }
0x13e: {  	v2 =	vadd.f32 v53, v2;
	v3 =	vadd.f32 v54, v3  }
0x13f: {  	v59 =	vld [tilespmem:s29+$0x41A0]  }
0x140: {  	v2 =	vadd.f32 v55, v2;
	v3 =	vadd.f32 v56, v3  }
0x141: {  	v60 =	vld [tilespmem:s29+$0x42A0]  }
0x142: {  	v2 =	vadd.f32 v57, v2;
	v3 =	vadd.f32 v58, v3  }
0x143: {  	v61 =	vld [tilespmem:s29+$0x43A0]  }
0x144: {  	[tilespmem:s26+$0x48A0] =	vst v2;
	v2 =	vadd.f32 v59, v3  }
0x145: {  	v3 =	vld [tilespmem:s29+$0x44A0]  }
0x146: {  	v2 =	vadd.f32 v60, v2  }
0x147: {  	v62 =	vld [tilespmem:s29+$0x45A0]  }
0x148: {  	v2 =	vadd.f32 v61, v2  }
0x149: {  	v63 =	vld [tilespmem:s29+$0x46A0]  }
0x14a: {  	v2 =	vadd.f32 v3, v2  }
0x14b: {  	v3 =	vld [tilespmem:s29+$0x47A0]  }
0x14c: {  	v2 =	vadd.f32 v62, v2;
	_ =	sdelay $0x1  }
0x14d: {  	v2 =	vadd.f32 v63, v2;
	_ =	sdelay $0x1  }
0x14e: {  	s25 =	sadd.s32 $0x1, s25;
	v2 =	vadd.f32 v3, v2  }
0x14f: {  	p0 =	sne.s32 s25, s11  }
.Ltmp3:
0x150: {  	[tilespmem:s29+$0x48A0] =	vst v2;
	(pc) =	sbr.rel @p0 .LBB2_1-.Ltmp3, $4  }
0x151: {  	[hbm4b:s10+s2] =	stream.linear.scatter [tilespmem:s24], [sflag:$0x2], $0x100, $0x38;
	[tilespmem:$0x59A0] =	vst v63  }
0x152: {  	_ =	swait.ge [sflag:s20], $0x100  }
0x153: {  	[sflag:s20] =	ssyncset.done $0x0  }
0x154: {  	[sflag:s20] =	ssyncadd.s32 $0xFFFFFF00  }
0x155: {  	_ =	sfence.sel $0x180000  }
0x156: {  	[bflag:$0x0] =	sbarrier.arrive $0xFFFF  }
0x157: {  	p0 =	sne.s32 s1, $0x0;
	_ =	strace $0x9000004A  }
0x158: {  	s0 =	sadd.s32 @!p0 $0x100000, s0;
	[bflag:$0x2] =	sbarrier.arrive $0xFFFF  }
0x159: {  	[sflag:s0] =	ssyncadd.tile.s32 @!p0 $0x1;
	_ =	shalt  }
.Lfunc_end2:
_tile_overlayer_lowered:
.L_overlay_start_2:
0x15a: {  	(tag) =	ssettag $0x2  }
0x15b: {  	s0 =	rddreg [dreg:$0x0];
	s2 =	stileid.u32  }
0x15c: {  	s1 =	rddreg [dreg:$0x1];
	p0 =	sne.s32 s2, $0x0  }
0x15d: {  	s3 =	rddreg [dreg:$0x2];
	[bflag:$0x3] =	sbarrier.arrive $0xFFFF;
	s2 =	simm.s32 @!p0 $0x1C02  }
0x15e: {  	[timem:s3], [sflag:s2] =	dma.local @!p0 [hbm:s0], s1  }
0x15f: {  	s0 =	simm.s32 @!p0 $0x2  }
0x160: {  	_ =	swait.ge @!p0 [sflag:s0], s1  }
0x161: {  	s1 =	ssub.s32 @!p0 $0x0, s1;
	[sflag:s0] =	ssyncset.done @!p0 $0x0  }
0x162: {  	[sflag:s0] =	ssyncadd.s32 @!p0 s1  }
0x163: {  	[bflag:$0x3] =	sbarrier.arrive $0xFFFF  }
0x164: {  	_ =	shalt  }

// kernel: kernel.14.cloned.1.call-start
scs
__scs_entry_jumppad:
0x0: {  	(pc) =	sbr.rel $0x88, $3  }
0x1: {  	(tag) =	ssettag $0x0;
	lr =	simm.s32 $0x1  }
0x2: {  	[smem:$0x3F9C] =	sst lr;
	_ =	strace $0xD0000000  }
0x3: {  	_ = 	snop  }
0x4: {  	_ = 	snop  }
0x5: {  	_ = 	snop  }
0x6: {  	_ = 	snop  }
0x7: {  	_ = 	snop  }
__scs_overlays_trampoline_lowered:
0x8: {  	[smem:$0x3FAB] =	sst s0  }
0x9: {  	[smem:$0x3FAC] =	sst s1  }
0xa: {  	[smem:$0x3FAD] =	sst s2  }
0xb: {  	[smem:$0x3FAE] =	sst s3  }
0xc: {  	[smem:$0x3FAF] =	sst s4  }
0xd: {  	[smem:$0x3FB0] =	sst s5  }
0xe: {  	[smem:$0x3FB1] =	sst s6  }
0xf: {  	[smem:$0x3FB2] =	sst s7  }
0x10: {  	[smem:$0x3FB3] =	sst s8  }
0x11: {  	[smem:$0x3FB4] =	sst s9;
	s0 =	simm.s32 @!p0 $0x0  }
0x12: {  	s1 =	sld [smem:$0x3F9A];
	s0 =	simm.s32 @p0 $0x1  }
0x13: {  	[smem:$0x3FB5] =	sst s0;
	s0 =	simm.s32 @!p1 $0x0  }
0x14: {  	s2 =	sld [smem:$0x3F99];
	s0 =	simm.s32 @p1 $0x1  }
0x15: {  	[smem:$0x3FB6] =	sst s0;
	s0 =	simm.s32 @!p2 $0x0  }
0x16: {  	s3 =	sld [smem:$0x3FDB];
	s0 =	simm.s32 @p2 $0x1  }
0x17: {  	s4 =	simm.s32 $0x1BF5;
	[smem:$0x3FB8] =	sst s0  }
0x18: {  	s0 =	sld [smem:$0x3F9B];
	_ =	swait.ge [sflag:s4], $0x0  }
0x19: {  	s7 =	sld [smem:$0x3F9C]  }
0x1a: {  	s8 =	sadd.s32 $0xFFFFE003, lr  }
0x1b: {  	s9 =	sadd.s32 $0xFFFFFEF7, lr;
	s5 =	simm.s32 $0xFFFFFFFF;
	p2 =	slt.u32 s8, $0xFFFFF086  }
0x1c: {  	p1 =	slt.u32 s9, $0xF7A;
	s5 =	simm.s32 @!p2 $0x0  }
0x1d: {  	s5 =	simm.s32 @p1 $0x1;
	p0 =	seq.s32 s7, s2  }
0x1e: {  	s7 =	smul.u32 @!p0 $0xF7A, s2;
	p2 =	seq.s32 @!p0 s5, $0x0  }
0x1f: {  	s9 =	smul.u32 $0xF7A, s1;
	s8 =	simm.s32 @!p0 $0x1BF5;
	p2 =	por !p2, p0  }
0x20: {  	[sflag:s8] =	ssyncset.s32 @!p0 $0xFFFFF086;
	s6 =	sadd.s32 @!p0 s3, s7;
	s7 =	simm.s32 @!p0 $0x108  }
0x21: {  	s3 =	sadd.s32 s3, s9;
	s6 =	sadd.s32 @!p0 $0x88, s6;
	s7 =	simm.s32 @p2 $0x1082  }
0x22: {  	[simem:s7], [sflag:s8] =	dma.local @!p0 [hbm:s6], $0xF7A  }
0x23: {  	s9 =	sor.u32 $0xD0000000, s2;
	s6 =	simm.s32 $0x108;
	_ =	swait.ge @!p0 [sflag:s8], $0x0  }
0x24: {  	s3 =	sadd.s32 $0x88, s3;
	s6 =	simm.s32 @!p1 $0x1082;
	[sflag:s4] =	ssyncset.s32 $0xFFFFF086  }
0x25: {  	[simem:s6], [sflag:s4] =	dma.local [hbm:s3], $0xF7A  }
0x26: {  	[smem:$0x3F9C] =	sst s1;
	(tag) =	ssettag s2;
	_ =	strace s9  }
0x27: {  	s1 =	sld [smem:$0x3FAC]  }
0x28: {  	s2 =	sld [smem:$0x3FAD]  }
0x29: {  	s4 =	sld [smem:$0x3FAF]  }
0x2a: {  	p0 =	seq.s32 s5, $0x0;
	s5 =	sld [smem:$0x3FB0]  }
0x2b: {  	s6 =	sld [smem:$0x3FB1]  }
0x2c: {  	s7 =	sld [smem:$0x3FB2]  }
0x2d: {  	s3 =	simm.s32 $0x108;
	s8 =	sld [smem:$0x3FB3]  }
0x2e: {  	s3 =	simm.s32 @!p0 $0x1082;
	s9 =	sld [smem:$0x3FB4]  }
0x2f: {  	lr =	sadd.s32 s0, s3;
	s0 =	sld [smem:$0x3FAB]  }
0x30: {  	s3 =	sld [smem:$0x3FAE]  }
0x31: {  	[smem:$0x3FB7] =	sst s10  }
0x32: {  	s10 =	sld [smem:$0x3FB5];
	_ =	sdelay $0x3  }
0x33: {  	p0 =	seq.s32 s10, $0x1;
	s10 =	sld [smem:$0x3FB7];
	_ =	sdelay $0x3  }
0x34: {  	[smem:$0x3FB7] =	sst s10  }
0x35: {  	s10 =	sld [smem:$0x3FB6];
	_ =	sdelay $0x3  }
0x36: {  	p1 =	seq.s32 s10, $0x1;
	s10 =	sld [smem:$0x3FB7];
	_ =	sdelay $0x3  }
0x37: {  	[smem:$0x3FB7] =	sst s10  }
0x38: {  	s10 =	sld [smem:$0x3FB8]  }
0x39: {  	_ = 	snop;
	(pc) =	sbr.ind lr, $3  }
0x3a: {  	_ = 	snop  }
0x3b: {  	_ = 	snop  }
0x3c: {  	p2 =	seq.s32 s10, $0x1;
	s10 =	sld [smem:$0x3FB7]  }
0x3d: {  	_ =	shalt  }
0x3e: {  	_ =	shalt  }
0x3f: {  	_ =	shalt  }
0x40: {  	_ =	shalt  }
0x41: {  	_ =	shalt  }
0x42: {  	_ =	shalt  }
0x43: {  	_ =	shalt  }
0x44: {  	_ =	shalt  }
0x45: {  	_ =	shalt  }
0x46: {  	_ =	shalt  }
0x47: {  	_ =	shalt  }
0x48: {  	_ =	shalt  }
0x49: {  	_ =	shalt  }
0x4a: {  	_ =	shalt  }
0x4b: {  	_ =	shalt  }
0x4c: {  	_ =	shalt  }
0x4d: {  	_ =	shalt  }
0x4e: {  	_ =	shalt  }
0x4f: {  	_ =	shalt  }
0x50: {  	_ =	shalt  }
0x51: {  	_ =	shalt  }
0x52: {  	_ =	shalt  }
0x53: {  	_ =	shalt  }
0x54: {  	_ =	shalt  }
0x55: {  	_ =	shalt  }
0x56: {  	_ =	shalt  }
0x57: {  	_ =	shalt  }
0x58: {  	_ =	shalt  }
0x59: {  	_ =	shalt  }
0x5a: {  	_ =	shalt  }
0x5b: {  	_ =	shalt  }
0x5c: {  	_ =	shalt  }
0x5d: {  	_ =	shalt  }
0x5e: {  	_ =	shalt  }
0x5f: {  	_ =	shalt  }
0x60: {  	_ =	shalt  }
0x61: {  	_ =	shalt  }
0x62: {  	_ =	shalt  }
0x63: {  	_ =	shalt  }
0x64: {  	_ =	shalt  }
0x65: {  	_ =	shalt  }
0x66: {  	_ =	shalt  }
0x67: {  	_ =	shalt  }
0x68: {  	_ =	shalt  }
0x69: {  	_ =	shalt  }
0x6a: {  	_ =	shalt  }
0x6b: {  	_ =	shalt  }
0x6c: {  	_ =	shalt  }
0x6d: {  	_ =	shalt  }
0x6e: {  	_ =	shalt  }
0x6f: {  	_ =	shalt  }
0x70: {  	_ =	shalt  }
0x71: {  	_ =	shalt  }
0x72: {  	_ =	shalt  }
0x73: {  	_ =	shalt  }
0x74: {  	_ =	shalt  }
0x75: {  	_ =	shalt  }
0x76: {  	_ =	shalt  }
0x77: {  	_ =	shalt  }
0x78: {  	_ =	shalt  }
0x79: {  	_ =	shalt  }
0x7a: {  	_ =	shalt  }
0x7b: {  	_ =	shalt  }
0x7c: {  	_ =	shalt  }
0x7d: {  	_ =	shalt  }
0x7e: {  	_ =	shalt  }
0x7f: {  	_ =	shalt  }
0x80: {  	_ =	shalt  }
0x81: {  	_ =	shalt  }
0x82: {  	_ =	shalt  }
0x83: {  	_ =	shalt  }
0x84: {  	_ =	shalt  }
0x85: {  	_ =	shalt  }
0x86: {  	_ =	shalt  }
0x87: {  	_ =	shalt  }
.Lfunc_end0:
.L_simem_size_0:
called_computation.2_lowered:
.L_overlay_start_0:
0x88: {  	s2 =	sld [smem:$0x3FD9]  }
0x89: {  	s3 =	sld [smem:$0x3FFE];
	_ =	sdelay $0x1  }
0x8a: {  	s1 =	srdreg.scid  }
0x8b: {  	s0 =	sand.u32 $0x1, s1  }
0x8c: {  	s17 =	sshll.u32 s0, $0xA;
	s2 =	sadd.s32 s3, s2  }
0x8d: {  	s2 =	sadd.s32 s2, s17  }
0x8e: {  	[smem:$0x3FC3] =	sst s2  }
0x8f: {  	_ = 	snop  }
0x90: {  	(tm) =	ssettm $0x1  }
0x91: {  	s18 =	sld [smem:$0x3FFB];
	_ =	sdelay $0x3  }
0x92: {  	_ =	strace s18  }
0x93: {  	s2 =	sld [smem:$0x3FFC];
	_ =	sdelay $0x3  }
0x94: {  	_ =	strace s2  }
0x95: {  	s2 =	sld [smem:$0x3FFD];
	_ =	sdelay $0x3  }
0x96: {  	_ =	strace s2  }
0x97: {  	_ =	strace $0x8FFFFFFF  }
0x98: {  	s19 =	sld [smem:$0x3FDB];
	_ =	sdelay $0x1  }
0x99: {  	s20 =	simm.s32 $_scs_section_size  }
0x9a: {  	s4 =	simm.s32 $_size__tile_overlayer_lowered;
	s5 =	simm.s32 $_tile_overlayer_lowered  }
0x9b: {  	s6 =	simm.s32 $0x1BFF;
	s21 =	sshll.u32 s5, $0x1;
	s3 =	sadd.s32 s20, s19  }
0x9c: {  	s22 =	simm.s32 $0x0;
	s4 =	sshll.u32 s4, $0x1;
	s5 =	sadd.s32 s21, s3  }
0x9d: {  	[timem:s22], [sflag:s6] =	dma.local [hbm:s5], s4  }
0x9e: {  	_ =	swait.ge [sflag:s6], s4  }
0x9f: {  	s4 =	ssub.s32 $0x0, s4;
	[sflag:s6] =	ssyncset.done $0x0  }
0xa0: {  	[sflag:s6] =	ssyncadd.s32 s4;
	_ =	sdelay $0x1  }
0xa1: {  	s23 =	simm.s32 $0x1B8B  }
0xa2: {  	_ =	swait.ge [sflag:s23], $0x1  }
0xa3: {  	[sflag:s23] =	ssyncset.done $0x0  }
0xa4: {  	[sflag:s23] =	ssyncadd.s32 $0xFFFFFFFF  }
0xa5: {  	s4 =	sld [smem:$0x0]  }
0xa6: {  	s5 =	sand.u32 $0xFFFFFFFE, s1  }
0xa7: {  	p0 =	sne.s32 s1, s5  }
0xa8: {  	s5 =	sshll.u32 @p0 s5, $0xE  }
0xa9: {  	s5 =	sadd.s32 @p0 $0x11B8D, s5;
	s6 =	sshll.u32 @p0 s4, $0x11  }
0xaa: {  	s5 =	sor.u32 @p0 s6, s5  }
0xab: {  	[sflag:s5] =	ssyncadd.remote.s32 @p0 $0x1;
	_ =	sdelay $0x1  }
0xac: {  	s5 =	simm.s32 @p0 $0x1B8D  }
0xad: {  	_ =	swait.eq @p0 [sflag:s5], $0x1  }
0xae: {  	[sflag:s5] =	ssyncadd.s32 @p0 $0xFFFFFFFF  }
0xaf: {  	s6 =	sshll.u32 @!p0 s1, $0xE  }
0xb0: {  	s6 =	sor.u32 @!p0 $0x4000, s6;
	s5 =	simm.s32 @!p0 $0x1B8D  }
0xb1: {  	s4 =	sshll.u32 @!p0 s4, $0x11;
	s6 =	sadd.s32 @!p0 $0x11B8D, s6;
	_ =	swait.eq @!p0 [sflag:s5], $0x1  }
0xb2: {  	s4 =	sor.u32 @!p0 s4, s6;
	[sflag:s5] =	ssyncadd.s32 @!p0 $0xFFFFFFFF  }
0xb3: {  	s25 =	simm.s32 $0x1B8E;
	s24 =	sld [smem:$0x3FFE];
	[sflag:s4] =	ssyncadd.remote.s32 @!p0 $0x1  }
0xb4: {  	s26 =	simm.s32 $execute0_lowered;
	[smem:$0x3FD2] =	sst s25  }
0xb5: {  	s5 =	sshll.u32 s26, $0x1;
	_ =	strace $0x8000004C;
	[dreg:$0x1] =	wrdreg $0xFFFFFFFF  }
0xb6: {  	s28 =	simm.s32 $_size_execute0_lowered;
	s3 =	sadd.s32 s3, s5;
	[dreg:$0x0] =	wrdreg $0x0  }
0xb7: {  	s5 =	sshll.u32 s28, $0x1;
	[dreg:$0x2] =	wrdreg s3  }
0xb8: {  	[dreg:$0x3] =	wrdreg s5  }
0xb9: {  	[dreg:$0x4] =	wrdreg $0xC0  }
0xba: {  	_ =	task [dreg:s22], $0x5FFFF  }
0xbb: {  	[dreg:$0x1] =	wrdreg $0xFFFFFFFF  }
0xbc: {  	[dreg:$0x0] =	wrdreg $0x60  }
0xbd: {  	[dreg:$0x2] =	wrdreg s24  }
0xbe: {  	[dreg:$0x3] =	wrdreg $0x33C00  }
0xbf: {  	[dreg:$0x4] =	wrdreg $0xB  }
0xc0: {  	_ =	task.clear_ibuf [dreg:s22], $0x5FFFF;
	_ =	strace $0x9000004C  }
0xc1: {  	s29 =	simm.s32 $0xB;
	_ =	strace $0x8000004E  }
0xc2: {  	_ =	swait.ge [sflag:s29], $0x1  }
0xc3: {  	[sflag:s29] =	ssyncadd.s32 $0xFFFFFFFF  }
0xc4: {  	_ =	strace $0x9000004E  }
0xc5: {  	_ =	sfence  }
0xc6: {  	s30 =	sld [smem:$0x0];
	_ =	sdelay $0x2  }
0xc7: {  	s31 =	sshll.u32 s1, $0xD;
	s1 =	sshrl.u32 s1, $0x2  }
0xc8: {  	s4 =	sand.u32 $0x4000, s31;
	s1 =	sadd.s32 s1, s30  }
0xc9: {  	s0 =	sor.u32 s4, s0;
	s1 =	sshll.u32 s1, $0x11  }
0xca: {  	s0 =	sor.u32 s1, s0  }
0xcb: {  	s0 =	sadd.s32 $0x8F2B, s0  }
0xcc: {  	[sflag:s0] =	ssyncadd.remote.s32 $0x1  }
0xcd: {  	_ =	sfence.sel $0xFFFF  }
0xce: {  	[dreg:$0x0] =	wrdreg $0xFFFFFFFF;
	(pc) =	sbr.abs _section_cstart, $3  }
0xcf: {  	[dreg:$0x1] =	wrdreg $0xFFFFFFFF  }
0xd0: {  	_ =	task.clear_ibuf [dreg:s22], $0x2FFFF;
	_ =	strace $0x9FFFFFFF  }
0xd1: {  	(tm) =	ssettm $0x7FFFFFFF  }
tec
execute0_lowered:
.L_overlay_start_1:
0x0: {  	(tag) =	ssettag $0x1  }
0x1: {  	s3 =	rddreg [dreg:$0x0]  }
0x2: {  	s9 =	rddreg [dreg:$0x1];
	s1 =	srdreg.scid  }
0x3: {  	s0 =	rddreg [dreg:$0x2];
	s2 =	simm.s32 $0x0;
	s13 =	simm.s32 $0x3C0  }
0x4: {  	s14 =	simm.s32 $0x760;
	s15 =	simm.s32 $0xB00;
	s16 =	simm.s32 $0xEA0  }
0x5: {  	s17 =	simm.s32 $0x1;
	s18 =	simm.s32 $0x1240;
	s19 =	simm.s32 $0x12C0  }
0x6: {  	s20 =	simm.s32 $0x2;
	s21 =	simm.s32 $0x100;
	s22 =	simm.s32 $0x1000  }
0x7: {  	s23 =	simm.s32 $0x22C0;
	s24 =	simm.s32 $0x32C0;
	s4 =	sand.u32 $0x1, s1  }
0x8: {  	s25 =	simm.s32 $0x0;
	s1 =	stileid.u32;
	s5 =	sshll.u32 s4, $0x4  }
0x9: {  	[smem:$0x7FF] =	sst s2;
	s10 =	sshll.u32 s1, $0x8;
	s5 =	sor.u32 s1, s5  }
0xa: {  	s6 =	sshll.u32 s4, $0xC;
	s4 =	ssub.s32 $0x2, s4;
	s5 =	smul.u32 $0x74, s5  }
0xb: {  	_ =	strace $0x8000004D;
	s31 =	sshll.u32 s1, $0xC;
	s6 =	sor.u32 s10, s6  }
0xc: {  	s7 =	sshrl.u32 s4, $0x1;
	s6 =	sshrl.u32 s6, $0x3;
	s8 =	sadd.s32 s5, s3  }
0xd: {  	s12 =	ssub.s32 s4, s7;
	s11 =	sadd.s32 s6, s3;
	s3 =	sadd.s32 $0x1B200, s8  }
0xe: {  	s4 =	sadd.s32 $0x17200, s8;
	s5 =	sadd.s32 $0x18200, s8;
	s6 =	sadd.s32 $0x19200, s8  }
0xf: {  	v1 =	vlaneseq.u32;
	s7 =	sadd.s32 $0x1A200, s8;
	s8 =	sadd.s32 s31, s9;
	s9 =	sadd.s32 s10, s9  }
0x10: {  	v0 =	vimm.f32 $0.0e+00;
	vm0 =	vcmask $0x3F3C;
	v1 =	vor.u32 $0x80000000, v1;
	s10 =	sadd.s32 $0x1C200, s11;
	s11 =	smax.u32 s12, $0x1;
	s12 =	simm.s32 $0x10  }
.LBB2_1:
0x11: {  	[tilespmem:s12], [sflag:$0x1] =	stream.linear.gather [hbm4b:s3+s2], $0x3A0, $0x38;
	[tilespmem:$0x43C0] =	vst v63  }
0x12: {  	_ = 	snop  }
0x13: {  	[tilespmem:s13], [sflag:$0x1] =	stream.linear.gather [hbm4b:s4+s2], $0x3A0, $0x38;
	[tilespmem:$0x43C0] =	vst v63  }
0x14: {  	_ = 	snop  }
0x15: {  	[tilespmem:s14], [sflag:$0x1] =	stream.linear.gather [hbm4b:s5+s2], $0x3A0, $0x38;
	[tilespmem:$0x43C0] =	vst v63  }
0x16: {  	_ = 	snop  }
0x17: {  	[tilespmem:s15], [sflag:$0x1] =	stream.linear.gather [hbm4b:s6+s2], $0x3A0, $0x38;
	[tilespmem:$0x43C0] =	vst v63  }
0x18: {  	s26 =	simm.s32 $0x0;
	s28 =	simm.s32 $0x200  }
0x19: {  	[tilespmem:s16], [sflag:$0x1] =	stream.linear.gather [hbm4b:s7+s2], $0x3A0, $0x38;
	[tilespmem:$0x43C0] =	vst v63  }
.LBB2_2:
0x1a: {  	p0 =	sne.s32 s28, $0x3E00;
	[tilespmem:s26+$0x1330] =	vst v0  }
0x1b: {  	[tilespmem:s26+$0x12C0] =	vst v0  }
0x1c: {  	[tilespmem:s26+$0x12D0] =	vst v0  }
.Ltmp0:
0x1d: {  	[tilespmem:s26+$0x12E0] =	vst v0;
	(pc) =	sbr.rel @p0 .LBB2_2-.Ltmp0, $4  }
0x1e: {  	[tilespmem:s26+$0x12F0] =	vst v0  }
0x1f: {  	[tilespmem:s26+$0x1300] =	vst v0  }
0x20: {  	[tilespmem:s26+$0x1310] =	vst v0  }
0x21: {  	[tilespmem:s26+$0x1320] =	vst v0;
	s26 =	sshra.s32 s28, $0x2;
	s28 =	sadd.s32 $0x200, s28  }
0x22: {  	[tilespmem:s26+$0x1330] =	vst v0  }
0x23: {  	[tilespmem:s26+$0x12C0] =	vst v0  }
0x24: {  	[tilespmem:s26+$0x12D0] =	vst v0  }
0x25: {  	[tilespmem:s26+$0x12E0] =	vst v0  }
0x26: {  	[tilespmem:s26+$0x12F0] =	vst v0  }
0x27: {  	[tilespmem:s26+$0x1300] =	vst v0  }
0x28: {  	[tilespmem:s26+$0x1310] =	vst v0  }
0x29: {  	[tilespmem:s26+$0x1320] =	vst v0  }
0x2a: {  	_ =	swait.ge [sflag:s17], $0x3A0  }
0x2b: {  	[sflag:s17] =	ssyncset.done $0x0  }
0x2c: {  	[sflag:s17] =	ssyncadd.s32 $0xFFFFFC60  }
0x2d: {  	_ =	swait.ge [sflag:s17], $0x3A0  }
0x2e: {  	[sflag:s17] =	ssyncset.done $0x0  }
0x2f: {  	[sflag:s17] =	ssyncadd.s32 $0xFFFFFC60  }
0x30: {  	_ =	swait.ge [sflag:s17], $0x3A0  }
0x31: {  	[sflag:s17] =	ssyncset.done $0x0  }
0x32: {  	[sflag:s17] =	ssyncadd.s32 $0xFFFFFC60  }
0x33: {  	_ =	swait.ge [sflag:s17], $0x3A0  }
0x34: {  	[sflag:s17] =	ssyncset.done $0x0  }
0x35: {  	[sflag:s17] =	ssyncadd.s32 $0xFFFFFC60  }
0x36: {  	_ =	swait.ge [sflag:s17], $0x3A0  }
0x37: {  	[sflag:s17] =	ssyncset.done $0x0  }
0x38: {  	s31 =	simm.s32 $0x0;
	[sflag:s17] =	ssyncadd.s32 $0xFFFFFC60  }
0x39: {  	v2 =	vld [tilespmem:s31+$0x3C0]  }
0x3a: {  	v3 =	vld [tilespmem:s31+$0x10]  }
0x3b: {  	v4 =	vld [tilespmem:s31+$0xF];
	_ =	sdelay $0x4  }
0x3c: {  	vm1 =	veq.s32 v3, v4;
	(xrf2) =	vadd.scan.msk.f32 $0xffff, v2  }
0x3d: {  	v4 =	vsel vm1, $0x80000000, v1  }
0x3e: {  	(xrf0) =	vmax.scan.msk.u32 $0xffff, v4;
	_ =	sdelay $0x5  }
0x3f: {  	v4, _, _ =	vpop (xrf0)  }
0x40: {  	v5 =	vld [tilespmem:s31+$0x11];
	v6 =	vxor.u32 $0x80000000, v4  }
0x41: {  	v7, _, _ =	vpop (xrf2)  }
0x42: {  	v2 =	vsub.f32 v7, v2;
	_ =	sdelay $0x1  }
0x43: {  	[tilespmem:$0x1240] =	vst v2  }
0x44: {  	vm1 =	vne.s32 v3, v5;
	v2 =	vld.idx.msk [tilespmem:v6+s18+$0x0], $0xffff  }
0x45: {  	vm1 =	vmor vm1, vm0  }
0x46: {  	v3 =	vshll.u32 v3, $0x2;
	_ =	sdelay $0x2  }
0x47: {  	v2 =	vsub.f32 v7, v2;
	_ =	sdelay $0x1  }
0x48: {  	[tilespmem:v3+s19+$0x0] =	vst.idx.add.f32.msk vm1, v2  }
0x49: {  	v2 =	vld [tilespmem:s31+$0x760];
	_ =	sdelay $0x4  }
0x4a: {  	(xrf2) =	vadd.scan.msk.f32 $0xffff, v2;
	_ =	sdelay $0x8  }
0x4b: {  	v5 =	vadd.s32 $0x80000010, v4  }
0x4c: {  	v6, _, _ =	vpop (xrf2)  }
0x4d: {  	v2 =	vsub.f32 v6, v2;
	_ =	sdelay $0x1  }
0x4e: {  	[tilespmem:$0x1250] =	vst v2  }
0x4f: {  	v2 =	vld.idx.msk [tilespmem:v5+s18+$0x0], $0xffff;
	_ =	sdelay $0x1  }
0x50: {  	v5 =	vor.u32 $0x1, v3;
	_ =	sdelay $0x2  }
0x51: {  	v2 =	vsub.f32 v6, v2;
	_ =	sdelay $0x1  }
0x52: {  	[tilespmem:v5+s19+$0x0] =	vst.idx.add.f32.msk vm1, v2  }
0x53: {  	v2 =	vld [tilespmem:s31+$0xB00];
	_ =	sdelay $0x4  }
0x54: {  	(xrf2) =	vadd.scan.msk.f32 $0xffff, v2;
	_ =	sdelay $0x8  }
0x55: {  	v5 =	vadd.s32 $0x80000020, v4  }
0x56: {  	v6, _, _ =	vpop (xrf2)  }
0x57: {  	v2 =	vsub.f32 v6, v2;
	_ =	sdelay $0x1  }
0x58: {  	[tilespmem:$0x1260] =	vst v2  }
0x59: {  	v2 =	vld.idx.msk [tilespmem:v5+s18+$0x0], $0xffff;
	_ =	sdelay $0x1  }
0x5a: {  	v5 =	vor.u32 $0x2, v3;
	_ =	sdelay $0x2  }
0x5b: {  	v2 =	vsub.f32 v6, v2;
	_ =	sdelay $0x1  }
0x5c: {  	[tilespmem:v5+s19+$0x0] =	vst.idx.add.f32.msk vm1, v2  }
0x5d: {  	v2 =	vld [tilespmem:s31+$0xEA0];
	_ =	sdelay $0x4  }
0x5e: {  	(xrf2) =	vadd.scan.msk.f32 $0xffff, v2;
	_ =	sdelay $0x8  }
0x5f: {  	v4 =	vadd.s32 $0x80000030, v4  }
0x60: {  	v5, _, _ =	vpop (xrf2)  }
0x61: {  	v2 =	vsub.f32 v5, v2;
	_ =	sdelay $0x1  }
0x62: {  	[tilespmem:$0x1270] =	vst v2  }
0x63: {  	v2 =	vld.idx.msk [tilespmem:v4+s18+$0x0], $0xffff;
	_ =	sdelay $0x1  }
0x64: {  	v3 =	vor.u32 $0x3, v3;
	_ =	sdelay $0x2  }
0x65: {  	v2 =	vsub.f32 v5, v2;
	_ =	sdelay $0x1  }
0x66: {  	[tilespmem:v3+s19+$0x0] =	vst.idx.add.f32.msk vm1, v2  }
0x67: {  	v2 =	vld [tilespmem:s31+$0x20]  }
0x68: {  	v3 =	vld [tilespmem:s31+$0x3D0]  }
0x69: {  	v4 =	vld [tilespmem:s31+$0x1F];
	_ =	sdelay $0x4  }
0x6a: {  	(xrf2) =	vadd.scan.msk.f32 $0xffff, v3;
	vm1 =	veq.s32 v2, v4  }
0x6b: {  	v4 =	vsel vm1, $0x80000000, v1  }
0x6c: {  	(xrf0) =	vmax.scan.msk.u32 $0xffff, v4;
	_ =	sdelay $0x5  }
0x6d: {  	v4, _, _ =	vpop (xrf0)  }
0x6e: {  	v5 =	vld [tilespmem:s31+$0x21];
	v6 =	vadd.s32 $0x80000040, v4  }
0x6f: {  	v7, _, _ =	vpop (xrf2)  }
0x70: {  	v3 =	vsub.f32 v7, v3;
	_ =	sdelay $0x1  }
0x71: {  	[tilespmem:$0x1280] =	vst v3  }
0x72: {  	vm1 =	vne.s32 v2, v5;
	v3 =	vld.idx.msk [tilespmem:v6+s18+$0x0], $0xffff  }
0x73: {  	vm1 =	vmor vm1, vm0  }
0x74: {  	v5 =	vshll.u32 v2, $0x2;
	_ =	sdelay $0x2  }
0x75: {  	v2 =	vsub.f32 v7, v3;
	_ =	sdelay $0x1  }
0x76: {  	[tilespmem:v5+s19+$0x0] =	vst.idx.add.f32.msk vm1, v2  }
0x77: {  	v2 =	vld [tilespmem:s31+$0x770];
	_ =	sdelay $0x4  }
0x78: {  	(xrf2) =	vadd.scan.msk.f32 $0xffff, v2;
	_ =	sdelay $0x8  }
0x79: {  	v3 =	vadd.s32 $0x80000050, v4  }
0x7a: {  	v6, _, _ =	vpop (xrf2)  }
0x7b: {  	v2 =	vsub.f32 v6, v2;
	_ =	sdelay $0x1  }
0x7c: {  	[tilespmem:$0x1290] =	vst v2  }
0x7d: {  	v2 =	vld.idx.msk [tilespmem:v3+s18+$0x0], $0xffff;
	_ =	sdelay $0x1  }
0x7e: {  	v3 =	vor.u32 $0x1, v5;
	_ =	sdelay $0x2  }
0x7f: {  	v2 =	vsub.f32 v6, v2;
	_ =	sdelay $0x1  }
0x80: {  	[tilespmem:v3+s19+$0x0] =	vst.idx.add.f32.msk vm1, v2  }
0x81: {  	v2 =	vld [tilespmem:s31+$0xB10];
	_ =	sdelay $0x4  }
0x82: {  	(xrf2) =	vadd.scan.msk.f32 $0xffff, v2;
	_ =	sdelay $0x8  }
0x83: {  	v3 =	vadd.s32 $0x80000060, v4  }
0x84: {  	v6, _, _ =	vpop (xrf2)  }
0x85: {  	v2 =	vsub.f32 v6, v2;
	_ =	sdelay $0x1  }
0x86: {  	[tilespmem:$0x12A0] =	vst v2  }
0x87: {  	v2 =	vld.idx.msk [tilespmem:v3+s18+$0x0], $0xffff;
	_ =	sdelay $0x1  }
0x88: {  	v3 =	vor.u32 $0x2, v5;
	_ =	sdelay $0x2  }
0x89: {  	v2 =	vsub.f32 v6, v2;
	_ =	sdelay $0x1  }
0x8a: {  	[tilespmem:v3+s19+$0x0] =	vst.idx.add.f32.msk vm1, v2  }
0x8b: {  	v3 =	vld [tilespmem:s31+$0xEB0];
	_ =	sdelay $0x4  }
0x8c: {  	(xrf2) =	vadd.scan.msk.f32 $0xffff, v3;
	_ =	sdelay $0x8  }
0x8d: {  	v4 =	vadd.s32 $0x80000070, v4  }
0x8e: {  	v2, _, _ =	vpop (xrf2)  }
0x8f: {  	v3 =	vsub.f32 v2, v3;
	_ =	sdelay $0x1  }
0x90: {  	[tilespmem:$0x12B0] =	vst v3  }
0x91: {  	v4 =	vld.idx.msk [tilespmem:v4+s18+$0x0], $0xffff  }
0x92: {  	s26 =	simm.s32 $0x80;
	v3 =	vor.u32 $0x3, v5  }
.LBB2_4:
0x93: {  	p0 =	sne.s32 s26, $0xE00;
	s28 =	smov.u32 s26;
	s26 =	sadd.s32 $0x80, s26  }
0x94: {  	_ =	sdelay $0x1  }
0x95: {  	v2 =	vsub.f32 v2, v4;
	_ =	sdelay $0x1  }
0x96: {  	s28 =	sshra.s32 s28, $0x2;
	[tilespmem:v3+s19+$0x0] =	vst.idx.add.f32.msk vm1, v2  }
0x97: {  	v2 =	vld [tilespmem:s28+$0x11]  }
0x98: {  	v3 =	vld [tilespmem:s28+$0x3C0]  }
0x99: {  	v4 =	vld [tilespmem:s28+$0x10]  }
0x9a: {  	v5 =	vld [tilespmem:s28+$0xF];
	_ =	sdelay $0x3  }
0x9b: {  	vm1 =	vne.s32 v4, v2  }
0x9c: {  	vm2 =	veq.s32 v4, v5;
	(xrf2) =	vadd.scan.msk.f32 $0xffff, v3  }
0x9d: {  	v2 =	vsel vm2, $0x80000000, v1  }
0x9e: {  	(xrf0) =	vmax.scan.msk.u32 $0xffff, v2;
	_ =	sdelay $0x5  }
0x9f: {  	v2, _, _ =	vpop (xrf0)  }
0xa0: {  	v5 =	vxor.u32 $0x80000000, v2  }
0xa1: {  	v6, _, _ =	vpop (xrf2)  }
0xa2: {  	v3 =	vsub.f32 v6, v3;
	_ =	sdelay $0x1  }
0xa3: {  	[tilespmem:$0x1240] =	vst v3  }
0xa4: {  	v3 =	vld.idx.msk [tilespmem:v5+s18+$0x0], $0xffff;
	_ =	sdelay $0x1  }
0xa5: {  	vm1 =	vmor vm1, vm0  }
0xa6: {  	v4 =	vshll.u32 v4, $0x2;
	_ =	sdelay $0x2  }
0xa7: {  	v3 =	vsub.f32 v6, v3;
	_ =	sdelay $0x1  }
0xa8: {  	[tilespmem:v4+s19+$0x0] =	vst.idx.add.f32.msk vm1, v3  }
0xa9: {  	v3 =	vld [tilespmem:s28+$0x760];
	_ =	sdelay $0x4  }
0xaa: {  	(xrf2) =	vadd.scan.msk.f32 $0xffff, v3;
	_ =	sdelay $0x8  }
0xab: {  	v5 =	vadd.s32 $0x80000010, v2  }
0xac: {  	v6, _, _ =	vpop (xrf2)  }
0xad: {  	v3 =	vsub.f32 v6, v3;
	_ =	sdelay $0x1  }
0xae: {  	[tilespmem:$0x1250] =	vst v3  }
0xaf: {  	v3 =	vld.idx.msk [tilespmem:v5+s18+$0x0], $0xffff;
	_ =	sdelay $0x2  }
0xb0: {  	v5 =	vor.u32 $0x1, v4;
	_ =	sdelay $0x2  }
0xb1: {  	v3 =	vsub.f32 v6, v3;
	_ =	sdelay $0x1  }
0xb2: {  	[tilespmem:v5+s19+$0x0] =	vst.idx.add.f32.msk vm1, v3  }
0xb3: {  	v3 =	vld [tilespmem:s28+$0xB00];
	_ =	sdelay $0x4  }
0xb4: {  	(xrf2) =	vadd.scan.msk.f32 $0xffff, v3;
	_ =	sdelay $0x8  }
0xb5: {  	v5 =	vadd.s32 $0x80000020, v2  }
0xb6: {  	v6, _, _ =	vpop (xrf2)  }
0xb7: {  	v3 =	vsub.f32 v6, v3;
	_ =	sdelay $0x1  }
0xb8: {  	[tilespmem:$0x1260] =	vst v3  }
0xb9: {  	v3 =	vld.idx.msk [tilespmem:v5+s18+$0x0], $0xffff;
	_ =	sdelay $0x2  }
0xba: {  	v5 =	vor.u32 $0x2, v4;
	_ =	sdelay $0x2  }
0xbb: {  	v3 =	vsub.f32 v6, v3;
	_ =	sdelay $0x1  }
0xbc: {  	[tilespmem:v5+s19+$0x0] =	vst.idx.add.f32.msk vm1, v3  }
0xbd: {  	v3 =	vld [tilespmem:s28+$0xEA0];
	_ =	sdelay $0x4  }
0xbe: {  	(xrf2) =	vadd.scan.msk.f32 $0xffff, v3;
	_ =	sdelay $0x8  }
0xbf: {  	v2 =	vadd.s32 $0x80000030, v2  }
0xc0: {  	v5, _, _ =	vpop (xrf2)  }
0xc1: {  	v3 =	vsub.f32 v5, v3;
	_ =	sdelay $0x1  }
0xc2: {  	[tilespmem:$0x1270] =	vst v3  }
0xc3: {  	v2 =	vld.idx.msk [tilespmem:v2+s18+$0x0], $0xffff;
	_ =	sdelay $0x2  }
0xc4: {  	v3 =	vor.u32 $0x3, v4;
	_ =	sdelay $0x2  }
0xc5: {  	v2 =	vsub.f32 v5, v2;
	_ =	sdelay $0x1  }
0xc6: {  	[tilespmem:v3+s19+$0x0] =	vst.idx.add.f32.msk vm1, v2  }
0xc7: {  	v2 =	vld [tilespmem:s28+$0x20]  }
0xc8: {  	v3 =	vld [tilespmem:s28+$0x3D0]  }
0xc9: {  	v4 =	vld [tilespmem:s28+$0x1F]  }
0xca: {  	v5 =	vld [tilespmem:s28+$0x21];
	_ =	sdelay $0x2  }
0xcb: {  	(xrf2) =	vadd.scan.msk.f32 $0xffff, v3  }
0xcc: {  	vm1 =	veq.s32 v2, v4  }
0xcd: {  	vm2 =	vne.s32 v2, v5;
	v4 =	vsel vm1, $0x80000000, v1  }
0xce: {  	(xrf0) =	vmax.scan.msk.u32 $0xffff, v4;
	_ =	sdelay $0x5  }
0xcf: {  	v4, _, _ =	vpop (xrf0)  }
0xd0: {  	v5 =	vadd.s32 $0x80000040, v4;
	v6, _, _ =	vpop (xrf2)  }
0xd1: {  	v3 =	vsub.f32 v6, v3;
	_ =	sdelay $0x1  }
0xd2: {  	[tilespmem:$0x1280] =	vst v3;
	_ =	sdelay $0x1  }
0xd3: {  	v3 =	vld.idx.msk [tilespmem:v5+s18+$0x0], $0xffff  }
0xd4: {  	vm1 =	vmor vm2, vm0  }
0xd5: {  	v5 =	vshll.u32 v2, $0x2;
	_ =	sdelay $0x3  }
0xd6: {  	v2 =	vsub.f32 v6, v3;
	_ =	sdelay $0x1  }
0xd7: {  	[tilespmem:v5+s19+$0x0] =	vst.idx.add.f32.msk vm1, v2  }
0xd8: {  	v2 =	vld [tilespmem:s28+$0x770];
	_ =	sdelay $0x4  }
0xd9: {  	(xrf2) =	vadd.scan.msk.f32 $0xffff, v2;
	_ =	sdelay $0x7  }
0xda: {  	v3 =	vadd.s32 $0x80000050, v4;
	_ =	sdelay $0x1  }
0xdb: {  	v6, _, _ =	vpop (xrf2)  }
0xdc: {  	v2 =	vsub.f32 v6, v2;
	_ =	sdelay $0x1  }
0xdd: {  	[tilespmem:$0x1290] =	vst v2  }
0xde: {  	v2 =	vld.idx.msk [tilespmem:v3+s18+$0x0], $0xffff;
	_ =	sdelay $0x1  }
0xdf: {  	v3 =	vor.u32 $0x1, v5;
	_ =	sdelay $0x3  }
0xe0: {  	v2 =	vsub.f32 v6, v2;
	_ =	sdelay $0x1  }
0xe1: {  	[tilespmem:v3+s19+$0x0] =	vst.idx.add.f32.msk vm1, v2  }
0xe2: {  	v2 =	vld [tilespmem:s28+$0xB10];
	_ =	sdelay $0x4  }
0xe3: {  	(xrf2) =	vadd.scan.msk.f32 $0xffff, v2;
	_ =	sdelay $0x7  }
0xe4: {  	v3 =	vadd.s32 $0x80000060, v4;
	_ =	sdelay $0x1  }
0xe5: {  	v6, _, _ =	vpop (xrf2)  }
0xe6: {  	v2 =	vsub.f32 v6, v2;
	_ =	sdelay $0x1  }
0xe7: {  	[tilespmem:$0x12A0] =	vst v2  }
0xe8: {  	v2 =	vld.idx.msk [tilespmem:v3+s18+$0x0], $0xffff;
	_ =	sdelay $0x1  }
0xe9: {  	v3 =	vor.u32 $0x2, v5;
	_ =	sdelay $0x3  }
0xea: {  	v2 =	vsub.f32 v6, v2;
	_ =	sdelay $0x1  }
0xeb: {  	[tilespmem:v3+s19+$0x0] =	vst.idx.add.f32.msk vm1, v2  }
0xec: {  	v3 =	vld [tilespmem:s28+$0xEB0];
	_ =	sdelay $0x4  }
0xed: {  	(xrf2) =	vadd.scan.msk.f32 $0xffff, v3;
	_ =	sdelay $0x7  }
0xee: {  	v4 =	vadd.s32 $0x80000070, v4;
	_ =	sdelay $0x1  }
0xef: {  	v2, _, _ =	vpop (xrf2)  }
0xf0: {  	v3 =	vsub.f32 v2, v3  }
.Ltmp1:
0xf1: {  	(pc) =	sbr.rel @p0 .LBB2_4-.Ltmp1, $3  }
0xf2: {  	[tilespmem:$0x12B0] =	vst v3  }
0xf3: {  	v4 =	vld.idx.msk [tilespmem:v4+s18+$0x0], $0xffff;
	_ =	sdelay $0x1  }
0xf4: {  	v3 =	vor.u32 $0x3, v5  }
0xf5: {  	_ =	sdelay $0x2  }
0xf6: {  	v2 =	vsub.f32 v2, v4;
	_ =	sdelay $0x1  }
0xf7: {  	[tilespmem:v3+s19+$0x0] =	vst.idx.add.f32.msk vm1, v2  }
0xf8: {  	[spmem:s8] =	stream.linear.scatter [tilespmem:s19], [sflag:$0x2], $0x1000, $0x38;
	[tilespmem:$0x43C0] =	vst v63  }
0xf9: {  	_ =	swait.ge [sflag:s20], $0x1000  }
0xfa: {  	[sflag:s20] =	ssyncset.done $0x0  }
0xfb: {  	[sflag:s20] =	ssyncadd.s32 $0xFFFFF000  }
0xfc: {  	[bflag:$0x0] =	sbarrier.arrive $0xFFFF  }
0xfd: {  	[tilespmem:s23], [sflag:$0x2] =	stream.strided.gather [spmem:s9], $0x1000, s22, s21, $0x38;
	[tilespmem:$0x43C0] =	vst v63  }
0xfe: {  	_ =	swait.ge [sflag:s20], $0x1000  }
0xff: {  	[sflag:s20] =	ssyncset.done $0x0  }
0x100: {  	s28 =	simm.s32 $0x0;
	[sflag:s20] =	ssyncadd.s32 $0xFFFFF000  }
0x101: {  	v2 =	vld [tilespmem:s28+$0x22C0]  }
0x102: {  	v3 =	vld [tilespmem:s28+$0x23C0];
	_ =	sdelay $0x1  }
0x103: {  	v4 =	vld [tilespmem:s28+$0x24C0];
	_ =	sdelay $0x1  }
0x104: {  	v5 =	vld [tilespmem:s28+$0x25C0]  }
0x105: {  	v2 =	vadd.f32 v3, v2  }
0x106: {  	v3 =	vld [tilespmem:s28+$0x26C0]  }
0x107: {  	v2 =	vadd.f32 v4, v2  }
0x108: {  	v4 =	vld [tilespmem:s28+$0x27C0]  }
0x109: {  	v2 =	vadd.f32 v5, v2  }
0x10a: {  	v5 =	vld [tilespmem:s28+$0x28C0]  }
0x10b: {  	v2 =	vadd.f32 v3, v2  }
0x10c: {  	v3 =	vld [tilespmem:s28+$0x29C0]  }
0x10d: {  	s26 =	simm.s32 $0x10;
	v6 =	vld [tilespmem:s28+$0x2AC0];
	v2 =	vadd.f32 v4, v2  }
0x10e: {  	v7 =	vld [tilespmem:s26+$0x22C0]  }
0x10f: {  	v4 =	vld [tilespmem:s28+$0x2BC0];
	v2 =	vadd.f32 v5, v2  }
0x110: {  	v5 =	vld [tilespmem:s26+$0x23C0]  }
0x111: {  	v8 =	vld [tilespmem:s26+$0x24C0];
	v2 =	vadd.f32 v3, v2  }
0x112: {  	v3 =	vld [tilespmem:s28+$0x2CC0]  }
0x113: {  	v9 =	vld [tilespmem:s26+$0x25C0];
	v2 =	vadd.f32 v6, v2  }
0x114: {  	v6 =	vld [tilespmem:s28+$0x2DC0]  }
0x115: {  	v5 =	vadd.f32 v5, v7;
	v7 =	vld [tilespmem:s26+$0x26C0];
	v2 =	vadd.f32 v4, v2  }
0x116: {  	v4 =	vld [tilespmem:s28+$0x2EC0]  }
0x117: {  	v5 =	vadd.f32 v8, v5;
	v8 =	vld [tilespmem:s26+$0x27C0];
	v2 =	vadd.f32 v3, v2  }
0x118: {  	v3 =	vld [tilespmem:s28+$0x2FC0]  }
0x119: {  	v10 =	vld [tilespmem:s26+$0x28C0];
	v5 =	vadd.f32 v9, v5;
	v2 =	vadd.f32 v6, v2  }
0x11a: {  	v9 =	vld [tilespmem:s28+$0x30C0]  }
0x11b: {  	v6 =	vadd.f32 v7, v5;
	v5 =	vld [tilespmem:s26+$0x29C0];
	v7 =	vadd.f32 v4, v2  }
0x11c: {  	v4 =	vld [tilespmem:s28+$0x31C0]  }
0x11d: {  	v2 =	vld [tilespmem:s26+$0x2BC0];
	v8 =	vadd.f32 v8, v6;
	v11 =	vadd.f32 v3, v7  }
0x11e: {  	s29 =	simm.s32 $0x20;
	v6 =	vld [tilespmem:s26+$0x2AC0]  }
0x11f: {  	s30 =	simm.s32 $0xC0;
	v3 =	vld [tilespmem:s29+$0x22C0];
	v7 =	vadd.f32 v10, v8;
	v8 =	vadd.f32 v9, v11  }
.LBB2_6:
0x120: {  	p0 =	sne.s32 s30, $0x3C0;
	v9 =	vld [tilespmem:s29+$0x23C0]  }
0x121: {  	v5 =	vadd.f32 v5, v7;
	v7 =	vld [tilespmem:s26+$0x2CC0];
	v4 =	vadd.f32 v4, v8  }
0x122: {  	v8 =	vld [tilespmem:s29+$0x24C0]  }
0x123: {  	v5 =	vadd.f32 v6, v5;
	v6 =	vld [tilespmem:s26+$0x2DC0];
	[tilespmem:s28+$0x32C0] =	vst v4;
	s28 =	smov.u32 s26;
	s26 =	smov.u32 s29  }
0x124: {  	v4 =	vld [tilespmem:s26+$0x25C0]  }
0x125: {  	v3 =	vadd.f32 v9, v3;
	v2 =	vadd.f32 v2, v5;
	v5 =	vld [tilespmem:s28+$0x2EC0]  }
0x126: {  	v9 =	vld [tilespmem:s26+$0x26C0]  }
0x127: {  	v3 =	vadd.f32 v8, v3;
	v2 =	vadd.f32 v7, v2;
	v7 =	vld [tilespmem:s28+$0x2FC0]  }
0x128: {  	v8 =	vld [tilespmem:s26+$0x27C0]  }
0x129: {  	v3 =	vadd.f32 v4, v3;
	v2 =	vadd.f32 v6, v2;
	v10 =	vld [tilespmem:s28+$0x30C0]  }
0x12a: {  	v11 =	vld [tilespmem:s26+$0x28C0]  }
.Ltmp2:
0x12b: {  	v3 =	vadd.f32 v9, v3;
	v6 =	vadd.f32 v5, v2;
	v4 =	vld [tilespmem:s28+$0x31C0];
	(pc) =	sbr.rel @p0 .LBB2_6-.Ltmp2, $4  }
0x12c: {  	v5 =	vld [tilespmem:s26+$0x29C0]  }
0x12d: {  	v8 =	vadd.f32 v8, v3;
	v2 =	vld [tilespmem:s26+$0x2BC0];
	v9 =	vadd.f32 v7, v6  }
0x12e: {  	s29 =	sshra.s32 s30, $0x2;
	v6 =	vld [tilespmem:s26+$0x2AC0]  }
0x12f: {  	s30 =	sadd.s32 $0x40, s30;
	v3 =	vld [tilespmem:s29+$0x22C0];
	v7 =	vadd.f32 v11, v8;
	v8 =	vadd.f32 v10, v9  }
0x130: {  	v9 =	vld [tilespmem:s29+$0x23C0]  }
0x131: {  	v10 =	vld [tilespmem:s26+$0x2CC0];
	v4 =	vadd.f32 v4, v8  }
0x132: {  	v49 =	vld [tilespmem:s29+$0x24C0]  }
0x133: {  	v11 =	vld [tilespmem:s26+$0x2DC0];
	v5 =	vadd.f32 v5, v7;
	[tilespmem:s28+$0x32C0] =	vst v4  }
0x134: {  	v4 =	vld [tilespmem:s29+$0x25C0]  }
0x135: {  	v5 =	vadd.f32 v6, v5;
	v3 =	vadd.f32 v9, v3  }
0x136: {  	v50 =	vld [tilespmem:s29+$0x26C0]  }
0x137: {  	v51 =	vld [tilespmem:s26+$0x2EC0];
	v2 =	vadd.f32 v2, v5;
	v3 =	vadd.f32 v49, v3  }
0x138: {  	v52 =	vld [tilespmem:s29+$0x27C0]  }
0x139: {  	v53 =	vld [tilespmem:s26+$0x2FC0];
	v2 =	vadd.f32 v10, v2;
	v3 =	vadd.f32 v4, v3  }
0x13a: {  	v54 =	vld [tilespmem:s29+$0x28C0]  }
0x13b: {  	v55 =	vld [tilespmem:s26+$0x30C0];
	v2 =	vadd.f32 v11, v2;
	v3 =	vadd.f32 v50, v3  }
0x13c: {  	v56 =	vld [tilespmem:s29+$0x29C0]  }
0x13d: {  	v57 =	vld [tilespmem:s26+$0x31C0];
	v2 =	vadd.f32 v51, v2;
	v3 =	vadd.f32 v52, v3  }
0x13e: {  	v58 =	vld [tilespmem:s29+$0x2AC0]  }
0x13f: {  	v2 =	vadd.f32 v53, v2;
	v3 =	vadd.f32 v54, v3  }
0x140: {  	v59 =	vld [tilespmem:s29+$0x2BC0]  }
0x141: {  	v2 =	vadd.f32 v55, v2;
	v3 =	vadd.f32 v56, v3  }
0x142: {  	v60 =	vld [tilespmem:s29+$0x2CC0]  }
0x143: {  	v2 =	vadd.f32 v57, v2;
	v3 =	vadd.f32 v58, v3  }
0x144: {  	v61 =	vld [tilespmem:s29+$0x2DC0]  }
0x145: {  	[tilespmem:s26+$0x32C0] =	vst v2;
	v2 =	vadd.f32 v59, v3  }
0x146: {  	v3 =	vld [tilespmem:s29+$0x2EC0]  }
0x147: {  	v2 =	vadd.f32 v60, v2  }
0x148: {  	v62 =	vld [tilespmem:s29+$0x2FC0]  }
0x149: {  	v2 =	vadd.f32 v61, v2  }
0x14a: {  	v63 =	vld [tilespmem:s29+$0x30C0]  }
0x14b: {  	v2 =	vadd.f32 v3, v2  }
0x14c: {  	v3 =	vld [tilespmem:s29+$0x31C0]  }
0x14d: {  	v2 =	vadd.f32 v62, v2;
	_ =	sdelay $0x1  }
0x14e: {  	v2 =	vadd.f32 v63, v2;
	_ =	sdelay $0x1  }
0x14f: {  	s25 =	sadd.s32 $0x1, s25;
	v2 =	vadd.f32 v3, v2  }
0x150: {  	p0 =	sne.s32 s25, s11  }
.Ltmp3:
0x151: {  	[tilespmem:s29+$0x32C0] =	vst v2;
	(pc) =	sbr.rel @p0 .LBB2_1-.Ltmp3, $4  }
0x152: {  	[hbm4b:s10+s2] =	stream.linear.scatter [tilespmem:s24], [sflag:$0x2], $0x100, $0x38;
	[tilespmem:$0x43C0] =	vst v63  }
0x153: {  	_ =	swait.ge [sflag:s20], $0x100  }
0x154: {  	[sflag:s20] =	ssyncset.done $0x0  }
0x155: {  	[sflag:s20] =	ssyncadd.s32 $0xFFFFFF00  }
0x156: {  	_ =	sfence.sel $0x180000  }
0x157: {  	[bflag:$0x0] =	sbarrier.arrive $0xFFFF  }
0x158: {  	p0 =	sne.s32 s1, $0x0;
	_ =	strace $0x9000004D  }
0x159: {  	s0 =	sadd.s32 @!p0 $0x100000, s0;
	[bflag:$0x2] =	sbarrier.arrive $0xFFFF  }
0x15a: {  	[sflag:s0] =	ssyncadd.tile.s32 @!p0 $0x1;
	_ =	shalt  }
.Lfunc_end2:
_tile_overlayer_lowered:
.L_overlay_start_2:
0x15b: {  	(tag) =	ssettag $0x2  }
0x15c: {  	s0 =	rddreg [dreg:$0x0];
	s2 =	stileid.u32  }
0x15d: {  	s1 =	rddreg [dreg:$0x1];
	p0 =	sne.s32 s2, $0x0  }
0x15e: {  	s3 =	rddreg [dreg:$0x2];
	[bflag:$0x3] =	sbarrier.arrive $0xFFFF;
	s2 =	simm.s32 @!p0 $0x1C02  }
0x15f: {  	[timem:s3], [sflag:s2] =	dma.local @!p0 [hbm:s0], s1  }
0x160: {  	s0 =	simm.s32 @!p0 $0x2  }
0x161: {  	_ =	swait.ge @!p0 [sflag:s0], s1  }
0x162: {  	s1 =	ssub.s32 @!p0 $0x0, s1;
	[sflag:s0] =	ssyncset.done @!p0 $0x0  }
0x163: {  	[sflag:s0] =	ssyncadd.s32 @!p0 s1  }
0x164: {  	[bflag:$0x3] =	sbarrier.arrive $0xFFFF  }
0x165: {  	_ =	shalt  }

// kernel: kernel.8.cloned.1.call-start
scs
__scs_entry_jumppad:
0x0: {  	(pc) =	sbr.rel $0x88, $3  }
0x1: {  	(tag) =	ssettag $0x0;
	lr =	simm.s32 $0x1  }
0x2: {  	[smem:$0x3F9C] =	sst lr;
	_ =	strace $0xD0000000  }
0x3: {  	_ = 	snop  }
0x4: {  	_ = 	snop  }
0x5: {  	_ = 	snop  }
0x6: {  	_ = 	snop  }
0x7: {  	_ = 	snop  }
__scs_overlays_trampoline_lowered:
0x8: {  	[smem:$0x3FAB] =	sst s0  }
0x9: {  	[smem:$0x3FAC] =	sst s1  }
0xa: {  	[smem:$0x3FAD] =	sst s2  }
0xb: {  	[smem:$0x3FAE] =	sst s3  }
0xc: {  	[smem:$0x3FAF] =	sst s4  }
0xd: {  	[smem:$0x3FB0] =	sst s5  }
0xe: {  	[smem:$0x3FB1] =	sst s6  }
0xf: {  	[smem:$0x3FB2] =	sst s7  }
0x10: {  	[smem:$0x3FB3] =	sst s8  }
0x11: {  	[smem:$0x3FB4] =	sst s9;
	s0 =	simm.s32 @!p0 $0x0  }
0x12: {  	s1 =	sld [smem:$0x3F9A];
	s0 =	simm.s32 @p0 $0x1  }
0x13: {  	[smem:$0x3FB5] =	sst s0;
	s0 =	simm.s32 @!p1 $0x0  }
0x14: {  	s2 =	sld [smem:$0x3F99];
	s0 =	simm.s32 @p1 $0x1  }
0x15: {  	[smem:$0x3FB6] =	sst s0;
	s0 =	simm.s32 @!p2 $0x0  }
0x16: {  	s3 =	sld [smem:$0x3FDB];
	s0 =	simm.s32 @p2 $0x1  }
0x17: {  	s4 =	simm.s32 $0x1BF5;
	[smem:$0x3FB8] =	sst s0  }
0x18: {  	s0 =	sld [smem:$0x3F9B];
	_ =	swait.ge [sflag:s4], $0x0  }
0x19: {  	s7 =	sld [smem:$0x3F9C]  }
0x1a: {  	s8 =	sadd.s32 $0xFFFFE003, lr  }
0x1b: {  	s9 =	sadd.s32 $0xFFFFFEF7, lr;
	s5 =	simm.s32 $0xFFFFFFFF;
	p2 =	slt.u32 s8, $0xFFFFF086  }
0x1c: {  	p1 =	slt.u32 s9, $0xF7A;
	s5 =	simm.s32 @!p2 $0x0  }
0x1d: {  	s5 =	simm.s32 @p1 $0x1;
	p0 =	seq.s32 s7, s2  }
0x1e: {  	s7 =	smul.u32 @!p0 $0xF7A, s2;
	p2 =	seq.s32 @!p0 s5, $0x0  }
0x1f: {  	s9 =	smul.u32 $0xF7A, s1;
	s8 =	simm.s32 @!p0 $0x1BF5;
	p2 =	por !p2, p0  }
0x20: {  	[sflag:s8] =	ssyncset.s32 @!p0 $0xFFFFF086;
	s6 =	sadd.s32 @!p0 s3, s7;
	s7 =	simm.s32 @!p0 $0x108  }
0x21: {  	s3 =	sadd.s32 s3, s9;
	s6 =	sadd.s32 @!p0 $0x88, s6;
	s7 =	simm.s32 @p2 $0x1082  }
0x22: {  	[simem:s7], [sflag:s8] =	dma.local @!p0 [hbm:s6], $0xF7A  }
0x23: {  	s9 =	sor.u32 $0xD0000000, s2;
	s6 =	simm.s32 $0x108;
	_ =	swait.ge @!p0 [sflag:s8], $0x0  }
0x24: {  	s3 =	sadd.s32 $0x88, s3;
	s6 =	simm.s32 @!p1 $0x1082;
	[sflag:s4] =	ssyncset.s32 $0xFFFFF086  }
0x25: {  	[simem:s6], [sflag:s4] =	dma.local [hbm:s3], $0xF7A  }
0x26: {  	[smem:$0x3F9C] =	sst s1;
	(tag) =	ssettag s2;
	_ =	strace s9  }
0x27: {  	s1 =	sld [smem:$0x3FAC]  }
0x28: {  	s2 =	sld [smem:$0x3FAD]  }
0x29: {  	s4 =	sld [smem:$0x3FAF]  }
0x2a: {  	p0 =	seq.s32 s5, $0x0;
	s5 =	sld [smem:$0x3FB0]  }
0x2b: {  	s6 =	sld [smem:$0x3FB1]  }
0x2c: {  	s7 =	sld [smem:$0x3FB2]  }
0x2d: {  	s3 =	simm.s32 $0x108;
	s8 =	sld [smem:$0x3FB3]  }
0x2e: {  	s3 =	simm.s32 @!p0 $0x1082;
	s9 =	sld [smem:$0x3FB4]  }
0x2f: {  	lr =	sadd.s32 s0, s3;
	s0 =	sld [smem:$0x3FAB]  }
0x30: {  	s3 =	sld [smem:$0x3FAE]  }
0x31: {  	[smem:$0x3FB7] =	sst s10  }
0x32: {  	s10 =	sld [smem:$0x3FB5];
	_ =	sdelay $0x3  }
0x33: {  	p0 =	seq.s32 s10, $0x1;
	s10 =	sld [smem:$0x3FB7];
	_ =	sdelay $0x3  }
0x34: {  	[smem:$0x3FB7] =	sst s10  }
0x35: {  	s10 =	sld [smem:$0x3FB6];
	_ =	sdelay $0x3  }
0x36: {  	p1 =	seq.s32 s10, $0x1;
	s10 =	sld [smem:$0x3FB7];
	_ =	sdelay $0x3  }
0x37: {  	[smem:$0x3FB7] =	sst s10  }
0x38: {  	s10 =	sld [smem:$0x3FB8]  }
0x39: {  	_ = 	snop;
	(pc) =	sbr.ind lr, $3  }
0x3a: {  	_ = 	snop  }
0x3b: {  	_ = 	snop  }
0x3c: {  	p2 =	seq.s32 s10, $0x1;
	s10 =	sld [smem:$0x3FB7]  }
0x3d: {  	_ =	shalt  }
0x3e: {  	_ =	shalt  }
0x3f: {  	_ =	shalt  }
0x40: {  	_ =	shalt  }
0x41: {  	_ =	shalt  }
0x42: {  	_ =	shalt  }
0x43: {  	_ =	shalt  }
0x44: {  	_ =	shalt  }
0x45: {  	_ =	shalt  }
0x46: {  	_ =	shalt  }
0x47: {  	_ =	shalt  }
0x48: {  	_ =	shalt  }
0x49: {  	_ =	shalt  }
0x4a: {  	_ =	shalt  }
0x4b: {  	_ =	shalt  }
0x4c: {  	_ =	shalt  }
0x4d: {  	_ =	shalt  }
0x4e: {  	_ =	shalt  }
0x4f: {  	_ =	shalt  }
0x50: {  	_ =	shalt  }
0x51: {  	_ =	shalt  }
0x52: {  	_ =	shalt  }
0x53: {  	_ =	shalt  }
0x54: {  	_ =	shalt  }
0x55: {  	_ =	shalt  }
0x56: {  	_ =	shalt  }
0x57: {  	_ =	shalt  }
0x58: {  	_ =	shalt  }
0x59: {  	_ =	shalt  }
0x5a: {  	_ =	shalt  }
0x5b: {  	_ =	shalt  }
0x5c: {  	_ =	shalt  }
0x5d: {  	_ =	shalt  }
0x5e: {  	_ =	shalt  }
0x5f: {  	_ =	shalt  }
0x60: {  	_ =	shalt  }
0x61: {  	_ =	shalt  }
0x62: {  	_ =	shalt  }
0x63: {  	_ =	shalt  }
0x64: {  	_ =	shalt  }
0x65: {  	_ =	shalt  }
0x66: {  	_ =	shalt  }
0x67: {  	_ =	shalt  }
0x68: {  	_ =	shalt  }
0x69: {  	_ =	shalt  }
0x6a: {  	_ =	shalt  }
0x6b: {  	_ =	shalt  }
0x6c: {  	_ =	shalt  }
0x6d: {  	_ =	shalt  }
0x6e: {  	_ =	shalt  }
0x6f: {  	_ =	shalt  }
0x70: {  	_ =	shalt  }
0x71: {  	_ =	shalt  }
0x72: {  	_ =	shalt  }
0x73: {  	_ =	shalt  }
0x74: {  	_ =	shalt  }
0x75: {  	_ =	shalt  }
0x76: {  	_ =	shalt  }
0x77: {  	_ =	shalt  }
0x78: {  	_ =	shalt  }
0x79: {  	_ =	shalt  }
0x7a: {  	_ =	shalt  }
0x7b: {  	_ =	shalt  }
0x7c: {  	_ =	shalt  }
0x7d: {  	_ =	shalt  }
0x7e: {  	_ =	shalt  }
0x7f: {  	_ =	shalt  }
0x80: {  	_ =	shalt  }
0x81: {  	_ =	shalt  }
0x82: {  	_ =	shalt  }
0x83: {  	_ =	shalt  }
0x84: {  	_ =	shalt  }
0x85: {  	_ =	shalt  }
0x86: {  	_ =	shalt  }
0x87: {  	_ =	shalt  }
.Lfunc_end0:
.L_simem_size_0:
called_computation_lowered:
.L_overlay_start_0:
0x88: {  	s2 =	sld [smem:$0x3FD9]  }
0x89: {  	s3 =	sld [smem:$0x3FFE];
	_ =	sdelay $0x1  }
0x8a: {  	s1 =	srdreg.scid  }
0x8b: {  	s0 =	sand.u32 $0x1, s1  }
0x8c: {  	s16 =	sshll.u32 s0, $0xA;
	s2 =	sadd.s32 s3, s2  }
0x8d: {  	s2 =	sadd.s32 s2, s16  }
0x8e: {  	[smem:$0x3FC3] =	sst s2  }
0x8f: {  	_ = 	snop  }
0x90: {  	(tm) =	ssettm $0x1  }
0x91: {  	s17 =	sld [smem:$0x3FFB];
	_ =	sdelay $0x3  }
0x92: {  	_ =	strace s17  }
0x93: {  	s2 =	sld [smem:$0x3FFC];
	_ =	sdelay $0x3  }
0x94: {  	_ =	strace s2  }
0x95: {  	s2 =	sld [smem:$0x3FFD];
	_ =	sdelay $0x3  }
0x96: {  	_ =	strace s2  }
0x97: {  	_ =	strace $0x8FFFFFFF  }
0x98: {  	s18 =	sld [smem:$0x3FDB];
	_ =	sdelay $0x1  }
0x99: {  	s19 =	simm.s32 $_scs_section_size  }
0x9a: {  	s4 =	simm.s32 $_size__tile_overlayer_lowered;
	s5 =	simm.s32 $_tile_overlayer_lowered  }
0x9b: {  	s22 =	simm.s32 $0x1BFF;
	s21 =	sshll.u32 s5, $0x1;
	s2 =	sadd.s32 s19, s18  }
0x9c: {  	s6 =	simm.s32 $0x0;
	s20 =	sshll.u32 s4, $0x1;
	s4 =	sadd.s32 s21, s2  }
0x9d: {  	[timem:s6], [sflag:s22] =	dma.local [hbm:s4], s20  }
0x9e: {  	_ =	swait.ge [sflag:s22], s20  }
0x9f: {  	s3 =	ssub.s32 $0x0, s20;
	[sflag:s22] =	ssyncset.done $0x0  }
0xa0: {  	[sflag:s22] =	ssyncadd.s32 s3;
	_ =	sdelay $0x1  }
0xa1: {  	s23 =	simm.s32 $0x1B8B  }
0xa2: {  	_ =	swait.ge [sflag:s23], $0x1  }
0xa3: {  	[sflag:s23] =	ssyncset.done $0x0  }
0xa4: {  	s25 =	simm.s32 $0x1B8E;
	s24 =	sld [smem:$0x3FFE];
	[sflag:s23] =	ssyncadd.s32 $0xFFFFFFFF  }
0xa5: {  	s26 =	simm.s32 $execute0_lowered;
	[smem:$0x3FD2] =	sst s25  }
0xa6: {  	s4 =	sshll.u32 s26, $0x1;
	_ =	strace $0x80000046;
	[dreg:$0x1] =	wrdreg $0xFFFFFFFF  }
0xa7: {  	s28 =	simm.s32 $_size_execute0_lowered;
	s2 =	sadd.s32 s2, s4;
	[dreg:$0x0] =	wrdreg $0x0  }
0xa8: {  	s4 =	sshll.u32 s28, $0x1;
	[dreg:$0x2] =	wrdreg s2  }
0xa9: {  	[dreg:$0x3] =	wrdreg s4  }
0xaa: {  	[dreg:$0x4] =	wrdreg $0xC0  }
0xab: {  	_ =	task [dreg:s6], $0x5FFFF  }
0xac: {  	[dreg:$0x1] =	wrdreg $0xFFFFFFFF  }
0xad: {  	[dreg:$0x0] =	wrdreg $0x60  }
0xae: {  	[dreg:$0x2] =	wrdreg s24  }
0xaf: {  	[dreg:$0x3] =	wrdreg $0x49A00  }
0xb0: {  	[dreg:$0x4] =	wrdreg $0x9  }
0xb1: {  	_ =	task.clear_ibuf [dreg:s6], $0x5FFFF;
	_ =	strace $0x90000046  }
0xb2: {  	s29 =	simm.s32 $0x9;
	_ =	strace $0x80000048  }
0xb3: {  	_ =	swait.ge [sflag:s29], $0x1  }
0xb4: {  	[sflag:s29] =	ssyncadd.s32 $0xFFFFFFFF  }
0xb5: {  	_ =	strace $0x90000048  }
0xb6: {  	_ =	sfence  }
0xb7: {  	s30 =	sld [smem:$0x0];
	_ =	sdelay $0x2  }
0xb8: {  	s31 =	sshll.u32 s1, $0xD;
	s1 =	sshrl.u32 s1, $0x2  }
0xb9: {  	s3 =	sand.u32 $0x4000, s31;
	s1 =	sadd.s32 s1, s30  }
0xba: {  	s0 =	sor.u32 s3, s0;
	s1 =	sshll.u32 s1, $0x11  }
0xbb: {  	s0 =	sor.u32 s1, s0  }
0xbc: {  	s0 =	sadd.s32 $0x8F2B, s0  }
0xbd: {  	[sflag:s0] =	ssyncadd.remote.s32 $0x1  }
0xbe: {  	_ =	sfence.sel $0xFFFF  }
0xbf: {  	[dreg:$0x0] =	wrdreg $0xFFFFFFFF;
	(pc) =	sbr.abs _section_cstart, $3  }
0xc0: {  	[dreg:$0x1] =	wrdreg $0xFFFFFFFF  }
0xc1: {  	_ =	task.clear_ibuf [dreg:s6], $0x2FFFF;
	_ =	strace $0x9FFFFFFF  }
0xc2: {  	(tm) =	ssettm $0x7FFFFFFF  }
0xc3: {  	_ =	shalt  }
tec
execute0_lowered:
.L_overlay_start_1:
0x0: {  	(tag) =	ssettag $0x1  }
0x1: {  	s3 =	rddreg [dreg:$0x0]  }
0x2: {  	s9 =	rddreg [dreg:$0x1];
	s2 =	srdreg.scid  }
0x3: {  	s0 =	rddreg [dreg:$0x2];
	s1 =	stileid.u32;
	s13 =	simm.s32 $0x820  }
0x4: {  	s14 =	simm.s32 $0x1020;
	s15 =	simm.s32 $0x1820;
	s16 =	simm.s32 $0x2020  }
0x5: {  	s17 =	simm.s32 $0x1;
	s18 =	simm.s32 $0x2820;
	s19 =	simm.s32 $0x28A0  }
0x6: {  	s20 =	simm.s32 $0x2;
	s21 =	simm.s32 $0x100;
	s22 =	simm.s32 $0x1000  }
0x7: {  	s23 =	simm.s32 $0x38A0;
	s24 =	simm.s32 $0x48A0;
	s25 =	simm.s32 $0x0  }
0x8: {  	s4 =	sand.u32 $0x1, s2;
	s2 =	simm.s32 $0x0;
	s10 =	sshll.u32 s1, $0x8  }
0x9: {  	s31 =	sshll.u32 s1, $0xC;
	s5 =	sshll.u32 s4, $0xC;
	[smem:$0x7FF] =	sst s2  }
0xa: {  	s4 =	ssub.s32 $0x2, s4;
	s5 =	sor.u32 s10, s5;
	_ =	strace $0x80000047  }
0xb: {  	s7 =	sshrl.u32 s4, $0x1;
	s6 =	sshrl.u32 s5, $0x3;
	s8 =	sadd.s32 s5, s3  }
0xc: {  	s12 =	ssub.s32 s4, s7;
	s11 =	sadd.s32 s6, s3;
	s3 =	sadd.s32 $0x2A00, s8  }
0xd: {  	s4 =	sadd.s32 $0x6A00, s8;
	s5 =	sadd.s32 $0x8A00, s8;
	s6 =	sadd.s32 $0xAA00, s8  }
0xe: {  	v1 =	vlaneseq.u32;
	s7 =	sadd.s32 $0xCA00, s8;
	s8 =	sadd.s32 s31, s9;
	s9 =	sadd.s32 s10, s9  }
0xf: {  	v0 =	vimm.f32 $0.0e+00;
	vm0 =	vcmask $0x3F3C;
	v1 =	vor.u32 $0x80000000, v1;
	s10 =	sadd.s32 $0xEA00, s11;
	s11 =	smax.u32 s12, $0x1;
	s12 =	simm.s32 $0x10  }
.LBB2_1:
0x10: {  	[tilespmem:s12], [sflag:$0x1] =	stream.linear.gather [hbm4b:s3+s2], $0x800, $0x38;
	[tilespmem:$0x59A0] =	vst v63  }
0x11: {  	_ = 	snop  }
0x12: {  	[tilespmem:s13], [sflag:$0x1] =	stream.linear.gather [hbm4b:s4+s2], $0x800, $0x38;
	[tilespmem:$0x59A0] =	vst v63  }
0x13: {  	_ = 	snop  }
0x14: {  	[tilespmem:s14], [sflag:$0x1] =	stream.linear.gather [hbm4b:s5+s2], $0x800, $0x38;
	[tilespmem:$0x59A0] =	vst v63  }
0x15: {  	_ = 	snop  }
0x16: {  	[tilespmem:s15], [sflag:$0x1] =	stream.linear.gather [hbm4b:s6+s2], $0x800, $0x38;
	[tilespmem:$0x59A0] =	vst v63  }
0x17: {  	s26 =	simm.s32 $0x0;
	s28 =	simm.s32 $0x200  }
0x18: {  	[tilespmem:s16], [sflag:$0x1] =	stream.linear.gather [hbm4b:s7+s2], $0x800, $0x38;
	[tilespmem:$0x59A0] =	vst v63  }
.LBB2_2:
0x19: {  	p0 =	sne.s32 s28, $0x3E00;
	[tilespmem:s26+$0x2910] =	vst v0  }
0x1a: {  	[tilespmem:s26+$0x28A0] =	vst v0  }
0x1b: {  	[tilespmem:s26+$0x28B0] =	vst v0  }
.Ltmp0:
0x1c: {  	[tilespmem:s26+$0x28C0] =	vst v0;
	(pc) =	sbr.rel @p0 .LBB2_2-.Ltmp0, $4  }
0x1d: {  	[tilespmem:s26+$0x28D0] =	vst v0  }
0x1e: {  	[tilespmem:s26+$0x28E0] =	vst v0  }
0x1f: {  	[tilespmem:s26+$0x28F0] =	vst v0  }
0x20: {  	[tilespmem:s26+$0x2900] =	vst v0;
	s26 =	sshra.s32 s28, $0x2;
	s28 =	sadd.s32 $0x200, s28  }
0x21: {  	[tilespmem:s26+$0x2910] =	vst v0  }
0x22: {  	[tilespmem:s26+$0x28A0] =	vst v0  }
0x23: {  	[tilespmem:s26+$0x28B0] =	vst v0  }
0x24: {  	[tilespmem:s26+$0x28C0] =	vst v0  }
0x25: {  	[tilespmem:s26+$0x28D0] =	vst v0  }
0x26: {  	[tilespmem:s26+$0x28E0] =	vst v0  }
0x27: {  	[tilespmem:s26+$0x28F0] =	vst v0  }
0x28: {  	[tilespmem:s26+$0x2900] =	vst v0  }
0x29: {  	_ =	swait.ge [sflag:s17], $0x800  }
0x2a: {  	[sflag:s17] =	ssyncset.done $0x0  }
0x2b: {  	[sflag:s17] =	ssyncadd.s32 $0xFFFFF800  }
0x2c: {  	_ =	swait.ge [sflag:s17], $0x800  }
0x2d: {  	[sflag:s17] =	ssyncset.done $0x0  }
0x2e: {  	[sflag:s17] =	ssyncadd.s32 $0xFFFFF800  }
0x2f: {  	_ =	swait.ge [sflag:s17], $0x800  }
0x30: {  	[sflag:s17] =	ssyncset.done $0x0  }
0x31: {  	[sflag:s17] =	ssyncadd.s32 $0xFFFFF800  }
0x32: {  	_ =	swait.ge [sflag:s17], $0x800  }
0x33: {  	[sflag:s17] =	ssyncset.done $0x0  }
0x34: {  	[sflag:s17] =	ssyncadd.s32 $0xFFFFF800  }
0x35: {  	_ =	swait.ge [sflag:s17], $0x800  }
0x36: {  	[sflag:s17] =	ssyncset.done $0x0  }
0x37: {  	s31 =	simm.s32 $0x0;
	[sflag:s17] =	ssyncadd.s32 $0xFFFFF800  }
0x38: {  	v2 =	vld [tilespmem:s31+$0x820]  }
0x39: {  	v3 =	vld [tilespmem:s31+$0x10]  }
0x3a: {  	v4 =	vld [tilespmem:s31+$0xF];
	_ =	sdelay $0x4  }
0x3b: {  	vm1 =	veq.s32 v3, v4;
	(xrf2) =	vadd.scan.msk.f32 $0xffff, v2  }
0x3c: {  	v4 =	vsel vm1, $0x80000000, v1  }
0x3d: {  	(xrf0) =	vmax.scan.msk.u32 $0xffff, v4;
	_ =	sdelay $0x5  }
0x3e: {  	v4, _, _ =	vpop (xrf0)  }
0x3f: {  	v5 =	vld [tilespmem:s31+$0x11];
	v6 =	vxor.u32 $0x80000000, v4  }
0x40: {  	v7, _, _ =	vpop (xrf2)  }
0x41: {  	v2 =	vsub.f32 v7, v2;
	_ =	sdelay $0x1  }
0x42: {  	[tilespmem:$0x2820] =	vst v2  }
0x43: {  	vm1 =	vne.s32 v3, v5;
	v2 =	vld.idx.msk [tilespmem:v6+s18+$0x0], $0xffff  }
0x44: {  	vm1 =	vmor vm1, vm0  }
0x45: {  	v3 =	vshll.u32 v3, $0x2;
	_ =	sdelay $0x2  }
0x46: {  	v2 =	vsub.f32 v7, v2;
	_ =	sdelay $0x1  }
0x47: {  	[tilespmem:v3+s19+$0x0] =	vst.idx.add.f32.msk vm1, v2  }
0x48: {  	v2 =	vld [tilespmem:s31+$0x1020];
	_ =	sdelay $0x4  }
0x49: {  	(xrf2) =	vadd.scan.msk.f32 $0xffff, v2;
	_ =	sdelay $0x8  }
0x4a: {  	v5 =	vadd.s32 $0x80000010, v4  }
0x4b: {  	v6, _, _ =	vpop (xrf2)  }
0x4c: {  	v2 =	vsub.f32 v6, v2;
	_ =	sdelay $0x1  }
0x4d: {  	[tilespmem:$0x2830] =	vst v2  }
0x4e: {  	v2 =	vld.idx.msk [tilespmem:v5+s18+$0x0], $0xffff;
	_ =	sdelay $0x1  }
0x4f: {  	v5 =	vor.u32 $0x1, v3;
	_ =	sdelay $0x2  }
0x50: {  	v2 =	vsub.f32 v6, v2;
	_ =	sdelay $0x1  }
0x51: {  	[tilespmem:v5+s19+$0x0] =	vst.idx.add.f32.msk vm1, v2  }
0x52: {  	v2 =	vld [tilespmem:s31+$0x1820];
	_ =	sdelay $0x4  }
0x53: {  	(xrf2) =	vadd.scan.msk.f32 $0xffff, v2;
	_ =	sdelay $0x8  }
0x54: {  	v5 =	vadd.s32 $0x80000020, v4  }
0x55: {  	v6, _, _ =	vpop (xrf2)  }
0x56: {  	v2 =	vsub.f32 v6, v2;
	_ =	sdelay $0x1  }
0x57: {  	[tilespmem:$0x2840] =	vst v2  }
0x58: {  	v2 =	vld.idx.msk [tilespmem:v5+s18+$0x0], $0xffff;
	_ =	sdelay $0x1  }
0x59: {  	v5 =	vor.u32 $0x2, v3;
	_ =	sdelay $0x2  }
0x5a: {  	v2 =	vsub.f32 v6, v2;
	_ =	sdelay $0x1  }
0x5b: {  	[tilespmem:v5+s19+$0x0] =	vst.idx.add.f32.msk vm1, v2  }
0x5c: {  	v2 =	vld [tilespmem:s31+$0x2020];
	_ =	sdelay $0x4  }
0x5d: {  	(xrf2) =	vadd.scan.msk.f32 $0xffff, v2;
	_ =	sdelay $0x8  }
0x5e: {  	v4 =	vadd.s32 $0x80000030, v4  }
0x5f: {  	v5, _, _ =	vpop (xrf2)  }
0x60: {  	v2 =	vsub.f32 v5, v2;
	_ =	sdelay $0x1  }
0x61: {  	[tilespmem:$0x2850] =	vst v2  }
0x62: {  	v2 =	vld.idx.msk [tilespmem:v4+s18+$0x0], $0xffff;
	_ =	sdelay $0x1  }
0x63: {  	v3 =	vor.u32 $0x3, v3;
	_ =	sdelay $0x2  }
0x64: {  	v2 =	vsub.f32 v5, v2;
	_ =	sdelay $0x1  }
0x65: {  	[tilespmem:v3+s19+$0x0] =	vst.idx.add.f32.msk vm1, v2  }
0x66: {  	v2 =	vld [tilespmem:s31+$0x20]  }
0x67: {  	v3 =	vld [tilespmem:s31+$0x830]  }
0x68: {  	v4 =	vld [tilespmem:s31+$0x1F];
	_ =	sdelay $0x4  }
0x69: {  	(xrf2) =	vadd.scan.msk.f32 $0xffff, v3;
	vm1 =	veq.s32 v2, v4  }
0x6a: {  	v4 =	vsel vm1, $0x80000000, v1  }
0x6b: {  	(xrf0) =	vmax.scan.msk.u32 $0xffff, v4;
	_ =	sdelay $0x5  }
0x6c: {  	v4, _, _ =	vpop (xrf0)  }
0x6d: {  	v5 =	vld [tilespmem:s31+$0x21];
	v6 =	vadd.s32 $0x80000040, v4  }
0x6e: {  	v7, _, _ =	vpop (xrf2)  }
0x6f: {  	v3 =	vsub.f32 v7, v3;
	_ =	sdelay $0x1  }
0x70: {  	[tilespmem:$0x2860] =	vst v3  }
0x71: {  	vm1 =	vne.s32 v2, v5;
	v3 =	vld.idx.msk [tilespmem:v6+s18+$0x0], $0xffff  }
0x72: {  	vm1 =	vmor vm1, vm0  }
0x73: {  	v5 =	vshll.u32 v2, $0x2;
	_ =	sdelay $0x2  }
0x74: {  	v2 =	vsub.f32 v7, v3;
	_ =	sdelay $0x1  }
0x75: {  	[tilespmem:v5+s19+$0x0] =	vst.idx.add.f32.msk vm1, v2  }
0x76: {  	v2 =	vld [tilespmem:s31+$0x1030];
	_ =	sdelay $0x4  }
0x77: {  	(xrf2) =	vadd.scan.msk.f32 $0xffff, v2;
	_ =	sdelay $0x8  }
0x78: {  	v3 =	vadd.s32 $0x80000050, v4  }
0x79: {  	v6, _, _ =	vpop (xrf2)  }
0x7a: {  	v2 =	vsub.f32 v6, v2;
	_ =	sdelay $0x1  }
0x7b: {  	[tilespmem:$0x2870] =	vst v2  }
0x7c: {  	v2 =	vld.idx.msk [tilespmem:v3+s18+$0x0], $0xffff;
	_ =	sdelay $0x1  }
0x7d: {  	v3 =	vor.u32 $0x1, v5;
	_ =	sdelay $0x2  }
0x7e: {  	v2 =	vsub.f32 v6, v2;
	_ =	sdelay $0x1  }
0x7f: {  	[tilespmem:v3+s19+$0x0] =	vst.idx.add.f32.msk vm1, v2  }
0x80: {  	v2 =	vld [tilespmem:s31+$0x1830];
	_ =	sdelay $0x4  }
0x81: {  	(xrf2) =	vadd.scan.msk.f32 $0xffff, v2;
	_ =	sdelay $0x8  }
0x82: {  	v3 =	vadd.s32 $0x80000060, v4  }
0x83: {  	v6, _, _ =	vpop (xrf2)  }
0x84: {  	v2 =	vsub.f32 v6, v2;
	_ =	sdelay $0x1  }
0x85: {  	[tilespmem:$0x2880] =	vst v2  }
0x86: {  	v2 =	vld.idx.msk [tilespmem:v3+s18+$0x0], $0xffff;
	_ =	sdelay $0x1  }
0x87: {  	v3 =	vor.u32 $0x2, v5;
	_ =	sdelay $0x2  }
0x88: {  	v2 =	vsub.f32 v6, v2;
	_ =	sdelay $0x1  }
0x89: {  	[tilespmem:v3+s19+$0x0] =	vst.idx.add.f32.msk vm1, v2  }
0x8a: {  	v3 =	vld [tilespmem:s31+$0x2030];
	_ =	sdelay $0x4  }
0x8b: {  	(xrf2) =	vadd.scan.msk.f32 $0xffff, v3;
	_ =	sdelay $0x8  }
0x8c: {  	v4 =	vadd.s32 $0x80000070, v4  }
0x8d: {  	v2, _, _ =	vpop (xrf2)  }
0x8e: {  	v3 =	vsub.f32 v2, v3;
	_ =	sdelay $0x1  }
0x8f: {  	[tilespmem:$0x2890] =	vst v3  }
0x90: {  	v4 =	vld.idx.msk [tilespmem:v4+s18+$0x0], $0xffff  }
0x91: {  	s26 =	simm.s32 $0x80;
	v3 =	vor.u32 $0x3, v5  }
.LBB2_4:
0x92: {  	p0 =	sne.s32 s26, $0x1F80;
	s28 =	smov.u32 s26;
	s26 =	sadd.s32 $0x80, s26  }
0x93: {  	_ =	sdelay $0x1  }
0x94: {  	v2 =	vsub.f32 v2, v4;
	_ =	sdelay $0x1  }
0x95: {  	s28 =	sshra.s32 s28, $0x2;
	[tilespmem:v3+s19+$0x0] =	vst.idx.add.f32.msk vm1, v2  }
0x96: {  	v2 =	vld [tilespmem:s28+$0x11]  }
0x97: {  	v3 =	vld [tilespmem:s28+$0x820]  }
0x98: {  	v4 =	vld [tilespmem:s28+$0x10]  }
0x99: {  	v5 =	vld [tilespmem:s28+$0xF];
	_ =	sdelay $0x3  }
0x9a: {  	vm1 =	vne.s32 v4, v2  }
0x9b: {  	vm2 =	veq.s32 v4, v5;
	(xrf2) =	vadd.scan.msk.f32 $0xffff, v3  }
0x9c: {  	v2 =	vsel vm2, $0x80000000, v1  }
0x9d: {  	(xrf0) =	vmax.scan.msk.u32 $0xffff, v2;
	_ =	sdelay $0x5  }
0x9e: {  	v2, _, _ =	vpop (xrf0)  }
0x9f: {  	v5 =	vxor.u32 $0x80000000, v2  }
0xa0: {  	v6, _, _ =	vpop (xrf2)  }
0xa1: {  	v3 =	vsub.f32 v6, v3;
	_ =	sdelay $0x1  }
0xa2: {  	[tilespmem:$0x2820] =	vst v3  }
0xa3: {  	v3 =	vld.idx.msk [tilespmem:v5+s18+$0x0], $0xffff;
	_ =	sdelay $0x1  }
0xa4: {  	vm1 =	vmor vm1, vm0  }
0xa5: {  	v4 =	vshll.u32 v4, $0x2;
	_ =	sdelay $0x2  }
0xa6: {  	v3 =	vsub.f32 v6, v3;
	_ =	sdelay $0x1  }
0xa7: {  	[tilespmem:v4+s19+$0x0] =	vst.idx.add.f32.msk vm1, v3  }
0xa8: {  	v3 =	vld [tilespmem:s28+$0x1020];
	_ =	sdelay $0x4  }
0xa9: {  	(xrf2) =	vadd.scan.msk.f32 $0xffff, v3;
	_ =	sdelay $0x8  }
0xaa: {  	v5 =	vadd.s32 $0x80000010, v2  }
0xab: {  	v6, _, _ =	vpop (xrf2)  }
0xac: {  	v3 =	vsub.f32 v6, v3;
	_ =	sdelay $0x1  }
0xad: {  	[tilespmem:$0x2830] =	vst v3  }
0xae: {  	v3 =	vld.idx.msk [tilespmem:v5+s18+$0x0], $0xffff;
	_ =	sdelay $0x2  }
0xaf: {  	v5 =	vor.u32 $0x1, v4;
	_ =	sdelay $0x2  }
0xb0: {  	v3 =	vsub.f32 v6, v3;
	_ =	sdelay $0x1  }
0xb1: {  	[tilespmem:v5+s19+$0x0] =	vst.idx.add.f32.msk vm1, v3  }
0xb2: {  	v3 =	vld [tilespmem:s28+$0x1820];
	_ =	sdelay $0x4  }
0xb3: {  	(xrf2) =	vadd.scan.msk.f32 $0xffff, v3;
	_ =	sdelay $0x8  }
0xb4: {  	v5 =	vadd.s32 $0x80000020, v2  }
0xb5: {  	v6, _, _ =	vpop (xrf2)  }
0xb6: {  	v3 =	vsub.f32 v6, v3;
	_ =	sdelay $0x1  }
0xb7: {  	[tilespmem:$0x2840] =	vst v3  }
0xb8: {  	v3 =	vld.idx.msk [tilespmem:v5+s18+$0x0], $0xffff;
	_ =	sdelay $0x2  }
0xb9: {  	v5 =	vor.u32 $0x2, v4;
	_ =	sdelay $0x2  }
0xba: {  	v3 =	vsub.f32 v6, v3;
	_ =	sdelay $0x1  }
0xbb: {  	[tilespmem:v5+s19+$0x0] =	vst.idx.add.f32.msk vm1, v3  }
0xbc: {  	v3 =	vld [tilespmem:s28+$0x2020];
	_ =	sdelay $0x4  }
0xbd: {  	(xrf2) =	vadd.scan.msk.f32 $0xffff, v3;
	_ =	sdelay $0x8  }
0xbe: {  	v2 =	vadd.s32 $0x80000030, v2  }
0xbf: {  	v5, _, _ =	vpop (xrf2)  }
0xc0: {  	v3 =	vsub.f32 v5, v3;
	_ =	sdelay $0x1  }
0xc1: {  	[tilespmem:$0x2850] =	vst v3  }
0xc2: {  	v2 =	vld.idx.msk [tilespmem:v2+s18+$0x0], $0xffff;
	_ =	sdelay $0x2  }
0xc3: {  	v3 =	vor.u32 $0x3, v4;
	_ =	sdelay $0x2  }
0xc4: {  	v2 =	vsub.f32 v5, v2;
	_ =	sdelay $0x1  }
0xc5: {  	[tilespmem:v3+s19+$0x0] =	vst.idx.add.f32.msk vm1, v2  }
0xc6: {  	v2 =	vld [tilespmem:s28+$0x20]  }
0xc7: {  	v3 =	vld [tilespmem:s28+$0x830]  }
0xc8: {  	v4 =	vld [tilespmem:s28+$0x1F]  }
0xc9: {  	v5 =	vld [tilespmem:s28+$0x21];
	_ =	sdelay $0x2  }
0xca: {  	(xrf2) =	vadd.scan.msk.f32 $0xffff, v3  }
0xcb: {  	vm1 =	veq.s32 v2, v4  }
0xcc: {  	vm2 =	vne.s32 v2, v5;
	v4 =	vsel vm1, $0x80000000, v1  }
0xcd: {  	(xrf0) =	vmax.scan.msk.u32 $0xffff, v4;
	_ =	sdelay $0x5  }
0xce: {  	v4, _, _ =	vpop (xrf0)  }
0xcf: {  	v5 =	vadd.s32 $0x80000040, v4;
	v6, _, _ =	vpop (xrf2)  }
0xd0: {  	v3 =	vsub.f32 v6, v3;
	_ =	sdelay $0x1  }
0xd1: {  	[tilespmem:$0x2860] =	vst v3;
	_ =	sdelay $0x1  }
0xd2: {  	v3 =	vld.idx.msk [tilespmem:v5+s18+$0x0], $0xffff  }
0xd3: {  	vm1 =	vmor vm2, vm0  }
0xd4: {  	v5 =	vshll.u32 v2, $0x2;
	_ =	sdelay $0x3  }
0xd5: {  	v2 =	vsub.f32 v6, v3;
	_ =	sdelay $0x1  }
0xd6: {  	[tilespmem:v5+s19+$0x0] =	vst.idx.add.f32.msk vm1, v2  }
0xd7: {  	v2 =	vld [tilespmem:s28+$0x1030];
	_ =	sdelay $0x4  }
0xd8: {  	(xrf2) =	vadd.scan.msk.f32 $0xffff, v2;
	_ =	sdelay $0x7  }
0xd9: {  	v3 =	vadd.s32 $0x80000050, v4;
	_ =	sdelay $0x1  }
0xda: {  	v6, _, _ =	vpop (xrf2)  }
0xdb: {  	v2 =	vsub.f32 v6, v2;
	_ =	sdelay $0x1  }
0xdc: {  	[tilespmem:$0x2870] =	vst v2  }
0xdd: {  	v2 =	vld.idx.msk [tilespmem:v3+s18+$0x0], $0xffff;
	_ =	sdelay $0x1  }
0xde: {  	v3 =	vor.u32 $0x1, v5;
	_ =	sdelay $0x3  }
0xdf: {  	v2 =	vsub.f32 v6, v2;
	_ =	sdelay $0x1  }
0xe0: {  	[tilespmem:v3+s19+$0x0] =	vst.idx.add.f32.msk vm1, v2  }
0xe1: {  	v2 =	vld [tilespmem:s28+$0x1830];
	_ =	sdelay $0x4  }
0xe2: {  	(xrf2) =	vadd.scan.msk.f32 $0xffff, v2;
	_ =	sdelay $0x7  }
0xe3: {  	v3 =	vadd.s32 $0x80000060, v4;
	_ =	sdelay $0x1  }
0xe4: {  	v6, _, _ =	vpop (xrf2)  }
0xe5: {  	v2 =	vsub.f32 v6, v2;
	_ =	sdelay $0x1  }
0xe6: {  	[tilespmem:$0x2880] =	vst v2  }
0xe7: {  	v2 =	vld.idx.msk [tilespmem:v3+s18+$0x0], $0xffff;
	_ =	sdelay $0x1  }
0xe8: {  	v3 =	vor.u32 $0x2, v5;
	_ =	sdelay $0x3  }
0xe9: {  	v2 =	vsub.f32 v6, v2;
	_ =	sdelay $0x1  }
0xea: {  	[tilespmem:v3+s19+$0x0] =	vst.idx.add.f32.msk vm1, v2  }
0xeb: {  	v3 =	vld [tilespmem:s28+$0x2030];
	_ =	sdelay $0x4  }
0xec: {  	(xrf2) =	vadd.scan.msk.f32 $0xffff, v3;
	_ =	sdelay $0x7  }
0xed: {  	v4 =	vadd.s32 $0x80000070, v4;
	_ =	sdelay $0x1  }
0xee: {  	v2, _, _ =	vpop (xrf2)  }
0xef: {  	v3 =	vsub.f32 v2, v3  }
.Ltmp1:
0xf0: {  	(pc) =	sbr.rel @p0 .LBB2_4-.Ltmp1, $3  }
0xf1: {  	[tilespmem:$0x2890] =	vst v3  }
0xf2: {  	v4 =	vld.idx.msk [tilespmem:v4+s18+$0x0], $0xffff;
	_ =	sdelay $0x1  }
0xf3: {  	v3 =	vor.u32 $0x3, v5  }
0xf4: {  	_ =	sdelay $0x2  }
0xf5: {  	v2 =	vsub.f32 v2, v4;
	_ =	sdelay $0x1  }
0xf6: {  	[tilespmem:v3+s19+$0x0] =	vst.idx.add.f32.msk vm1, v2  }
0xf7: {  	[spmem:s8] =	stream.linear.scatter [tilespmem:s19], [sflag:$0x2], $0x1000, $0x38;
	[tilespmem:$0x59A0] =	vst v63  }
0xf8: {  	_ =	swait.ge [sflag:s20], $0x1000  }
0xf9: {  	[sflag:s20] =	ssyncset.done $0x0  }
0xfa: {  	[sflag:s20] =	ssyncadd.s32 $0xFFFFF000  }
0xfb: {  	[bflag:$0x0] =	sbarrier.arrive $0xFFFF  }
0xfc: {  	[tilespmem:s23], [sflag:$0x2] =	stream.strided.gather [spmem:s9], $0x1000, s22, s21, $0x38;
	[tilespmem:$0x59A0] =	vst v63  }
0xfd: {  	_ =	swait.ge [sflag:s20], $0x1000  }
0xfe: {  	[sflag:s20] =	ssyncset.done $0x0  }
0xff: {  	s28 =	simm.s32 $0x0;
	[sflag:s20] =	ssyncadd.s32 $0xFFFFF000  }
0x100: {  	v2 =	vld [tilespmem:s28+$0x38A0]  }
0x101: {  	v3 =	vld [tilespmem:s28+$0x39A0];
	_ =	sdelay $0x1  }
0x102: {  	v4 =	vld [tilespmem:s28+$0x3AA0];
	_ =	sdelay $0x1  }
0x103: {  	v5 =	vld [tilespmem:s28+$0x3BA0]  }
0x104: {  	v2 =	vadd.f32 v3, v2  }
0x105: {  	v3 =	vld [tilespmem:s28+$0x3CA0]  }
0x106: {  	v2 =	vadd.f32 v4, v2  }
0x107: {  	v4 =	vld [tilespmem:s28+$0x3DA0]  }
0x108: {  	v2 =	vadd.f32 v5, v2  }
0x109: {  	v5 =	vld [tilespmem:s28+$0x3EA0]  }
0x10a: {  	v2 =	vadd.f32 v3, v2  }
0x10b: {  	v3 =	vld [tilespmem:s28+$0x3FA0]  }
0x10c: {  	s26 =	simm.s32 $0x10;
	v6 =	vld [tilespmem:s28+$0x40A0];
	v2 =	vadd.f32 v4, v2  }
0x10d: {  	v7 =	vld [tilespmem:s26+$0x38A0]  }
0x10e: {  	v4 =	vld [tilespmem:s28+$0x41A0];
	v2 =	vadd.f32 v5, v2  }
0x10f: {  	v5 =	vld [tilespmem:s26+$0x39A0]  }
0x110: {  	v8 =	vld [tilespmem:s26+$0x3AA0];
	v2 =	vadd.f32 v3, v2  }
0x111: {  	v3 =	vld [tilespmem:s28+$0x42A0]  }
0x112: {  	v9 =	vld [tilespmem:s26+$0x3BA0];
	v2 =	vadd.f32 v6, v2  }
0x113: {  	v6 =	vld [tilespmem:s28+$0x43A0]  }
0x114: {  	v5 =	vadd.f32 v5, v7;
	v7 =	vld [tilespmem:s26+$0x3CA0];
	v2 =	vadd.f32 v4, v2  }
0x115: {  	v4 =	vld [tilespmem:s28+$0x44A0]  }
0x116: {  	v5 =	vadd.f32 v8, v5;
	v8 =	vld [tilespmem:s26+$0x3DA0];
	v2 =	vadd.f32 v3, v2  }
0x117: {  	v3 =	vld [tilespmem:s28+$0x45A0]  }
0x118: {  	v10 =	vld [tilespmem:s26+$0x3EA0];
	v5 =	vadd.f32 v9, v5;
	v2 =	vadd.f32 v6, v2  }
0x119: {  	v9 =	vld [tilespmem:s28+$0x46A0]  }
0x11a: {  	v6 =	vadd.f32 v7, v5;
	v5 =	vld [tilespmem:s26+$0x3FA0];
	v7 =	vadd.f32 v4, v2  }
0x11b: {  	v4 =	vld [tilespmem:s28+$0x47A0]  }
0x11c: {  	v2 =	vld [tilespmem:s26+$0x41A0];
	v8 =	vadd.f32 v8, v6;
	v11 =	vadd.f32 v3, v7  }
0x11d: {  	s29 =	simm.s32 $0x20;
	v6 =	vld [tilespmem:s26+$0x40A0]  }
0x11e: {  	s30 =	simm.s32 $0xC0;
	v3 =	vld [tilespmem:s29+$0x38A0];
	v7 =	vadd.f32 v10, v8;
	v8 =	vadd.f32 v9, v11  }
.LBB2_6:
0x11f: {  	p0 =	sne.s32 s30, $0x3C0;
	v9 =	vld [tilespmem:s29+$0x39A0]  }
0x120: {  	v5 =	vadd.f32 v5, v7;
	v7 =	vld [tilespmem:s26+$0x42A0];
	v4 =	vadd.f32 v4, v8  }
0x121: {  	v8 =	vld [tilespmem:s29+$0x3AA0]  }
0x122: {  	v5 =	vadd.f32 v6, v5;
	v6 =	vld [tilespmem:s26+$0x43A0];
	[tilespmem:s28+$0x48A0] =	vst v4;
	s28 =	smov.u32 s26;
	s26 =	smov.u32 s29  }
0x123: {  	v4 =	vld [tilespmem:s26+$0x3BA0]  }
0x124: {  	v3 =	vadd.f32 v9, v3;
	v2 =	vadd.f32 v2, v5;
	v5 =	vld [tilespmem:s28+$0x44A0]  }
0x125: {  	v9 =	vld [tilespmem:s26+$0x3CA0]  }
0x126: {  	v3 =	vadd.f32 v8, v3;
	v2 =	vadd.f32 v7, v2;
	v7 =	vld [tilespmem:s28+$0x45A0]  }
0x127: {  	v8 =	vld [tilespmem:s26+$0x3DA0]  }
0x128: {  	v3 =	vadd.f32 v4, v3;
	v2 =	vadd.f32 v6, v2;
	v10 =	vld [tilespmem:s28+$0x46A0]  }
0x129: {  	v11 =	vld [tilespmem:s26+$0x3EA0]  }
.Ltmp2:
0x12a: {  	v3 =	vadd.f32 v9, v3;
	v6 =	vadd.f32 v5, v2;
	v4 =	vld [tilespmem:s28+$0x47A0];
	(pc) =	sbr.rel @p0 .LBB2_6-.Ltmp2, $4  }
0x12b: {  	v5 =	vld [tilespmem:s26+$0x3FA0]  }
0x12c: {  	v8 =	vadd.f32 v8, v3;
	v2 =	vld [tilespmem:s26+$0x41A0];
	v9 =	vadd.f32 v7, v6  }
0x12d: {  	s29 =	sshra.s32 s30, $0x2;
	v6 =	vld [tilespmem:s26+$0x40A0]  }
0x12e: {  	s30 =	sadd.s32 $0x40, s30;
	v3 =	vld [tilespmem:s29+$0x38A0];
	v7 =	vadd.f32 v11, v8;
	v8 =	vadd.f32 v10, v9  }
0x12f: {  	v9 =	vld [tilespmem:s29+$0x39A0]  }
0x130: {  	v10 =	vld [tilespmem:s26+$0x42A0];
	v4 =	vadd.f32 v4, v8  }
0x131: {  	v49 =	vld [tilespmem:s29+$0x3AA0]  }
0x132: {  	v11 =	vld [tilespmem:s26+$0x43A0];
	v5 =	vadd.f32 v5, v7;
	[tilespmem:s28+$0x48A0] =	vst v4  }
0x133: {  	v4 =	vld [tilespmem:s29+$0x3BA0]  }
0x134: {  	v5 =	vadd.f32 v6, v5;
	v3 =	vadd.f32 v9, v3  }
0x135: {  	v50 =	vld [tilespmem:s29+$0x3CA0]  }
0x136: {  	v51 =	vld [tilespmem:s26+$0x44A0];
	v2 =	vadd.f32 v2, v5;
	v3 =	vadd.f32 v49, v3  }
0x137: {  	v52 =	vld [tilespmem:s29+$0x3DA0]  }
0x138: {  	v53 =	vld [tilespmem:s26+$0x45A0];
	v2 =	vadd.f32 v10, v2;
	v3 =	vadd.f32 v4, v3  }
0x139: {  	v54 =	vld [tilespmem:s29+$0x3EA0]  }
0x13a: {  	v55 =	vld [tilespmem:s26+$0x46A0];
	v2 =	vadd.f32 v11, v2;
	v3 =	vadd.f32 v50, v3  }
0x13b: {  	v56 =	vld [tilespmem:s29+$0x3FA0]  }
0x13c: {  	v57 =	vld [tilespmem:s26+$0x47A0];
	v2 =	vadd.f32 v51, v2;
	v3 =	vadd.f32 v52, v3  }
0x13d: {  	v58 =	vld [tilespmem:s29+$0x40A0]  }
0x13e: {  	v2 =	vadd.f32 v53, v2;
	v3 =	vadd.f32 v54, v3  }
0x13f: {  	v59 =	vld [tilespmem:s29+$0x41A0]  }
0x140: {  	v2 =	vadd.f32 v55, v2;
	v3 =	vadd.f32 v56, v3  }
0x141: {  	v60 =	vld [tilespmem:s29+$0x42A0]  }
0x142: {  	v2 =	vadd.f32 v57, v2;
	v3 =	vadd.f32 v58, v3  }
0x143: {  	v61 =	vld [tilespmem:s29+$0x43A0]  }
0x144: {  	[tilespmem:s26+$0x48A0] =	vst v2;
	v2 =	vadd.f32 v59, v3  }
0x145: {  	v3 =	vld [tilespmem:s29+$0x44A0]  }
0x146: {  	v2 =	vadd.f32 v60, v2  }
0x147: {  	v62 =	vld [tilespmem:s29+$0x45A0]  }
0x148: {  	v2 =	vadd.f32 v61, v2  }
0x149: {  	v63 =	vld [tilespmem:s29+$0x46A0]  }
0x14a: {  	v2 =	vadd.f32 v3, v2  }
0x14b: {  	v3 =	vld [tilespmem:s29+$0x47A0]  }
0x14c: {  	v2 =	vadd.f32 v62, v2;
	_ =	sdelay $0x1  }
0x14d: {  	v2 =	vadd.f32 v63, v2;
	_ =	sdelay $0x1  }
0x14e: {  	s25 =	sadd.s32 $0x1, s25;
	v2 =	vadd.f32 v3, v2  }
0x14f: {  	p0 =	sne.s32 s25, s11  }
.Ltmp3:
0x150: {  	[tilespmem:s29+$0x48A0] =	vst v2;
	(pc) =	sbr.rel @p0 .LBB2_1-.Ltmp3, $4  }
0x151: {  	[hbm4b:s10+s2] =	stream.linear.scatter [tilespmem:s24], [sflag:$0x2], $0x100, $0x38;
	[tilespmem:$0x59A0] =	vst v63  }
0x152: {  	_ =	swait.ge [sflag:s20], $0x100  }
0x153: {  	[sflag:s20] =	ssyncset.done $0x0  }
0x154: {  	[sflag:s20] =	ssyncadd.s32 $0xFFFFFF00  }
0x155: {  	_ =	sfence.sel $0x180000  }
0x156: {  	[bflag:$0x0] =	sbarrier.arrive $0xFFFF  }
0x157: {  	p0 =	sne.s32 s1, $0x0;
	_ =	strace $0x90000047  }
0x158: {  	s0 =	sadd.s32 @!p0 $0x100000, s0;
	[bflag:$0x2] =	sbarrier.arrive $0xFFFF  }
0x159: {  	[sflag:s0] =	ssyncadd.tile.s32 @!p0 $0x1;
	_ =	shalt  }
.Lfunc_end2:
_tile_overlayer_lowered:
.L_overlay_start_2:
0x15a: {  	(tag) =	ssettag $0x2  }
0x15b: {  	s0 =	rddreg [dreg:$0x0];
	s2 =	stileid.u32  }
0x15c: {  	s1 =	rddreg [dreg:$0x1];
	p0 =	sne.s32 s2, $0x0  }
0x15d: {  	s3 =	rddreg [dreg:$0x2];
	[bflag:$0x3] =	sbarrier.arrive $0xFFFF;
	s2 =	simm.s32 @!p0 $0x1C02  }
0x15e: {  	[timem:s3], [sflag:s2] =	dma.local @!p0 [hbm:s0], s1  }
0x15f: {  	s0 =	simm.s32 @!p0 $0x2  }
0x160: {  	_ =	swait.ge @!p0 [sflag:s0], s1  }
0x161: {  	s1 =	ssub.s32 @!p0 $0x0, s1;
	[sflag:s0] =	ssyncset.done @!p0 $0x0  }
0x162: {  	[sflag:s0] =	ssyncadd.s32 @!p0 s1  }
0x163: {  	[bflag:$0x3] =	sbarrier.arrive $0xFFFF  }
0x164: {  	_ =	shalt  }

</sc_bundles>
